<compile_context>
chip_gen: v7x
topology: tpu7x:2x2x1
jax: 0.10.2.dev20260603
libtpu: 0.0.44.dev20260713+nightly
codegen_flags: <defaults>
</compile_context>

<pallas_src>
import functools

import jax
import jax.numpy as jnp
from jax import lax
from jax.experimental import pallas as pl
from jax.experimental.pallas import tpu as pltpu
from jax.experimental.pallas import tpu_sc as plsc

N = 10000
E = 320000
D = 128
NC = 2
NS = 16
NW = NC * NS
CHUNK = 125
NCHUNK = (E // NW) // CHUNK
NCHUNK2 = (E // NS) // CHUNK
NBUF = 5
N_PAD = 10240
ROWS_SUB = N_PAD // NS
ZROWS = 128
DH = D // 2
DEG_PAD = 10240
DEG_SUB = DEG_PAD // NS
RB = 1000
G = N // RB
EPS = 1e-5

def _sc_deg_body(dstr, out, dst_v, ones_v, zb, acc, sem):
    del sem
    cid = lax.axis_index("c")
    sid = lax.axis_index("s")

    @pl.loop(0, CHUNK)
    def _(i):
        ones_v[i, :] = jnp.ones((16,), jnp.float32)

    @pl.loop(0, DEG_SUB)
    def _(i):
        zb[i, :] = jnp.zeros((16,), jnp.float32)

    pltpu.sync_copy(dstr.at[sid, pl.ds(cid * NCHUNK, NCHUNK)], dst_v)
    pltpu.sync_copy(zb, acc.at[pl.ds(sid * DEG_SUB, DEG_SUB)])
    plsc.subcore_barrier()

    @pl.loop(0, NCHUNK)
    def _(j):
        pltpu.sync_copy(ones_v, acc.at[dst_v.at[j]], add=True)

    plsc.subcore_barrier()
    pltpu.sync_copy(acc.at[pl.ds(sid * DEG_SUB, DEG_SUB)],
                    out.at[cid, pl.ds(sid * DEG_SUB, DEG_SUB)])


def _sc_edge_body(hs_lo, hs_hi, srcr, dstr, out,
                  src_v, dst_v, rows, zbuf, acc, gsems, ssems):
    cid = lax.axis_index("c")
    sid = lax.axis_index("s")

    @pl.loop(0, ZROWS)
    def _(i):
        @pl.loop(0, DH // 16)
        def _(j):
            zbuf[i, pl.ds(j * 16, 16)] = jnp.zeros((16,), jnp.float32)

    pltpu.sync_copy(srcr.at[sid], src_v)
    pltpu.sync_copy(dstr.at[sid], dst_v)
    for k in range(ROWS_SUB // ZROWS):
        pltpu.sync_copy(
            zbuf, acc.at[pl.ds(sid * ROWS_SUB + k * ZROWS, ZROWS)])
    plsc.subcore_barrier()

    for half, tbl in enumerate((hs_lo, hs_hi)):
        @pl.when(cid == half)
        def _(tbl=tbl):
            for b in range(NBUF):
                pltpu.async_copy(tbl.at[src_v.at[b]], rows[b], gsems[b])

            @pl.loop(0, NCHUNK2, step=NBUF)
            def _(j):
                for b in range(NBUF):
                    pltpu.make_async_copy(
                        tbl.at[src_v.at[j + b]], rows[b], gsems[b]).wait()
                    pltpu.async_copy(
                        rows[b], acc.at[dst_v.at[j + b]], ssems[b], add=True)
                for b in range(NBUF):
                    pltpu.make_async_copy(
                        rows[b], acc.at[dst_v.at[j + b]], ssems[b]).wait()

                    @pl.when(j + b + NBUF < NCHUNK2)
                    def _():
                        pltpu.async_copy(
                            tbl.at[src_v.at[j + b + NBUF]], rows[b], gsems[b])

    plsc.subcore_barrier()
    pltpu.sync_copy(acc.at[pl.ds(sid * ROWS_SUB, ROWS_SUB)],
                    out.at[cid, pl.ds(sid * ROWS_SUB, ROWS_SUB),
                           pl.ds(cid * DH, DH)])


@functools.lru_cache(maxsize=None)
def _sc_kernels():
    mesh = plsc.VectorSubcoreMesh(
        core_axis_name="c", subcore_axis_name="s",
        num_cores=NC, num_subcores=NS)
    sc_deg = pl.kernel(
        _sc_deg_body,
        out_type=jax.ShapeDtypeStruct((NC, DEG_PAD, 16), jnp.float32),
        mesh=mesh,
        compiler_params=pltpu.CompilerParams(use_tc_tiling_on_sc=False),
        scratch_types=[
            pltpu.VMEM((NCHUNK, CHUNK), jnp.int32),
            pltpu.VMEM((CHUNK, 16), jnp.float32),
            pltpu.VMEM((DEG_SUB, 16), jnp.float32),
            pltpu.VMEM_SHARED((DEG_PAD, 16), jnp.float32),
            pltpu.SemaphoreType.DMA,
        ],
    )
    sc_edge = pl.kernel(
        _sc_edge_body,
        out_type=jax.ShapeDtypeStruct((NC, N_PAD, D), jnp.float32),
        mesh=mesh,
        compiler_params=pltpu.CompilerParams(use_tc_tiling_on_sc=False),
        scratch_types=[
            pltpu.VMEM((NCHUNK2, CHUNK), jnp.int32),
            pltpu.VMEM((NCHUNK2, CHUNK), jnp.int32),
            [pltpu.VMEM((CHUNK, DH), jnp.float32) for _ in range(NBUF)],
            pltpu.VMEM((ZROWS, DH), jnp.float32),
            pltpu.VMEM_SHARED((N_PAD, DH), jnp.float32),
            [pltpu.SemaphoreType.DMA for _ in range(NBUF)],
            [pltpu.SemaphoreType.DMA for _ in range(NBUF)],
        ],
    )
    return sc_deg, sc_edge


def _dotT(a, w):
    return lax.dot_general(a, w, (((1,), (1,)), ((), ())),
                           preferred_element_type=jnp.float32)


def _dinv_from(d0_ref, d1_ref):
    deg = d0_ref[0][:, 0:1] + d1_ref[0][:, 0:1] + 1.0
    return lax.rsqrt(deg)


_DEG0 = pl.BlockSpec((1, RB, 16), lambda i: (0, i, 0))
_DEG1 = pl.BlockSpec((1, RB, 16), lambda i: (1, i, 0))


def _tc1_body(x_ref, d0_ref, d1_ref, w0_ref, p_ref,
              hsl_ref, hsh_ref, res_ref):
    dinv = _dinv_from(d0_ref, d1_ref)
    xb = x_ref[...]
    hs = _dotT(xb, w0_ref[...]) * dinv
    hsl_ref[...] = hs[:, :DH]
    hsh_ref[...] = hs[:, DH:]
    res_ref[...] = _dotT(xb, p_ref[...])


def _tc1(x, degp, w0, p):
    return pl.pallas_call(
        _tc1_body,
        grid=(G,),
        in_specs=[
            pl.BlockSpec((RB, D), lambda i: (i, 0)),
            _DEG0,
            _DEG1,
            pl.BlockSpec((D, D), lambda i: (0, 0)),
            pl.BlockSpec((D, D), lambda i: (0, 0)),
        ],
        out_specs=[
            pl.BlockSpec((RB, DH), lambda i: (i, 0)),
            pl.BlockSpec((RB, DH), lambda i: (i, 0)),
            pl.BlockSpec((RB, D), lambda i: (i, 0)),
        ],
        out_shape=[
            jax.ShapeDtypeStruct((N, DH), jnp.float32),
            jax.ShapeDtypeStruct((N, DH), jnp.float32),
            jax.ShapeDtypeStruct((N, D), jnp.float32),
        ],
    )(x, degp, degp, w0, p)


def _norm_apply(c, stv, gw, gb, gms):
    mean = stv[0:1] / N
    ex2 = stv[1:2] / N
    var = ex2 - (2.0 * gms - gms * gms) * mean * mean
    inv = lax.rsqrt(var + EPS)
    return gw * (c - gms * mean) * inv + gb


def _tc2_body(plo, phi, hsl, hsh, d0_ref, d1_ref, b, conv_ref, st_ref):
    i = pl.program_id(0)
    dinv = _dinv_from(d0_ref, d1_ref)
    left = plo[0][:, :DH] + hsl[...]
    right = phi[0][:, DH:] + hsh[...]
    c = jnp.concatenate([left, right], axis=1) * dinv + b[...]
    conv_ref[...] = c
    st = jnp.concatenate(
        [jnp.sum(c, axis=0, keepdims=True),
         jnp.sum(c * c, axis=0, keepdims=True)], axis=0)

    @pl.when(i == 0)
    def _():
        st_ref[...] = st

    @pl.when(i != 0)
    def _():
        st_ref[...] = st_ref[...] + st


def _tc2(pp, hsl, hsh, degp, b):
    half = pl.BlockSpec((RB, DH), lambda i: (i, 0))
    phalf0 = pl.BlockSpec((1, RB, D), lambda i: (0, i, 0))
    phalf1 = pl.BlockSpec((1, RB, D), lambda i: (1, i, 0))
    return pl.pallas_call(
        _tc2_body,
        grid=(G,),
        in_specs=[
            phalf0, phalf1, half, half, _DEG0, _DEG1,
            pl.BlockSpec((1, D), lambda i: (0, 0)),
        ],
        out_specs=[
            pl.BlockSpec((RB, D), lambda i: (i, 0)),
            pl.BlockSpec((2, D), lambda i: (0, 0)),
        ],
        out_shape=[
            jax.ShapeDtypeStruct((N, D), jnp.float32),
            jax.ShapeDtypeStruct((2, D), jnp.float32),
        ],
    )(pp, pp, hsl, hsh, degp, degp, b)


def _tc3_body(conv, st, res0, d0_ref, d1_ref, gw, gb, gms, w1,
              h1_ref, hsl_ref, hsh_ref):
    dinv = _dinv_from(d0_ref, d1_ref)
    normed = _norm_apply(conv[...], st[...], gw[...], gb[...], gms[...])
    h1 = jnp.maximum(normed, 0.0) + res0[...]
    h1_ref[...] = h1
    hs1 = _dotT(h1, w1[...]) * dinv
    hsl_ref[...] = hs1[:, :DH]
    hsh_ref[...] = hs1[:, DH:]


def _tc3(conv, st, res0, degp, gw, gb, gms, w1):
    return pl.pallas_call(
        _tc3_body,
        grid=(G,),
        in_specs=[
            pl.BlockSpec((RB, D), lambda i: (i, 0)),
            pl.BlockSpec((2, D), lambda i: (0, 0)),
            pl.BlockSpec((RB, D), lambda i: (i, 0)),
            _DEG0,
            _DEG1,
            pl.BlockSpec((1, D), lambda i: (0, 0)),
            pl.BlockSpec((1, D), lambda i: (0, 0)),
            pl.BlockSpec((1, D), lambda i: (0, 0)),
            pl.BlockSpec((D, D), lambda i: (0, 0)),
        ],
        out_specs=[
            pl.BlockSpec((RB, D), lambda i: (i, 0)),
            pl.BlockSpec((RB, DH), lambda i: (i, 0)),
            pl.BlockSpec((RB, DH), lambda i: (i, 0)),
        ],
        out_shape=[
            jax.ShapeDtypeStruct((N, D), jnp.float32),
            jax.ShapeDtypeStruct((N, DH), jnp.float32),
            jax.ShapeDtypeStruct((N, DH), jnp.float32),
        ],
    )(conv, st, res0, degp, degp, gw, gb, gms, w1)


def _tc5_body(conv, st, h1, gw, gb, gms, l0w, l0b, l1w, l1b, tw, tb, out_ref):
    normed = _norm_apply(conv[...], st[...], gw[...], gb[...], gms[...])
    h2 = jnp.maximum(normed, 0.0) + h1[...]
    m = jnp.maximum(_dotT(h2, l0w[...]) + l0b[...], 0.0)
    m = jnp.maximum(_dotT(m, l1w[...]) + l1b[...], 0.0)
    out_ref[...] = _dotT(m, tw[...]) + tb[...]


def _tc5(conv, st, h1, gw, gb, gms, l0w, l0b, l1w, l1b, tw, tb):
    full = pl.BlockSpec((D, D), lambda i: (0, 0))
    vec = pl.BlockSpec((1, D), lambda i: (0, 0))
    row = pl.BlockSpec((RB, D), lambda i: (i, 0))
    return pl.pallas_call(
        _tc5_body,
        grid=(G,),
        in_specs=[row, pl.BlockSpec((2, D), lambda i: (0, 0)), row,
                  vec, vec, vec, full, vec, full, vec, full, vec],
        out_specs=row,
        out_shape=jax.ShapeDtypeStruct((N, D), jnp.float32),
    )(conv, st, h1, gw, gb, gms, l0w, l0b, l1w, l1b, tw, tb)


def kernel(x, edge_index, W0, b0, W1, b1, gn0_w, gn0_b, gn0_ms,
           gn1_w, gn1_b, gn1_ms, P, L0_W, L0_b, L1_W, L1_b, T_W, T_b):
    ei = edge_index.astype(jnp.int32)
    srcr2 = ei[0].reshape(NS, NCHUNK2, CHUNK)
    dstr2 = ei[1].reshape(NS, NCHUNK2, CHUNK)

    sc_deg, sc_edge = _sc_kernels()
    degp = sc_deg(dstr2)

    hsl0, hsh0, res0 = _tc1(x, degp, W0, P)

    pa = sc_edge(hsl0, hsh0, srcr2, dstr2)
    conv0, st0 = _tc2(pa, hsl0, hsh0, degp, b0.reshape(1, D))
    h1, hsl1, hsh1 = _tc3(conv0, st0, res0, degp, gn0_w.reshape(1, D),
                          gn0_b.reshape(1, D), gn0_ms.reshape(1, D), W1)

    pb = sc_edge(hsl1, hsh1, srcr2, dstr2)
    conv1, st1 = _tc2(pb, hsl1, hsh1, degp, b1.reshape(1, D))
    return _tc5(conv1, st1, h1, gn1_w.reshape(1, D), gn1_b.reshape(1, D),
                gn1_ms.reshape(1, D), L0_W, L0_b.reshape(1, D),
                L1_W, L1_b.reshape(1, D), T_W, T_b.reshape(1, D))

# --- scband reference (transcript-rebuilt; emitter-appended) ---
"""Pipeline reference for scband-modular-gnn-25572235281175 (READ-ONLY COPY).

The authoritative reference and input builder live on the scoring server;
editing this copy changes nothing except your own understanding.
"""

import jax, jax.numpy as jnp
import numpy as np

N_NODES = 10000
N_EDGES = 320000
D = 128


def setup_inputs(seed: int = 0) -> dict:
    key = jax.random.key(seed)
    ks = jax.random.split(key, 16)
    s = 0.05
    inp = {}
    inp["x"] = jax.random.normal(ks[0], (N_NODES, D), dtype=jnp.float32)
    inp["edge_index"] = jax.random.randint(ks[1], (2, N_EDGES), 0, N_NODES)
    # GCNConv layer 0 and 1 weights (torch Linear convention: [out, in])
    inp["W0"] = jax.random.normal(ks[2], (D, D), dtype=jnp.float32) * s
    inp["b0"] = jnp.zeros((D,), dtype=jnp.float32)
    inp["W1"] = jax.random.normal(ks[3], (D, D), dtype=jnp.float32) * s
    inp["b1"] = jnp.zeros((D,), dtype=jnp.float32)
    # GraphNorm params (weight, bias, mean_scale) per GNN layer
    inp["gn0_w"] = jnp.ones((D,), dtype=jnp.float32)
    inp["gn0_b"] = jnp.zeros((D,), dtype=jnp.float32)
    inp["gn0_ms"] = jnp.ones((D,), dtype=jnp.float32)
    inp["gn1_w"] = jnp.ones((D,), dtype=jnp.float32)
    inp["gn1_b"] = jnp.zeros((D,), dtype=jnp.float32)
    inp["gn1_ms"] = jnp.ones((D,), dtype=jnp.float32)
    # shared_source skip-connection projection (no bias)
    inp["P"] = jax.random.normal(ks[4], (D, D), dtype=jnp.float32) * s
    # shared MLP linears (2 layers)
    inp["L0_W"] = jax.random.normal(ks[5], (D, D), dtype=jnp.float32) * s
    inp["L0_b"] = jnp.zeros((D,), dtype=jnp.float32)
    inp["L1_W"] = jax.random.normal(ks[6], (D, D), dtype=jnp.float32) * s
    inp["L1_b"] = jnp.zeros((D,), dtype=jnp.float32)
    # task head (single shared linear, out_channels=128)
    inp["T_W"] = jax.random.normal(ks[7], (D, D), dtype=jnp.float32) * s
    inp["T_b"] = jnp.zeros((D,), dtype=jnp.float32)
    return inp


def _gcn_conv(x, W, b, src, dst, n):
    # GCNConv: D^{-1/2} (A + I) D^{-1/2} X W + b
    h = x @ W.T
    loop = jnp.arange(n)
    src2 = jnp.concatenate([src, loop])
    dst2 = jnp.concatenate([dst, loop])
    deg = jnp.zeros((n,), dtype=h.dtype).at[dst2].add(1.0)
    dinv = jax.lax.rsqrt(deg)
    norm = dinv[src2] * dinv[dst2]
    msg = h[src2] * norm[:, None]
    out = jnp.zeros_like(h).at[dst2].add(msg)
    return out + b


def _graph_norm(x, w, b, ms, eps=1e-5):
    # GraphNorm over all nodes (single graph)
    mean = jnp.mean(x, axis=0, keepdims=True)
    out = x - ms * mean
    var = jnp.mean(out * out, axis=0, keepdims=True)
    return w * out / jnp.sqrt(var + eps) + b


def reference(x, edge_index, W0, b0, W1, b1, gn0_w, gn0_b, gn0_ms, gn1_w, gn1_b, gn1_ms, P, L0_W, L0_b, L1_W, L1_b, T_W, T_b):
    src = edge_index[0]
    dst = edge_index[1]
    n = x.shape[0]
    h1 = x
    # layer 0: residual = linear_projection(h1)
    res0 = h1 @ P.T
    h = jax.nn.relu(_graph_norm(_gcn_conv(x, W0, b0, src, dst, n), gn0_w, gn0_b, gn0_ms)) + res0
    # layer 1: residual = x (input to this layer)
    h = jax.nn.relu(_graph_norm(_gcn_conv(h, W1, b1, src, dst, n), gn1_w, gn1_b, gn1_ms)) + h
    # shared MLP (dropout_rate is None -> no dropout)
    h = jax.nn.relu(h @ L0_W.T + L0_b)
    h = jax.nn.relu(h @ L1_W.T + L1_b)
    # shared task head
    return h @ T_W.T + T_b

if __name__ == "__main__":
    import jax
    _d = setup_inputs()
    print(jax.jit(kernel)(*tuple(_d.values())))

</pallas_src>

<mosaic_0001>
#map = affine_map<(d0, d1) -> (0, 0)>
#map1 = affine_map<(d0, d1) -> (0, 0, 0)>
module attributes {stable_mosaic.version = 14 : i64} {
  func.func @_sc_edge_body(%arg0: i32, %arg1: i32, %arg2: memref<10000x64xf32, #tpu.memory_space<hbm>>, %arg3: memref<10000x64xf32, #tpu.memory_space<hbm>>, %arg4: memref<16x160x125xi32, #tpu.memory_space<hbm>>, %arg5: memref<16x160x125xi32, #tpu.memory_space<hbm>>, %arg6: memref<2x10240x128xf32, #tpu.memory_space<hbm>>, %arg7: memref<160x125xi32, #tpu.memory_space<vmem>>, %arg8: memref<160x125xi32, #tpu.memory_space<vmem>>, %arg9: memref<125x64xf32, #tpu.memory_space<vmem>>, %arg10: memref<125x64xf32, #tpu.memory_space<vmem>>, %arg11: memref<125x64xf32, #tpu.memory_space<vmem>>, %arg12: memref<125x64xf32, #tpu.memory_space<vmem>>, %arg13: memref<125x64xf32, #tpu.memory_space<vmem>>, %arg14: memref<128x64xf32, #tpu.memory_space<vmem>>, %arg15: memref<10240x64xf32, #tpu.memory_space<vmem_shared>>, %arg16: memref<!tpu.dma_semaphore, #tpu.memory_space<semaphore_mem>>, %arg17: memref<!tpu.dma_semaphore, #tpu.memory_space<semaphore_mem>>, %arg18: memref<!tpu.dma_semaphore, #tpu.memory_space<semaphore_mem>>, %arg19: memref<!tpu.dma_semaphore, #tpu.memory_space<semaphore_mem>>, %arg20: memref<!tpu.dma_semaphore, #tpu.memory_space<semaphore_mem>>, %arg21: memref<!tpu.dma_semaphore, #tpu.memory_space<semaphore_mem>>, %arg22: memref<!tpu.dma_semaphore, #tpu.memory_space<semaphore_mem>>, %arg23: memref<!tpu.dma_semaphore, #tpu.memory_space<semaphore_mem>>, %arg24: memref<!tpu.dma_semaphore, #tpu.memory_space<semaphore_mem>>, %arg25: memref<!tpu.dma_semaphore, #tpu.memory_space<semaphore_mem>>) attributes {dimension_semantics = [#tpu.dimension_semantics<core_parallel>, #tpu.dimension_semantics<subcore_parallel>], iteration_bounds = array<i64: 2, 16>, scalar_prefetch = 0 : i64, scratch_operands = 19 : i64, tpu.core_type = #tpu.core_type<sc_vector_subcore>, window_params = [{transform_indices = #map}, {transform_indices = #map}, {transform_indices = #map1}, {transform_indices = #map1}, {transform_indices = #map1}]} {
    %scan3A = arith.constant 0 : i32
    %scan3A_0 = arith.constant 128 : i32
    %scan3A_1 = arith.addi %scan3A, %scan3A_0 : i32
    %scan3A_2 = arith.constant 1 : i32
    scf.for %scan3A_36 = %scan3A to %scan3A_1 step %scan3A_2  : i32 {
      %mul3A_37 = arith.constant 1 : i32
      %mul3A_38 = arith.muli %scan3A_36, %mul3A_37 : i32
      %add3A_39 = arith.constant 0 : i32
      %add3A_40 = arith.addi %add3A_39, %mul3A_38 : i32
      %scan3A_41 = arith.constant 0 : i32
      %scan3A_42 = arith.constant 4 : i32
      %scan3A_43 = arith.addi %scan3A_41, %scan3A_42 : i32
      %scan3A_44 = arith.constant 1 : i32
      scf.for %scan3A_46 = %scan3A_41 to %scan3A_43 step %scan3A_44  : i32 {
        %mul3A_47 = arith.constant 1 : i32
        %mul3A_48 = arith.muli %scan3A_46, %mul3A_47 : i32
        %add3A_49 = arith.constant 0 : i32
        %add3A_50 = arith.addi %add3A_49, %mul3A_48 : i32
        %broadcast_in_dim3A = arith.constant 0.000000e+00 : f32
        %broadcast_in_dim3A_51 = vector.broadcast %broadcast_in_dim3A : f32 to vector<16xf32>
        %mul3A_52 = arith.constant 16 : i32
        %mul3A_53 = arith.muli %add3A_50, %mul3A_52 : i32
        %swap3A = arith.index_cast %add3A_40 : i32 to index
        %swap3A_54 = arith.index_cast %mul3A_53 : i32 to index
        %swap3A_55 = tpu.vector_load %arg14[%swap3A, %swap3A_54] {strides = array<i32>} : memref<128x64xf32, #tpu.memory_space<vmem>>, vector<1x16xf32>,
        %swap3A_56 = vector.shape_cast %swap3A_55 : vector<1x16xf32> to vector<16xf32>
        %swap3A_57 = vector.shape_cast %broadcast_in_dim3A_51 : vector<16xf32> to vector<1x16xf32>
        tpu.vector_store %arg14[%swap3A, %swap3A_54], %swap3A_57 {strides = array<i32>} : memref<128x64xf32, #tpu.memory_space<vmem>>, vector<1x16xf32>,
      }
      %scan3A_45 = arith.constant 4 : i32
    }
    %scan3A_3 = arith.constant 128 : i32
    "tpu.region"() ({
      %run_scoped3A = tpu.sem_alloc : memref<!tpu.dma_semaphore, #tpu.memory_space<semaphore_mem>>
      %dma_start3A = arith.constant 0 : i32
      %dma_start3A_36 = arith.constant 0 : i32
      %dma_start3A_37 = tpu.memref_slice %arg4[%arg1, %dma_start3A, %dma_start3A_36] : memref<16x160x125xi32, #tpu.memory_space<hbm>> -> memref<1x160x125xi32, #tpu.memory_space<hbm>>
      %dma_start3A_38 = tpu.memref_squeeze %dma_start3A_37 : memref<1x160x125xi32, #tpu.memory_space<hbm>> -> memref<160x125xi32, #tpu.memory_space<hbm>>
      %dma_start3A_39 = arith.constant 0 : i32
      %dma_start3A_40 = arith.constant 0 : i32
      %dma_start3A_41 = tpu.memref_slice %arg4[%arg1, %dma_start3A_39, %dma_start3A_40] : memref<16x160x125xi32, #tpu.memory_space<hbm>> -> memref<1x160x125xi32, #tpu.memory_space<hbm>>
      %dma_start3A_42 = tpu.memref_squeeze %dma_start3A_41 : memref<1x160x125xi32, #tpu.memory_space<hbm>> -> memref<160x125xi32, #tpu.memory_space<hbm>>
      tpu.enqueue_dma source(%dma_start3A_42 : memref<160x125xi32, #tpu.memory_space<hbm>>) target(%arg7 : memref<160x125xi32, #tpu.memory_space<vmem>>) target_semaphore(%run_scoped3A : memref<!tpu.dma_semaphore, #tpu.memory_space<semaphore_mem>>)
      %dma_wait3A = arith.constant 0 : i32
      %dma_wait3A_43 = arith.constant 0 : i32
      %dma_wait3A_44 = tpu.memref_slice %arg4[%arg1, %dma_wait3A, %dma_wait3A_43] : memref<16x160x125xi32, #tpu.memory_space<hbm>> -> memref<1x160x125xi32, #tpu.memory_space<hbm>>
      %dma_wait3A_45 = tpu.memref_squeeze %dma_wait3A_44 : memref<1x160x125xi32, #tpu.memory_space<hbm>> -> memref<160x125xi32, #tpu.memory_space<hbm>>
      %dma_wait3A_46 = arith.constant 0 : i32
      %dma_wait3A_47 = arith.constant 0 : i32
      %dma_wait3A_48 = tpu.memref_slice %arg4[%arg1, %dma_wait3A_46, %dma_wait3A_47] : memref<16x160x125xi32, #tpu.memory_space<hbm>> -> memref<1x160x125xi32, #tpu.memory_space<hbm>>
      %dma_wait3A_49 = tpu.memref_squeeze %dma_wait3A_48 : memref<1x160x125xi32, #tpu.memory_space<hbm>> -> memref<160x125xi32, #tpu.memory_space<hbm>>
      tpu.wait_dma2 semaphore(%run_scoped3A : memref<!tpu.dma_semaphore, #tpu.memory_space<semaphore_mem>>) src(%dma_wait3A_49 : memref<160x125xi32, #tpu.memory_space<hbm>>) dst(%arg7 : memref<160x125xi32, #tpu.memory_space<vmem>>)
      tpu.yield
    }) : () -> ()
    "tpu.region"() ({
      %run_scoped3A = tpu.sem_alloc : memref<!tpu.dma_semaphore, #tpu.memory_space<semaphore_mem>>
      %dma_start3A = arith.constant 0 : i32
      %dma_start3A_36 = arith.constant 0 : i32
      %dma_start3A_37 = tpu.memref_slice %arg5[%arg1, %dma_start3A, %dma_start3A_36] : memref<16x160x125xi32, #tpu.memory_space<hbm>> -> memref<1x160x125xi32, #tpu.memory_space<hbm>>
      %dma_start3A_38 = tpu.memref_squeeze %dma_start3A_37 : memref<1x160x125xi32, #tpu.memory_space<hbm>> -> memref<160x125xi32, #tpu.memory_space<hbm>>
      %dma_start3A_39 = arith.constant 0 : i32
      %dma_start3A_40 = arith.constant 0 : i32
      %dma_start3A_41 = tpu.memref_slice %arg5[%arg1, %dma_start3A_39, %dma_start3A_40] : memref<16x160x125xi32, #tpu.memory_space<hbm>> -> memref<1x160x125xi32, #tpu.memory_space<hbm>>
      %dma_start3A_42 = tpu.memref_squeeze %dma_start3A_41 : memref<1x160x125xi32, #tpu.memory_space<hbm>> -> memref<160x125xi32, #tpu.memory_space<hbm>>
      tpu.enqueue_dma source(%dma_start3A_42 : memref<160x125xi32, #tpu.memory_space<hbm>>) target(%arg8 : memref<160x125xi32, #tpu.memory_space<vmem>>) target_semaphore(%run_scoped3A : memref<!tpu.dma_semaphore, #tpu.memory_space<semaphore_mem>>)
      %dma_wait3A = arith.constant 0 : i32
      %dma_wait3A_43 = arith.constant 0 : i32
      %dma_wait3A_44 = tpu.memref_slice %arg5[%arg1, %dma_wait3A, %dma_wait3A_43] : memref<16x160x125xi32, #tpu.memory_space<hbm>> -> memref<1x160x125xi32, #tpu.memory_space<hbm>>
      %dma_wait3A_45 = tpu.memref_squeeze %dma_wait3A_44 : memref<1x160x125xi32, #tpu.memory_space<hbm>> -> memref<160x125xi32, #tpu.memory_space<hbm>>
      %dma_wait3A_46 = arith.constant 0 : i32
      %dma_wait3A_47 = arith.constant 0 : i32
      %dma_wait3A_48 = tpu.memref_slice %arg5[%arg1, %dma_wait3A_46, %dma_wait3A_47] : memref<16x160x125xi32, #tpu.memory_space<hbm>> -> memref<1x160x125xi32, #tpu.memory_space<hbm>>
      %dma_wait3A_49 = tpu.memref_squeeze %dma_wait3A_48 : memref<1x160x125xi32, #tpu.memory_space<hbm>> -> memref<160x125xi32, #tpu.memory_space<hbm>>
      tpu.wait_dma2 semaphore(%run_scoped3A : memref<!tpu.dma_semaphore, #tpu.memory_space<semaphore_mem>>) src(%dma_wait3A_49 : memref<160x125xi32, #tpu.memory_space<hbm>>) dst(%arg8 : memref<160x125xi32, #tpu.memory_space<vmem>>)
      tpu.yield
    }) : () -> ()
    %mul3A = arith.constant 640 : i32
    %mul3A_4 = arith.muli %arg1, %mul3A : i32
    %add3A = arith.constant 0 : i32
    %add3A_5 = arith.addi %mul3A_4, %add3A : i32
    "tpu.region"() ({
      %run_scoped3A = tpu.sem_alloc : memref<!tpu.dma_semaphore, #tpu.memory_space<semaphore_mem>>
      %dma_start3A = arith.constant 0 : i32
      %dma_start3A_36 = tpu.memref_slice %arg15[%add3A_5, %dma_start3A] : memref<10240x64xf32, #tpu.memory_space<vmem_shared>> -> memref<128x64xf32, #tpu.memory_space<vmem_shared>>
      %dma_start3A_37 = arith.constant 0 : i32
      %dma_start3A_38 = tpu.memref_slice %arg15[%add3A_5, %dma_start3A_37] : memref<10240x64xf32, #tpu.memory_space<vmem_shared>> -> memref<128x64xf32, #tpu.memory_space<vmem_shared>>
      tpu.enqueue_dma source(%arg14 : memref<128x64xf32, #tpu.memory_space<vmem>>) target(%dma_start3A_38 : memref<128x64xf32, #tpu.memory_space<vmem_shared>>) target_semaphore(%run_scoped3A : memref<!tpu.dma_semaphore, #tpu.memory_space<semaphore_mem>>)
      %dma_wait3A = arith.constant 0 : i32
      %dma_wait3A_39 = tpu.memref_slice %arg15[%add3A_5, %dma_wait3A] : memref<10240x64xf32, #tpu.memory_space<vmem_shared>> -> memref<128x64xf32, #tpu.memory_space<vmem_shared>>
      %dma_wait3A_40 = arith.constant 0 : i32
      %dma_wait3A_41 = tpu.memref_slice %arg15[%add3A_5, %dma_wait3A_40] : memref<10240x64xf32, #tpu.memory_space<vmem_shared>> -> memref<128x64xf32, #tpu.memory_space<vmem_shared>>
      tpu.wait_dma2 semaphore(%run_scoped3A : memref<!tpu.dma_semaphore, #tpu.memory_space<semaphore_mem>>) src(%arg14 : memref<128x64xf32, #tpu.memory_space<vmem>>) dst(%dma_wait3A_41 : memref<128x64xf32, #tpu.memory_space<vmem_shared>>)
      tpu.yield
    }) : () -> ()
    %mul3A_6 = arith.constant 640 : i32
    %mul3A_7 = arith.muli %arg1, %mul3A_6 : i32
    %add3A_8 = arith.constant 128 : i32
    %add3A_9 = arith.addi %mul3A_7, %add3A_8 : i32
    "tpu.region"() ({
      %run_scoped3A = tpu.sem_alloc : memref<!tpu.dma_semaphore, #tpu.memory_space<semaphore_mem>>
      %dma_start3A = arith.constant 0 : i32
      %dma_start3A_36 = tpu.memref_slice %arg15[%add3A_9, %dma_start3A] : memref<10240x64xf32, #tpu.memory_space<vmem_shared>> -> memref<128x64xf32, #tpu.memory_space<vmem_shared>>
      %dma_start3A_37 = arith.constant 0 : i32
      %dma_start3A_38 = tpu.memref_slice %arg15[%add3A_9, %dma_start3A_37] : memref<10240x64xf32, #tpu.memory_space<vmem_shared>> -> memref<128x64xf32, #tpu.memory_space<vmem_shared>>
      tpu.enqueue_dma source(%arg14 : memref<128x64xf32, #tpu.memory_space<vmem>>) target(%dma_start3A_38 : memref<128x64xf32, #tpu.memory_space<vmem_shared>>) target_semaphore(%run_scoped3A : memref<!tpu.dma_semaphore, #tpu.memory_space<semaphore_mem>>)
      %dma_wait3A = arith.constant 0 : i32
      %dma_wait3A_39 = tpu.memref_slice %arg15[%add3A_9, %dma_wait3A] : memref<10240x64xf32, #tpu.memory_space<vmem_shared>> -> memref<128x64xf32, #tpu.memory_space<vmem_shared>>
      %dma_wait3A_40 = arith.constant 0 : i32
      %dma_wait3A_41 = tpu.memref_slice %arg15[%add3A_9, %dma_wait3A_40] : memref<10240x64xf32, #tpu.memory_space<vmem_shared>> -> memref<128x64xf32, #tpu.memory_space<vmem_shared>>
      tpu.wait_dma2 semaphore(%run_scoped3A : memref<!tpu.dma_semaphore, #tpu.memory_space<semaphore_mem>>) src(%arg14 : memref<128x64xf32, #tpu.memory_space<vmem>>) dst(%dma_wait3A_41 : memref<128x64xf32, #tpu.memory_space<vmem_shared>>)
      tpu.yield
    }) : () -> ()
    %mul3A_10 = arith.constant 640 : i32
    %mul3A_11 = arith.muli %arg1, %mul3A_10 : i32
    %add3A_12 = arith.constant 256 : i32
    %add3A_13 = arith.addi %mul3A_11, %add3A_12 : i32
    "tpu.region"() ({
      %run_scoped3A = tpu.sem_alloc : memref<!tpu.dma_semaphore, #tpu.memory_space<semaphore_mem>>
      %dma_start3A = arith.constant 0 : i32
      %dma_start3A_36 = tpu.memref_slice %arg15[%add3A_13, %dma_start3A] : memref<10240x64xf32, #tpu.memory_space<vmem_shared>> -> memref<128x64xf32, #tpu.memory_space<vmem_shared>>
      %dma_start3A_37 = arith.constant 0 : i32
      %dma_start3A_38 = tpu.memref_slice %arg15[%add3A_13, %dma_start3A_37] : memref<10240x64xf32, #tpu.memory_space<vmem_shared>> -> memref<128x64xf32, #tpu.memory_space<vmem_shared>>
      tpu.enqueue_dma source(%arg14 : memref<128x64xf32, #tpu.memory_space<vmem>>) target(%dma_start3A_38 : memref<128x64xf32, #tpu.memory_space<vmem_shared>>) target_semaphore(%run_scoped3A : memref<!tpu.dma_semaphore, #tpu.memory_space<semaphore_mem>>)
      %dma_wait3A = arith.constant 0 : i32
      %dma_wait3A_39 = tpu.memref_slice %arg15[%add3A_13, %dma_wait3A] : memref<10240x64xf32, #tpu.memory_space<vmem_shared>> -> memref<128x64xf32, #tpu.memory_space<vmem_shared>>
      %dma_wait3A_40 = arith.constant 0 : i32
      %dma_wait3A_41 = tpu.memref_slice %arg15[%add3A_13, %dma_wait3A_40] : memref<10240x64xf32, #tpu.memory_space<vmem_shared>> -> memref<128x64xf32, #tpu.memory_space<vmem_shared>>
      tpu.wait_dma2 semaphore(%run_scoped3A : memref<!tpu.dma_semaphore, #tpu.memory_space<semaphore_mem>>) src(%arg14 : memref<128x64xf32, #tpu.memory_space<vmem>>) dst(%dma_wait3A_41 : memref<128x64xf32, #tpu.memory_space<vmem_shared>>)
      tpu.yield
    }) : () -> ()
    %mul3A_14 = arith.constant 640 : i32
    %mul3A_15 = arith.muli %arg1, %mul3A_14 : i32
    %add3A_16 = arith.constant 384 : i32
    %add3A_17 = arith.addi %mul3A_15, %add3A_16 : i32
    "tpu.region"() ({
      %run_scoped3A = tpu.sem_alloc : memref<!tpu.dma_semaphore, #tpu.memory_space<semaphore_mem>>
      %dma_start3A = arith.constant 0 : i32
      %dma_start3A_36 = tpu.memref_slice %arg15[%add3A_17, %dma_start3A] : memref<10240x64xf32, #tpu.memory_space<vmem_shared>> -> memref<128x64xf32, #tpu.memory_space<vmem_shared>>
      %dma_start3A_37 = arith.constant 0 : i32
      %dma_start3A_38 = tpu.memref_slice %arg15[%add3A_17, %dma_start3A_37] : memref<10240x64xf32, #tpu.memory_space<vmem_shared>> -> memref<128x64xf32, #tpu.memory_space<vmem_shared>>
      tpu.enqueue_dma source(%arg14 : memref<128x64xf32, #tpu.memory_space<vmem>>) target(%dma_start3A_38 : memref<128x64xf32, #tpu.memory_space<vmem_shared>>) target_semaphore(%run_scoped3A : memref<!tpu.dma_semaphore, #tpu.memory_space<semaphore_mem>>)
      %dma_wait3A = arith.constant 0 : i32
      %dma_wait3A_39 = tpu.memref_slice %arg15[%add3A_17, %dma_wait3A] : memref<10240x64xf32, #tpu.memory_space<vmem_shared>> -> memref<128x64xf32, #tpu.memory_space<vmem_shared>>
      %dma_wait3A_40 = arith.constant 0 : i32
      %dma_wait3A_41 = tpu.memref_slice %arg15[%add3A_17, %dma_wait3A_40] : memref<10240x64xf32, #tpu.memory_space<vmem_shared>> -> memref<128x64xf32, #tpu.memory_space<vmem_shared>>
      tpu.wait_dma2 semaphore(%run_scoped3A : memref<!tpu.dma_semaphore, #tpu.memory_space<semaphore_mem>>) src(%arg14 : memref<128x64xf32, #tpu.memory_space<vmem>>) dst(%dma_wait3A_41 : memref<128x64xf32, #tpu.memory_space<vmem_shared>>)
      tpu.yield
    }) : () -> ()
    %mul3A_18 = arith.constant 640 : i32
    %mul3A_19 = arith.muli %arg1, %mul3A_18 : i32
    %add3A_20 = arith.constant 512 : i32
    %add3A_21 = arith.addi %mul3A_19, %add3A_20 : i32
    "tpu.region"() ({
      %run_scoped3A = tpu.sem_alloc : memref<!tpu.dma_semaphore, #tpu.memory_space<semaphore_mem>>
      %dma_start3A = arith.constant 0 : i32
      %dma_start3A_36 = tpu.memref_slice %arg15[%add3A_21, %dma_start3A] : memref<10240x64xf32, #tpu.memory_space<vmem_shared>> -> memref<128x64xf32, #tpu.memory_space<vmem_shared>>
      %dma_start3A_37 = arith.constant 0 : i32
      %dma_start3A_38 = tpu.memref_slice %arg15[%add3A_21, %dma_start3A_37] : memref<10240x64xf32, #tpu.memory_space<vmem_shared>> -> memref<128x64xf32, #tpu.memory_space<vmem_shared>>
      tpu.enqueue_dma source(%arg14 : memref<128x64xf32, #tpu.memory_space<vmem>>) target(%dma_start3A_38 : memref<128x64xf32, #tpu.memory_space<vmem_shared>>) target_semaphore(%run_scoped3A : memref<!tpu.dma_semaphore, #tpu.memory_space<semaphore_mem>>)
      %dma_wait3A = arith.constant 0 : i32
      %dma_wait3A_39 = tpu.memref_slice %arg15[%add3A_21, %dma_wait3A] : memref<10240x64xf32, #tpu.memory_space<vmem_shared>> -> memref<128x64xf32, #tpu.memory_space<vmem_shared>>
      %dma_wait3A_40 = arith.constant 0 : i32
      %dma_wait3A_41 = tpu.memref_slice %arg15[%add3A_21, %dma_wait3A_40] : memref<10240x64xf32, #tpu.memory_space<vmem_shared>> -> memref<128x64xf32, #tpu.memory_space<vmem_shared>>
      tpu.wait_dma2 semaphore(%run_scoped3A : memref<!tpu.dma_semaphore, #tpu.memory_space<semaphore_mem>>) src(%arg14 : memref<128x64xf32, #tpu.memory_space<vmem>>) dst(%dma_wait3A_41 : memref<128x64xf32, #tpu.memory_space<vmem_shared>>)
      tpu.yield
    }) : () -> ()
    %barrier3A = arith.constant 0 : index
    tpu.barrier barrier_id(%barrier3A)
    %eq3A = arith.constant 0 : i32
    %eq3A_22 = arith.cmpi eq, %arg0, %eq3A : i32
    %convert_element_type3A = arith.extui %eq3A_22 : i1 to i32
    %cond3A = arith.constant 0 : i32
    %cond3A_23 = arith.cmpi ne, %convert_element_type3A, %cond3A : i32
    scf.if %cond3A_23 {
      %dma_start3A = arith.constant 0 : i32
      %dma_start3A_36 = arith.constant 0 : i32
      %dma_start3A_37 = tpu.memref_slice %arg7[%dma_start3A, %dma_start3A_36] : memref<160x125xi32, #tpu.memory_space<vmem>> -> memref<1x125xi32, #tpu.memory_space<vmem>>
      %dma_start3A_38 = tpu.memref_squeeze %dma_start3A_37 : memref<1x125xi32, #tpu.memory_space<vmem>> -> memref<125xi32, #tpu.memory_space<vmem>>
      %dma_start3A_39 = arith.constant 0 : i32
      %dma_start3A_40 = arith.constant 0 : i32
      %dma_start3A_41 = tpu.memref_slice %arg2[%dma_start3A_39, %dma_start3A_40] : memref<10000x64xf32, #tpu.memory_space<hbm>> -> memref<10000x64xf32, #tpu.memory_space<hbm>>
      tpu.enqueue_indirect_dma source(%dma_start3A_41 : memref<10000x64xf32, #tpu.memory_space<hbm>>) target(%arg9 : memref<125x64xf32, #tpu.memory_space<vmem>>) offsets(%dma_start3A_38 : memref<125xi32, #tpu.memory_space<vmem>>) semaphore(%arg16 : memref<!tpu.dma_semaphore, #tpu.memory_space<semaphore_mem>>)
      %dma_start3A_42 = arith.constant 1 : i32
      %dma_start3A_43 = arith.constant 0 : i32
      %dma_start3A_44 = tpu.memref_slice %arg7[%dma_start3A_42, %dma_start3A_43] : memref<160x125xi32, #tpu.memory_space<vmem>> -> memref<1x125xi32, #tpu.memory_space<vmem>>
      %dma_start3A_45 = tpu.memref_squeeze %dma_start3A_44 : memref<1x125xi32, #tpu.memory_space<vmem>> -> memref<125xi32, #tpu.memory_space<vmem>>
      %dma_start3A_46 = arith.constant 0 : i32
      %dma_start3A_47 = arith.constant 0 : i32
      %dma_start3A_48 = tpu.memref_slice %arg2[%dma_start3A_46, %dma_start3A_47] : memref<10000x64xf32, #tpu.memory_space<hbm>> -> memref<10000x64xf32, #tpu.memory_space<hbm>>
      tpu.enqueue_indirect_dma source(%dma_start3A_48 : memref<10000x64xf32, #tpu.memory_space<hbm>>) target(%arg10 : memref<125x64xf32, #tpu.memory_space<vmem>>) offsets(%dma_start3A_45 : memref<125xi32, #tpu.memory_space<vmem>>) semaphore(%arg17 : memref<!tpu.dma_semaphore, #tpu.memory_space<semaphore_mem>>)
      %dma_start3A_49 = arith.constant 2 : i32
      %dma_start3A_50 = arith.constant 0 : i32
      %dma_start3A_51 = tpu.memref_slice %arg7[%dma_start3A_49, %dma_start3A_50] : memref<160x125xi32, #tpu.memory_space<vmem>> -> memref<1x125xi32, #tpu.memory_space<vmem>>
      %dma_start3A_52 = tpu.memref_squeeze %dma_start3A_51 : memref<1x125xi32, #tpu.memory_space<vmem>> -> memref<125xi32, #tpu.memory_space<vmem>>
      %dma_start3A_53 = arith.constant 0 : i32
      %dma_start3A_54 = arith.constant 0 : i32
      %dma_start3A_55 = tpu.memref_slice %arg2[%dma_start3A_53, %dma_start3A_54] : memref<10000x64xf32, #tpu.memory_space<hbm>> -> memref<10000x64xf32, #tpu.memory_space<hbm>>
      tpu.enqueue_indirect_dma source(%dma_start3A_55 : memref<10000x64xf32, #tpu.memory_space<hbm>>) target(%arg11 : memref<125x64xf32, #tpu.memory_space<vmem>>) offsets(%dma_start3A_52 : memref<125xi32, #tpu.memory_space<vmem>>) semaphore(%arg18 : memref<!tpu.dma_semaphore, #tpu.memory_space<semaphore_mem>>)
      %dma_start3A_56 = arith.constant 3 : i32
      %dma_start3A_57 = arith.constant 0 : i32
      %dma_start3A_58 = tpu.memref_slice %arg7[%dma_start3A_56, %dma_start3A_57] : memref<160x125xi32, #tpu.memory_space<vmem>> -> memref<1x125xi32, #tpu.memory_space<vmem>>
      %dma_start3A_59 = tpu.memref_squeeze %dma_start3A_58 : memref<1x125xi32, #tpu.memory_space<vmem>> -> memref<125xi32, #tpu.memory_space<vmem>>
      %dma_start3A_60 = arith.constant 0 : i32
      %dma_start3A_61 = arith.constant 0 : i32
      %dma_start3A_62 = tpu.memref_slice %arg2[%dma_start3A_60, %dma_start3A_61] : memref<10000x64xf32, #tpu.memory_space<hbm>> -> memref<10000x64xf32, #tpu.memory_space<hbm>>
      tpu.enqueue_indirect_dma source(%dma_start3A_62 : memref<10000x64xf32, #tpu.memory_space<hbm>>) target(%arg12 : memref<125x64xf32, #tpu.memory_space<vmem>>) offsets(%dma_start3A_59 : memref<125xi32, #tpu.memory_space<vmem>>) semaphore(%arg19 : memref<!tpu.dma_semaphore, #tpu.memory_space<semaphore_mem>>)
      %dma_start3A_63 = arith.constant 4 : i32
      %dma_start3A_64 = arith.constant 0 : i32
      %dma_start3A_65 = tpu.memref_slice %arg7[%dma_start3A_63, %dma_start3A_64] : memref<160x125xi32, #tpu.memory_space<vmem>> -> memref<1x125xi32, #tpu.memory_space<vmem>>
      %dma_start3A_66 = tpu.memref_squeeze %dma_start3A_65 : memref<1x125xi32, #tpu.memory_space<vmem>> -> memref<125xi32, #tpu.memory_space<vmem>>
      %dma_start3A_67 = arith.constant 0 : i32
      %dma_start3A_68 = arith.constant 0 : i32
      %dma_start3A_69 = tpu.memref_slice %arg2[%dma_start3A_67, %dma_start3A_68] : memref<10000x64xf32, #tpu.memory_space<hbm>> -> memref<10000x64xf32, #tpu.memory_space<hbm>>
      tpu.enqueue_indirect_dma source(%dma_start3A_69 : memref<10000x64xf32, #tpu.memory_space<hbm>>) target(%arg13 : memref<125x64xf32, #tpu.memory_space<vmem>>) offsets(%dma_start3A_66 : memref<125xi32, #tpu.memory_space<vmem>>) semaphore(%arg20 : memref<!tpu.dma_semaphore, #tpu.memory_space<semaphore_mem>>)
      %scan3A_70 = arith.constant 0 : i32
      %scan3A_71 = arith.constant 32 : i32
      %scan3A_72 = arith.addi %scan3A_70, %scan3A_71 : i32
      %scan3A_73 = arith.constant 1 : i32
      scf.for %scan3A_75 = %scan3A_70 to %scan3A_72 step %scan3A_73  : i32 {
        %mul3A_76 = arith.constant 5 : i32
        %mul3A_77 = arith.muli %scan3A_75, %mul3A_76 : i32
        %add3A_78 = arith.constant 0 : i32
        %add3A_79 = arith.addi %add3A_78, %mul3A_77 : i32
        %add3A_80 = arith.constant 0 : i32
        %add3A_81 = arith.addi %add3A_79, %add3A_80 : i32
        %dma_wait3A = arith.constant 0 : i32
        %dma_wait3A_82 = tpu.memref_slice %arg7[%add3A_81, %dma_wait3A] : memref<160x125xi32, #tpu.memory_space<vmem>> -> memref<1x125xi32, #tpu.memory_space<vmem>>
        %dma_wait3A_83 = tpu.memref_squeeze %dma_wait3A_82 : memref<1x125xi32, #tpu.memory_space<vmem>> -> memref<125xi32, #tpu.memory_space<vmem>>
        %dma_wait3A_84 = arith.constant 0 : i32
        %dma_wait3A_85 = arith.constant 0 : i32
        %dma_wait3A_86 = tpu.memref_slice %arg2[%dma_wait3A_84, %dma_wait3A_85] : memref<10000x64xf32, #tpu.memory_space<hbm>> -> memref<10000x64xf32, #tpu.memory_space<hbm>>
        tpu.wait_indirect_dma semaphore(%arg16 : memref<!tpu.dma_semaphore, #tpu.memory_space<semaphore_mem>>) src(%dma_wait3A_86 : memref<10000x64xf32, #tpu.memory_space<hbm>>) dst(%arg9 : memref<125x64xf32, #tpu.memory_space<vmem>>)
        %add3A_87 = arith.constant 0 : i32
        %add3A_88 = arith.addi %add3A_79, %add3A_87 : i32
        %dma_start3A_89 = arith.constant 0 : i32
        %dma_start3A_90 = tpu.memref_slice %arg8[%add3A_88, %dma_start3A_89] : memref<160x125xi32, #tpu.memory_space<vmem>> -> memref<1x125xi32, #tpu.memory_space<vmem>>
        %dma_start3A_91 = tpu.memref_squeeze %dma_start3A_90 : memref<1x125xi32, #tpu.memory_space<vmem>> -> memref<125xi32, #tpu.memory_space<vmem>>
        %dma_start3A_92 = arith.constant 0 : i32
        %dma_start3A_93 = arith.constant 0 : i32
        %dma_start3A_94 = tpu.memref_slice %arg15[%dma_start3A_92, %dma_start3A_93] : memref<10240x64xf32, #tpu.memory_space<vmem_shared>> -> memref<10240x64xf32, #tpu.memory_space<vmem_shared>>
        tpu.enqueue_indirect_dma source(%arg9 : memref<125x64xf32, #tpu.memory_space<vmem>>) target(%dma_start3A_94 : memref<10240x64xf32, #tpu.memory_space<vmem_shared>>) offsets(%dma_start3A_91 : memref<125xi32, #tpu.memory_space<vmem>>) semaphore(%arg21 : memref<!tpu.dma_semaphore, #tpu.memory_space<semaphore_mem>>) {add = true}
        %add3A_95 = arith.constant 1 : i32
        %add3A_96 = arith.addi %add3A_79, %add3A_95 : i32
        %dma_wait3A_97 = arith.constant 0 : i32
        %dma_wait3A_98 = tpu.memref_slice %arg7[%add3A_96, %dma_wait3A_97] : memref<160x125xi32, #tpu.memory_space<vmem>> -> memref<1x125xi32, #tpu.memory_space<vmem>>
        %dma_wait3A_99 = tpu.memref_squeeze %dma_wait3A_98 : memref<1x125xi32, #tpu.memory_space<vmem>> -> memref<125xi32, #tpu.memory_space<vmem>>
        %dma_wait3A_100 = arith.constant 0 : i32
        %dma_wait3A_101 = arith.constant 0 : i32
        %dma_wait3A_102 = tpu.memref_slice %arg2[%dma_wait3A_100, %dma_wait3A_101] : memref<10000x64xf32, #tpu.memory_space<hbm>> -> memref<10000x64xf32, #tpu.memory_space<hbm>>
        tpu.wait_indirect_dma semaphore(%arg17 : memref<!tpu.dma_semaphore, #tpu.memory_space<semaphore_mem>>) src(%dma_wait3A_102 : memref<10000x64xf32, #tpu.memory_space<hbm>>) dst(%arg10 : memref<125x64xf32, #tpu.memory_space<vmem>>)
        %add3A_103 = arith.constant 1 : i32
        %add3A_104 = arith.addi %add3A_79, %add3A_103 : i32
        %dma_start3A_105 = arith.constant 0 : i32
        %dma_start3A_106 = tpu.memref_slice %arg8[%add3A_104, %dma_start3A_105] : memref<160x125xi32, #tpu.memory_space<vmem>> -> memref<1x125xi32, #tpu.memory_space<vmem>>
        %dma_start3A_107 = tpu.memref_squeeze %dma_start3A_106 : memref<1x125xi32, #tpu.memory_space<vmem>> -> memref<125xi32, #tpu.memory_space<vmem>>
        %dma_start3A_108 = arith.constant 0 : i32
        %dma_start3A_109 = arith.constant 0 : i32
        %dma_start3A_110 = tpu.memref_slice %arg15[%dma_start3A_108, %dma_start3A_109] : memref<10240x64xf32, #tpu.memory_space<vmem_shared>> -> memref<10240x64xf32, #tpu.memory_space<vmem_shared>>
        tpu.enqueue_indirect_dma source(%arg10 : memref<125x64xf32, #tpu.memory_space<vmem>>) target(%dma_start3A_110 : memref<10240x64xf32, #tpu.memory_space<vmem_shared>>) offsets(%dma_start3A_107 : memref<125xi32, #tpu.memory_space<vmem>>) semaphore(%arg22 : memref<!tpu.dma_semaphore, #tpu.memory_space<semaphore_mem>>) {add = true}
        %add3A_111 = arith.constant 2 : i32
        %add3A_112 = arith.addi %add3A_79, %add3A_111 : i32
        %dma_wait3A_113 = arith.constant 0 : i32
        %dma_wait3A_114 = tpu.memref_slice %arg7[%add3A_112, %dma_wait3A_113] : memref<160x125xi32, #tpu.memory_space<vmem>> -> memref<1x125xi32, #tpu.memory_space<vmem>>
        %dma_wait3A_115 = tpu.memref_squeeze %dma_wait3A_114 : memref<1x125xi32, #tpu.memory_space<vmem>> -> memref<125xi32, #tpu.memory_space<vmem>>
        %dma_wait3A_116 = arith.constant 0 : i32
        %dma_wait3A_117 = arith.constant 0 : i32
        %dma_wait3A_118 = tpu.memref_slice %arg2[%dma_wait3A_116, %dma_wait3A_117] : memref<10000x64xf32, #tpu.memory_space<hbm>> -> memref<10000x64xf32, #tpu.memory_space<hbm>>
        tpu.wait_indirect_dma semaphore(%arg18 : memref<!tpu.dma_semaphore, #tpu.memory_space<semaphore_mem>>) src(%dma_wait3A_118 : memref<10000x64xf32, #tpu.memory_space<hbm>>) dst(%arg11 : memref<125x64xf32, #tpu.memory_space<vmem>>)
        %add3A_119 = arith.constant 2 : i32
        %add3A_120 = arith.addi %add3A_79, %add3A_119 : i32
        %dma_start3A_121 = arith.constant 0 : i32
        %dma_start3A_122 = tpu.memref_slice %arg8[%add3A_120, %dma_start3A_121] : memref<160x125xi32, #tpu.memory_space<vmem>> -> memref<1x125xi32, #tpu.memory_space<vmem>>
        %dma_start3A_123 = tpu.memref_squeeze %dma_start3A_122 : memref<1x125xi32, #tpu.memory_space<vmem>> -> memref<125xi32, #tpu.memory_space<vmem>>
        %dma_start3A_124 = arith.constant 0 : i32
        %dma_start3A_125 = arith.constant 0 : i32
        %dma_start3A_126 = tpu.memref_slice %arg15[%dma_start3A_124, %dma_start3A_125] : memref<10240x64xf32, #tpu.memory_space<vmem_shared>> -> memref<10240x64xf32, #tpu.memory_space<vmem_shared>>
        tpu.enqueue_indirect_dma source(%arg11 : memref<125x64xf32, #tpu.memory_space<vmem>>) target(%dma_start3A_126 : memref<10240x64xf32, #tpu.memory_space<vmem_shared>>) offsets(%dma_start3A_123 : memref<125xi32, #tpu.memory_space<vmem>>) semaphore(%arg23 : memref<!tpu.dma_semaphore, #tpu.memory_space<semaphore_mem>>) {add = true}
        %add3A_127 = arith.constant 3 : i32
        %add3A_128 = arith.addi %add3A_79, %add3A_127 : i32
        %dma_wait3A_129 = arith.constant 0 : i32
        %dma_wait3A_130 = tpu.memref_slice %arg7[%add3A_128, %dma_wait3A_129] : memref<160x125xi32, #tpu.memory_space<vmem>> -> memref<1x125xi32, #tpu.memory_space<vmem>>
        %dma_wait3A_131 = tpu.memref_squeeze %dma_wait3A_130 : memref<1x125xi32, #tpu.memory_space<vmem>> -> memref<125xi32, #tpu.memory_space<vmem>>
        %dma_wait3A_132 = arith.constant 0 : i32
        %dma_wait3A_133 = arith.constant 0 : i32
        %dma_wait3A_134 = tpu.memref_slice %arg2[%dma_wait3A_132, %dma_wait3A_133] : memref<10000x64xf32, #tpu.memory_space<hbm>> -> memref<10000x64xf32, #tpu.memory_space<hbm>>
        tpu.wait_indirect_dma semaphore(%arg19 : memref<!tpu.dma_semaphore, #tpu.memory_space<semaphore_mem>>) src(%dma_wait3A_134 : memref<10000x64xf32, #tpu.memory_space<hbm>>) dst(%arg12 : memref<125x64xf32, #tpu.memory_space<vmem>>)
        %add3A_135 = arith.constant 3 : i32
        %add3A_136 = arith.addi %add3A_79, %add3A_135 : i32
        %dma_start3A_137 = arith.constant 0 : i32
        %dma_start3A_138 = tpu.memref_slice %arg8[%add3A_136, %dma_start3A_137] : memref<160x125xi32, #tpu.memory_space<vmem>> -> memref<1x125xi32, #tpu.memory_space<vmem>>
        %dma_start3A_139 = tpu.memref_squeeze %dma_start3A_138 : memref<1x125xi32, #tpu.memory_space<vmem>> -> memref<125xi32, #tpu.memory_space<vmem>>
        %dma_start3A_140 = arith.constant 0 : i32
        %dma_start3A_141 = arith.constant 0 : i32
        %dma_start3A_142 = tpu.memref_slice %arg15[%dma_start3A_140, %dma_start3A_141] : memref<10240x64xf32, #tpu.memory_space<vmem_shared>> -> memref<10240x64xf32, #tpu.memory_space<vmem_shared>>
        tpu.enqueue_indirect_dma source(%arg12 : memref<125x64xf32, #tpu.memory_space<vmem>>) target(%dma_start3A_142 : memref<10240x64xf32, #tpu.memory_space<vmem_shared>>) offsets(%dma_start3A_139 : memref<125xi32, #tpu.memory_space<vmem>>) semaphore(%arg24 : memref<!tpu.dma_semaphore, #tpu.memory_space<semaphore_mem>>) {add = true}
        %add3A_143 = arith.constant 4 : i32
        %add3A_144 = arith.addi %add3A_79, %add3A_143 : i32
        %dma_wait3A_145 = arith.constant 0 : i32
        %dma_wait3A_146 = tpu.memref_slice %arg7[%add3A_144, %dma_wait3A_145] : memref<160x125xi32, #tpu.memory_space<vmem>> -> memref<1x125xi32, #tpu.memory_space<vmem>>
        %dma_wait3A_147 = tpu.memref_squeeze %dma_wait3A_146 : memref<1x125xi32, #tpu.memory_space<vmem>> -> memref<125xi32, #tpu.memory_space<vmem>>
        %dma_wait3A_148 = arith.constant 0 : i32
        %dma_wait3A_149 = arith.constant 0 : i32
        %dma_wait3A_150 = tpu.memref_slice %arg2[%dma_wait3A_148, %dma_wait3A_149] : memref<10000x64xf32, #tpu.memory_space<hbm>> -> memref<10000x64xf32, #tpu.memory_space<hbm>>
        tpu.wait_indirect_dma semaphore(%arg20 : memref<!tpu.dma_semaphore, #tpu.memory_space<semaphore_mem>>) src(%dma_wait3A_150 : memref<10000x64xf32, #tpu.memory_space<hbm>>) dst(%arg13 : memref<125x64xf32, #tpu.memory_space<vmem>>)
        %add3A_151 = arith.constant 4 : i32
        %add3A_152 = arith.addi %add3A_79, %add3A_151 : i32
        %dma_start3A_153 = arith.constant 0 : i32
        %dma_start3A_154 = tpu.memref_slice %arg8[%add3A_152, %dma_start3A_153] : memref<160x125xi32, #tpu.memory_space<vmem>> -> memref<1x125xi32, #tpu.memory_space<vmem>>
        %dma_start3A_155 = tpu.memref_squeeze %dma_start3A_154 : memref<1x125xi32, #tpu.memory_space<vmem>> -> memref<125xi32, #tpu.memory_space<vmem>>
        %dma_start3A_156 = arith.constant 0 : i32
        %dma_start3A_157 = arith.constant 0 : i32
        %dma_start3A_158 = tpu.memref_slice %arg15[%dma_start3A_156, %dma_start3A_157] : memref<10240x64xf32, #tpu.memory_space<vmem_shared>> -> memref<10240x64xf32, #tpu.memory_space<vmem_shared>>
        tpu.enqueue_indirect_dma source(%arg13 : memref<125x64xf32, #tpu.memory_space<vmem>>) target(%dma_start3A_158 : memref<10240x64xf32, #tpu.memory_space<vmem_shared>>) offsets(%dma_start3A_155 : memref<125xi32, #tpu.memory_space<vmem>>) semaphore(%arg25 : memref<!tpu.dma_semaphore, #tpu.memory_space<semaphore_mem>>) {add = true}
        %add3A_159 = arith.constant 0 : i32
        %add3A_160 = arith.addi %add3A_79, %add3A_159 : i32
        %dma_wait3A_161 = arith.constant 0 : i32
        %dma_wait3A_162 = tpu.memref_slice %arg8[%add3A_160, %dma_wait3A_161] : memref<160x125xi32, #tpu.memory_space<vmem>> -> memref<1x125xi32, #tpu.memory_space<vmem>>
        %dma_wait3A_163 = tpu.memref_squeeze %dma_wait3A_162 : memref<1x125xi32, #tpu.memory_space<vmem>> -> memref<125xi32, #tpu.memory_space<vmem>>
        %dma_wait3A_164 = arith.constant 0 : i32
        %dma_wait3A_165 = arith.constant 0 : i32
        %dma_wait3A_166 = tpu.memref_slice %arg15[%dma_wait3A_164, %dma_wait3A_165] : memref<10240x64xf32, #tpu.memory_space<vmem_shared>> -> memref<10240x64xf32, #tpu.memory_space<vmem_shared>>
        tpu.wait_indirect_dma semaphore(%arg21 : memref<!tpu.dma_semaphore, #tpu.memory_space<semaphore_mem>>) src(%arg9 : memref<125x64xf32, #tpu.memory_space<vmem>>) dst(%dma_wait3A_166 : memref<10240x64xf32, #tpu.memory_space<vmem_shared>>)
        %add3A_167 = arith.constant 0 : i32
        %add3A_168 = arith.addi %add3A_79, %add3A_167 : i32
        %add3A_169 = arith.constant 5 : i32
        %add3A_170 = arith.addi %add3A_168, %add3A_169 : i32
        %lt3A = arith.constant 160 : i32
        %lt3A_171 = arith.cmpi slt, %add3A_170, %lt3A : i32
        %convert_element_type3A_172 = arith.extui %lt3A_171 : i1 to i32
        %cond3A_173 = arith.constant 0 : i32
        %cond3A_174 = arith.cmpi ne, %convert_element_type3A_172, %cond3A_173 : i32
        scf.if %cond3A_174 {
          %add3A_243 = arith.constant 0 : i32
          %add3A_244 = arith.addi %add3A_79, %add3A_243 : i32
          %add3A_245 = arith.constant 5 : i32
          %add3A_246 = arith.addi %add3A_244, %add3A_245 : i32
          %dma_start3A_247 = arith.constant 0 : i32
          %dma_start3A_248 = tpu.memref_slice %arg7[%add3A_246, %dma_start3A_247] : memref<160x125xi32, #tpu.memory_space<vmem>> -> memref<1x125xi32, #tpu.memory_space<vmem>>
          %dma_start3A_249 = tpu.memref_squeeze %dma_start3A_248 : memref<1x125xi32, #tpu.memory_space<vmem>> -> memref<125xi32, #tpu.memory_space<vmem>>
          %dma_start3A_250 = arith.constant 0 : i32
          %dma_start3A_251 = arith.constant 0 : i32
          %dma_start3A_252 = tpu.memref_slice %arg2[%dma_start3A_250, %dma_start3A_251] : memref<10000x64xf32, #tpu.memory_space<hbm>> -> memref<10000x64xf32, #tpu.memory_space<hbm>>
          tpu.enqueue_indirect_dma source(%dma_start3A_252 : memref<10000x64xf32, #tpu.memory_space<hbm>>) target(%arg9 : memref<125x64xf32, #tpu.memory_space<vmem>>) offsets(%dma_start3A_249 : memref<125xi32, #tpu.memory_space<vmem>>) semaphore(%arg16 : memref<!tpu.dma_semaphore, #tpu.memory_space<semaphore_mem>>)
        } else {
        }
        %add3A_175 = arith.constant 1 : i32
        %add3A_176 = arith.addi %add3A_79, %add3A_175 : i32
        %dma_wait3A_177 = arith.constant 0 : i32
        %dma_wait3A_178 = tpu.memref_slice %arg8[%add3A_176, %dma_wait3A_177] : memref<160x125xi32, #tpu.memory_space<vmem>> -> memref<1x125xi32, #tpu.memory_space<vmem>>
        %dma_wait3A_179 = tpu.memref_squeeze %dma_wait3A_178 : memref<1x125xi32, #tpu.memory_space<vmem>> -> memref<125xi32, #tpu.memory_space<vmem>>
        %dma_wait3A_180 = arith.constant 0 : i32
        %dma_wait3A_181 = arith.constant 0 : i32
        %dma_wait3A_182 = tpu.memref_slice %arg15[%dma_wait3A_180, %dma_wait3A_181] : memref<10240x64xf32, #tpu.memory_space<vmem_shared>> -> memref<10240x64xf32, #tpu.memory_space<vmem_shared>>
        tpu.wait_indirect_dma semaphore(%arg22 : memref<!tpu.dma_semaphore, #tpu.memory_space<semaphore_mem>>) src(%arg10 : memref<125x64xf32, #tpu.memory_space<vmem>>) dst(%dma_wait3A_182 : memref<10240x64xf32, #tpu.memory_space<vmem_shared>>)
        %add3A_183 = arith.constant 1 : i32
        %add3A_184 = arith.addi %add3A_79, %add3A_183 : i32
        %add3A_185 = arith.constant 5 : i32
        %add3A_186 = arith.addi %add3A_184, %add3A_185 : i32
        %lt3A_187 = arith.constant 160 : i32
        %lt3A_188 = arith.cmpi slt, %add3A_186, %lt3A_187 : i32
        %convert_element_type3A_189 = arith.extui %lt3A_188 : i1 to i32
        %cond3A_190 = arith.constant 0 : i32
        %cond3A_191 = arith.cmpi ne, %convert_element_type3A_189, %cond3A_190 : i32
        scf.if %cond3A_191 {
          %add3A_243 = arith.constant 1 : i32
          %add3A_244 = arith.addi %add3A_79, %add3A_243 : i32
          %add3A_245 = arith.constant 5 : i32
          %add3A_246 = arith.addi %add3A_244, %add3A_245 : i32
          %dma_start3A_247 = arith.constant 0 : i32
          %dma_start3A_248 = tpu.memref_slice %arg7[%add3A_246, %dma_start3A_247] : memref<160x125xi32, #tpu.memory_space<vmem>> -> memref<1x125xi32, #tpu.memory_space<vmem>>
          %dma_start3A_249 = tpu.memref_squeeze %dma_start3A_248 : memref<1x125xi32, #tpu.memory_space<vmem>> -> memref<125xi32, #tpu.memory_space<vmem>>
          %dma_start3A_250 = arith.constant 0 : i32
          %dma_start3A_251 = arith.constant 0 : i32
          %dma_start3A_252 = tpu.memref_slice %arg2[%dma_start3A_250, %dma_start3A_251] : memref<10000x64xf32, #tpu.memory_space<hbm>> -> memref<10000x64xf32, #tpu.memory_space<hbm>>
          tpu.enqueue_indirect_dma source(%dma_start3A_252 : memref<10000x64xf32, #tpu.memory_space<hbm>>) target(%arg10 : memref<125x64xf32, #tpu.memory_space<vmem>>) offsets(%dma_start3A_249 : memref<125xi32, #tpu.memory_space<vmem>>) semaphore(%arg17 : memref<!tpu.dma_semaphore, #tpu.memory_space<semaphore_mem>>)
        } else {
        }
        %add3A_192 = arith.constant 2 : i32
        %add3A_193 = arith.addi %add3A_79, %add3A_192 : i32
        %dma_wait3A_194 = arith.constant 0 : i32
        %dma_wait3A_195 = tpu.memref_slice %arg8[%add3A_193, %dma_wait3A_194] : memref<160x125xi32, #tpu.memory_space<vmem>> -> memref<1x125xi32, #tpu.memory_space<vmem>>
        %dma_wait3A_196 = tpu.memref_squeeze %dma_wait3A_195 : memref<1x125xi32, #tpu.memory_space<vmem>> -> memref<125xi32, #tpu.memory_space<vmem>>
        %dma_wait3A_197 = arith.constant 0 : i32
        %dma_wait3A_198 = arith.constant 0 : i32
        %dma_wait3A_199 = tpu.memref_slice %arg15[%dma_wait3A_197, %dma_wait3A_198] : memref<10240x64xf32, #tpu.memory_space<vmem_shared>> -> memref<10240x64xf32, #tpu.memory_space<vmem_shared>>
        tpu.wait_indirect_dma semaphore(%arg23 : memref<!tpu.dma_semaphore, #tpu.memory_space<semaphore_mem>>) src(%arg11 : memref<125x64xf32, #tpu.memory_space<vmem>>) dst(%dma_wait3A_199 : memref<10240x64xf32, #tpu.memory_space<vmem_shared>>)
        %add3A_200 = arith.constant 2 : i32
        %add3A_201 = arith.addi %add3A_79, %add3A_200 : i32
        %add3A_202 = arith.constant 5 : i32
        %add3A_203 = arith.addi %add3A_201, %add3A_202 : i32
        %lt3A_204 = arith.constant 160 : i32
        %lt3A_205 = arith.cmpi slt, %add3A_203, %lt3A_204 : i32
        %convert_element_type3A_206 = arith.extui %lt3A_205 : i1 to i32
        %cond3A_207 = arith.constant 0 : i32
        %cond3A_208 = arith.cmpi ne, %convert_element_type3A_206, %cond3A_207 : i32
        scf.if %cond3A_208 {
          %add3A_243 = arith.constant 2 : i32
          %add3A_244 = arith.addi %add3A_79, %add3A_243 : i32
          %add3A_245 = arith.constant 5 : i32
          %add3A_246 = arith.addi %add3A_244, %add3A_245 : i32
          %dma_start3A_247 = arith.constant 0 : i32
          %dma_start3A_248 = tpu.memref_slice %arg7[%add3A_246, %dma_start3A_247] : memref<160x125xi32, #tpu.memory_space<vmem>> -> memref<1x125xi32, #tpu.memory_space<vmem>>
          %dma_start3A_249 = tpu.memref_squeeze %dma_start3A_248 : memref<1x125xi32, #tpu.memory_space<vmem>> -> memref<125xi32, #tpu.memory_space<vmem>>
          %dma_start3A_250 = arith.constant 0 : i32
          %dma_start3A_251 = arith.constant 0 : i32
          %dma_start3A_252 = tpu.memref_slice %arg2[%dma_start3A_250, %dma_start3A_251] : memref<10000x64xf32, #tpu.memory_space<hbm>> -> memref<10000x64xf32, #tpu.memory_space<hbm>>
          tpu.enqueue_indirect_dma source(%dma_start3A_252 : memref<10000x64xf32, #tpu.memory_space<hbm>>) target(%arg11 : memref<125x64xf32, #tpu.memory_space<vmem>>) offsets(%dma_start3A_249 : memref<125xi32, #tpu.memory_space<vmem>>) semaphore(%arg18 : memref<!tpu.dma_semaphore, #tpu.memory_space<semaphore_mem>>)
        } else {
        }
        %add3A_209 = arith.constant 3 : i32
        %add3A_210 = arith.addi %add3A_79, %add3A_209 : i32
        %dma_wait3A_211 = arith.constant 0 : i32
        %dma_wait3A_212 = tpu.memref_slice %arg8[%add3A_210, %dma_wait3A_211] : memref<160x125xi32, #tpu.memory_space<vmem>> -> memref<1x125xi32, #tpu.memory_space<vmem>>
        %dma_wait3A_213 = tpu.memref_squeeze %dma_wait3A_212 : memref<1x125xi32, #tpu.memory_space<vmem>> -> memref<125xi32, #tpu.memory_space<vmem>>
        %dma_wait3A_214 = arith.constant 0 : i32
        %dma_wait3A_215 = arith.constant 0 : i32
        %dma_wait3A_216 = tpu.memref_slice %arg15[%dma_wait3A_214, %dma_wait3A_215] : memref<10240x64xf32, #tpu.memory_space<vmem_shared>> -> memref<10240x64xf32, #tpu.memory_space<vmem_shared>>
        tpu.wait_indirect_dma semaphore(%arg24 : memref<!tpu.dma_semaphore, #tpu.memory_space<semaphore_mem>>) src(%arg12 : memref<125x64xf32, #tpu.memory_space<vmem>>) dst(%dma_wait3A_216 : memref<10240x64xf32, #tpu.memory_space<vmem_shared>>)
        %add3A_217 = arith.constant 3 : i32
        %add3A_218 = arith.addi %add3A_79, %add3A_217 : i32
        %add3A_219 = arith.constant 5 : i32
        %add3A_220 = arith.addi %add3A_218, %add3A_219 : i32
        %lt3A_221 = arith.constant 160 : i32
        %lt3A_222 = arith.cmpi slt, %add3A_220, %lt3A_221 : i32
        %convert_element_type3A_223 = arith.extui %lt3A_222 : i1 to i32
        %cond3A_224 = arith.constant 0 : i32
        %cond3A_225 = arith.cmpi ne, %convert_element_type3A_223, %cond3A_224 : i32
        scf.if %cond3A_225 {
          %add3A_243 = arith.constant 3 : i32
          %add3A_244 = arith.addi %add3A_79, %add3A_243 : i32
          %add3A_245 = arith.constant 5 : i32
          %add3A_246 = arith.addi %add3A_244, %add3A_245 : i32
          %dma_start3A_247 = arith.constant 0 : i32
          %dma_start3A_248 = tpu.memref_slice %arg7[%add3A_246, %dma_start3A_247] : memref<160x125xi32, #tpu.memory_space<vmem>> -> memref<1x125xi32, #tpu.memory_space<vmem>>
          %dma_start3A_249 = tpu.memref_squeeze %dma_start3A_248 : memref<1x125xi32, #tpu.memory_space<vmem>> -> memref<125xi32, #tpu.memory_space<vmem>>
          %dma_start3A_250 = arith.constant 0 : i32
          %dma_start3A_251 = arith.constant 0 : i32
          %dma_start3A_252 = tpu.memref_slice %arg2[%dma_start3A_250, %dma_start3A_251] : memref<10000x64xf32, #tpu.memory_space<hbm>> -> memref<10000x64xf32, #tpu.memory_space<hbm>>
          tpu.enqueue_indirect_dma source(%dma_start3A_252 : memref<10000x64xf32, #tpu.memory_space<hbm>>) target(%arg12 : memref<125x64xf32, #tpu.memory_space<vmem>>) offsets(%dma_start3A_249 : memref<125xi32, #tpu.memory_space<vmem>>) semaphore(%arg19 : memref<!tpu.dma_semaphore, #tpu.memory_space<semaphore_mem>>)
        } else {
        }
        %add3A_226 = arith.constant 4 : i32
        %add3A_227 = arith.addi %add3A_79, %add3A_226 : i32
        %dma_wait3A_228 = arith.constant 0 : i32
        %dma_wait3A_229 = tpu.memref_slice %arg8[%add3A_227, %dma_wait3A_228] : memref<160x125xi32, #tpu.memory_space<vmem>> -> memref<1x125xi32, #tpu.memory_space<vmem>>
        %dma_wait3A_230 = tpu.memref_squeeze %dma_wait3A_229 : memref<1x125xi32, #tpu.memory_space<vmem>> -> memref<125xi32, #tpu.memory_space<vmem>>
        %dma_wait3A_231 = arith.constant 0 : i32
        %dma_wait3A_232 = arith.constant 0 : i32
        %dma_wait3A_233 = tpu.memref_slice %arg15[%dma_wait3A_231, %dma_wait3A_232] : memref<10240x64xf32, #tpu.memory_space<vmem_shared>> -> memref<10240x64xf32, #tpu.memory_space<vmem_shared>>
        tpu.wait_indirect_dma semaphore(%arg25 : memref<!tpu.dma_semaphore, #tpu.memory_space<semaphore_mem>>) src(%arg13 : memref<125x64xf32, #tpu.memory_space<vmem>>) dst(%dma_wait3A_233 : memref<10240x64xf32, #tpu.memory_space<vmem_shared>>)
        %add3A_234 = arith.constant 4 : i32
        %add3A_235 = arith.addi %add3A_79, %add3A_234 : i32
        %add3A_236 = arith.constant 5 : i32
        %add3A_237 = arith.addi %add3A_235, %add3A_236 : i32
        %lt3A_238 = arith.constant 160 : i32
        %lt3A_239 = arith.cmpi slt, %add3A_237, %lt3A_238 : i32
        %convert_element_type3A_240 = arith.extui %lt3A_239 : i1 to i32
        %cond3A_241 = arith.constant 0 : i32
        %cond3A_242 = arith.cmpi ne, %convert_element_type3A_240, %cond3A_241 : i32
        scf.if %cond3A_242 {
          %add3A_243 = arith.constant 4 : i32
          %add3A_244 = arith.addi %add3A_79, %add3A_243 : i32
          %add3A_245 = arith.constant 5 : i32
          %add3A_246 = arith.addi %add3A_244, %add3A_245 : i32
          %dma_start3A_247 = arith.constant 0 : i32
          %dma_start3A_248 = tpu.memref_slice %arg7[%add3A_246, %dma_start3A_247] : memref<160x125xi32, #tpu.memory_space<vmem>> -> memref<1x125xi32, #tpu.memory_space<vmem>>
          %dma_start3A_249 = tpu.memref_squeeze %dma_start3A_248 : memref<1x125xi32, #tpu.memory_space<vmem>> -> memref<125xi32, #tpu.memory_space<vmem>>
          %dma_start3A_250 = arith.constant 0 : i32
          %dma_start3A_251 = arith.constant 0 : i32
          %dma_start3A_252 = tpu.memref_slice %arg2[%dma_start3A_250, %dma_start3A_251] : memref<10000x64xf32, #tpu.memory_space<hbm>> -> memref<10000x64xf32, #tpu.memory_space<hbm>>
          tpu.enqueue_indirect_dma source(%dma_start3A_252 : memref<10000x64xf32, #tpu.memory_space<hbm>>) target(%arg13 : memref<125x64xf32, #tpu.memory_space<vmem>>) offsets(%dma_start3A_249 : memref<125xi32, #tpu.memory_space<vmem>>) semaphore(%arg20 : memref<!tpu.dma_semaphore, #tpu.memory_space<semaphore_mem>>)
        } else {
        }
      }
      %scan3A_74 = arith.constant 32 : i32
    } else {
    }
    %eq3A_24 = arith.constant 1 : i32
    %eq3A_25 = arith.cmpi eq, %arg0, %eq3A_24 : i32
    %convert_element_type3A_26 = arith.extui %eq3A_25 : i1 to i32
    %cond3A_27 = arith.constant 0 : i32
    %cond3A_28 = arith.cmpi ne, %convert_element_type3A_26, %cond3A_27 : i32
    scf.if %cond3A_28 {
      %dma_start3A = arith.constant 0 : i32
      %dma_start3A_36 = arith.constant 0 : i32
      %dma_start3A_37 = tpu.memref_slice %arg7[%dma_start3A, %dma_start3A_36] : memref<160x125xi32, #tpu.memory_space<vmem>> -> memref<1x125xi32, #tpu.memory_space<vmem>>
      %dma_start3A_38 = tpu.memref_squeeze %dma_start3A_37 : memref<1x125xi32, #tpu.memory_space<vmem>> -> memref<125xi32, #tpu.memory_space<vmem>>
      %dma_start3A_39 = arith.constant 0 : i32
      %dma_start3A_40 = arith.constant 0 : i32
      %dma_start3A_41 = tpu.memref_slice %arg3[%dma_start3A_39, %dma_start3A_40] : memref<10000x64xf32, #tpu.memory_space<hbm>> -> memref<10000x64xf32, #tpu.memory_space<hbm>>
      tpu.enqueue_indirect_dma source(%dma_start3A_41 : memref<10000x64xf32, #tpu.memory_space<hbm>>) target(%arg9 : memref<125x64xf32, #tpu.memory_space<vmem>>) offsets(%dma_start3A_38 : memref<125xi32, #tpu.memory_space<vmem>>) semaphore(%arg16 : memref<!tpu.dma_semaphore, #tpu.memory_space<semaphore_mem>>)
      %dma_start3A_42 = arith.constant 1 : i32
      %dma_start3A_43 = arith.constant 0 : i32
      %dma_start3A_44 = tpu.memref_slice %arg7[%dma_start3A_42, %dma_start3A_43] : memref<160x125xi32, #tpu.memory_space<vmem>> -> memref<1x125xi32, #tpu.memory_space<vmem>>
      %dma_start3A_45 = tpu.memref_squeeze %dma_start3A_44 : memref<1x125xi32, #tpu.memory_space<vmem>> -> memref<125xi32, #tpu.memory_space<vmem>>
      %dma_start3A_46 = arith.constant 0 : i32
      %dma_start3A_47 = arith.constant 0 : i32
      %dma_start3A_48 = tpu.memref_slice %arg3[%dma_start3A_46, %dma_start3A_47] : memref<10000x64xf32, #tpu.memory_space<hbm>> -> memref<10000x64xf32, #tpu.memory_space<hbm>>
      tpu.enqueue_indirect_dma source(%dma_start3A_48 : memref<10000x64xf32, #tpu.memory_space<hbm>>) target(%arg10 : memref<125x64xf32, #tpu.memory_space<vmem>>) offsets(%dma_start3A_45 : memref<125xi32, #tpu.memory_space<vmem>>) semaphore(%arg17 : memref<!tpu.dma_semaphore, #tpu.memory_space<semaphore_mem>>)
      %dma_start3A_49 = arith.constant 2 : i32
      %dma_start3A_50 = arith.constant 0 : i32
      %dma_start3A_51 = tpu.memref_slice %arg7[%dma_start3A_49, %dma_start3A_50] : memref<160x125xi32, #tpu.memory_space<vmem>> -> memref<1x125xi32, #tpu.memory_space<vmem>>
      %dma_start3A_52 = tpu.memref_squeeze %dma_start3A_51 : memref<1x125xi32, #tpu.memory_space<vmem>> -> memref<125xi32, #tpu.memory_space<vmem>>
      %dma_start3A_53 = arith.constant 0 : i32
      %dma_start3A_54 = arith.constant 0 : i32
      %dma_start3A_55 = tpu.memref_slice %arg3[%dma_start3A_53, %dma_start3A_54] : memref<10000x64xf32, #tpu.memory_space<hbm>> -> memref<10000x64xf32, #tpu.memory_space<hbm>>
      tpu.enqueue_indirect_dma source(%dma_start3A_55 : memref<10000x64xf32, #tpu.memory_space<hbm>>) target(%arg11 : memref<125x64xf32, #tpu.memory_space<vmem>>) offsets(%dma_start3A_52 : memref<125xi32, #tpu.memory_space<vmem>>) semaphore(%arg18 : memref<!tpu.dma_semaphore, #tpu.memory_space<semaphore_mem>>)
      %dma_start3A_56 = arith.constant 3 : i32
      %dma_start3A_57 = arith.constant 0 : i32
      %dma_start3A_58 = tpu.memref_slice %arg7[%dma_start3A_56, %dma_start3A_57] : memref<160x125xi32, #tpu.memory_space<vmem>> -> memref<1x125xi32, #tpu.memory_space<vmem>>
      %dma_start3A_59 = tpu.memref_squeeze %dma_start3A_58 : memref<1x125xi32, #tpu.memory_space<vmem>> -> memref<125xi32, #tpu.memory_space<vmem>>
      %dma_start3A_60 = arith.constant 0 : i32
      %dma_start3A_61 = arith.constant 0 : i32
      %dma_start3A_62 = tpu.memref_slice %arg3[%dma_start3A_60, %dma_start3A_61] : memref<10000x64xf32, #tpu.memory_space<hbm>> -> memref<10000x64xf32, #tpu.memory_space<hbm>>
      tpu.enqueue_indirect_dma source(%dma_start3A_62 : memref<10000x64xf32, #tpu.memory_space<hbm>>) target(%arg12 : memref<125x64xf32, #tpu.memory_space<vmem>>) offsets(%dma_start3A_59 : memref<125xi32, #tpu.memory_space<vmem>>) semaphore(%arg19 : memref<!tpu.dma_semaphore, #tpu.memory_space<semaphore_mem>>)
      %dma_start3A_63 = arith.constant 4 : i32
      %dma_start3A_64 = arith.constant 0 : i32
      %dma_start3A_65 = tpu.memref_slice %arg7[%dma_start3A_63, %dma_start3A_64] : memref<160x125xi32, #tpu.memory_space<vmem>> -> memref<1x125xi32, #tpu.memory_space<vmem>>
      %dma_start3A_66 = tpu.memref_squeeze %dma_start3A_65 : memref<1x125xi32, #tpu.memory_space<vmem>> -> memref<125xi32, #tpu.memory_space<vmem>>
      %dma_start3A_67 = arith.constant 0 : i32
      %dma_start3A_68 = arith.constant 0 : i32
      %dma_start3A_69 = tpu.memref_slice %arg3[%dma_start3A_67, %dma_start3A_68] : memref<10000x64xf32, #tpu.memory_space<hbm>> -> memref<10000x64xf32, #tpu.memory_space<hbm>>
      tpu.enqueue_indirect_dma source(%dma_start3A_69 : memref<10000x64xf32, #tpu.memory_space<hbm>>) target(%arg13 : memref<125x64xf32, #tpu.memory_space<vmem>>) offsets(%dma_start3A_66 : memref<125xi32, #tpu.memory_space<vmem>>) semaphore(%arg20 : memref<!tpu.dma_semaphore, #tpu.memory_space<semaphore_mem>>)
      %scan3A_70 = arith.constant 0 : i32
      %scan3A_71 = arith.constant 32 : i32
      %scan3A_72 = arith.addi %scan3A_70, %scan3A_71 : i32
      %scan3A_73 = arith.constant 1 : i32
      scf.for %scan3A_75 = %scan3A_70 to %scan3A_72 step %scan3A_73  : i32 {
        %mul3A_76 = arith.constant 5 : i32
        %mul3A_77 = arith.muli %scan3A_75, %mul3A_76 : i32
        %add3A_78 = arith.constant 0 : i32
        %add3A_79 = arith.addi %add3A_78, %mul3A_77 : i32
        %add3A_80 = arith.constant 0 : i32
        %add3A_81 = arith.addi %add3A_79, %add3A_80 : i32
        %dma_wait3A = arith.constant 0 : i32
        %dma_wait3A_82 = tpu.memref_slice %arg7[%add3A_81, %dma_wait3A] : memref<160x125xi32, #tpu.memory_space<vmem>> -> memref<1x125xi32, #tpu.memory_space<vmem>>
        %dma_wait3A_83 = tpu.memref_squeeze %dma_wait3A_82 : memref<1x125xi32, #tpu.memory_space<vmem>> -> memref<125xi32, #tpu.memory_space<vmem>>
        %dma_wait3A_84 = arith.constant 0 : i32
        %dma_wait3A_85 = arith.constant 0 : i32
        %dma_wait3A_86 = tpu.memref_slice %arg3[%dma_wait3A_84, %dma_wait3A_85] : memref<10000x64xf32, #tpu.memory_space<hbm>> -> memref<10000x64xf32, #tpu.memory_space<hbm>>
        tpu.wait_indirect_dma semaphore(%arg16 : memref<!tpu.dma_semaphore, #tpu.memory_space<semaphore_mem>>) src(%dma_wait3A_86 : memref<10000x64xf32, #tpu.memory_space<hbm>>) dst(%arg9 : memref<125x64xf32, #tpu.memory_space<vmem>>)
        %add3A_87 = arith.constant 0 : i32
        %add3A_88 = arith.addi %add3A_79, %add3A_87 : i32
        %dma_start3A_89 = arith.constant 0 : i32
        %dma_start3A_90 = tpu.memref_slice %arg8[%add3A_88, %dma_start3A_89] : memref<160x125xi32, #tpu.memory_space<vmem>> -> memref<1x125xi32, #tpu.memory_space<vmem>>
        %dma_start3A_91 = tpu.memref_squeeze %dma_start3A_90 : memref<1x125xi32, #tpu.memory_space<vmem>> -> memref<125xi32, #tpu.memory_space<vmem>>
        %dma_start3A_92 = arith.constant 0 : i32
        %dma_start3A_93 = arith.constant 0 : i32
        %dma_start3A_94 = tpu.memref_slice %arg15[%dma_start3A_92, %dma_start3A_93] : memref<10240x64xf32, #tpu.memory_space<vmem_shared>> -> memref<10240x64xf32, #tpu.memory_space<vmem_shared>>
        tpu.enqueue_indirect_dma source(%arg9 : memref<125x64xf32, #tpu.memory_space<vmem>>) target(%dma_start3A_94 : memref<10240x64xf32, #tpu.memory_space<vmem_shared>>) offsets(%dma_start3A_91 : memref<125xi32, #tpu.memory_space<vmem>>) semaphore(%arg21 : memref<!tpu.dma_semaphore, #tpu.memory_space<semaphore_mem>>) {add = true}
        %add3A_95 = arith.constant 1 : i32
        %add3A_96 = arith.addi %add3A_79, %add3A_95 : i32
        %dma_wait3A_97 = arith.constant 0 : i32
        %dma_wait3A_98 = tpu.memref_slice %arg7[%add3A_96, %dma_wait3A_97] : memref<160x125xi32, #tpu.memory_space<vmem>> -> memref<1x125xi32, #tpu.memory_space<vmem>>
        %dma_wait3A_99 = tpu.memref_squeeze %dma_wait3A_98 : memref<1x125xi32, #tpu.memory_space<vmem>> -> memref<125xi32, #tpu.memory_space<vmem>>
        %dma_wait3A_100 = arith.constant 0 : i32
        %dma_wait3A_101 = arith.constant 0 : i32
        %dma_wait3A_102 = tpu.memref_slice %arg3[%dma_wait3A_100, %dma_wait3A_101] : memref<10000x64xf32, #tpu.memory_space<hbm>> -> memref<10000x64xf32, #tpu.memory_space<hbm>>
        tpu.wait_indirect_dma semaphore(%arg17 : memref<!tpu.dma_semaphore, #tpu.memory_space<semaphore_mem>>) src(%dma_wait3A_102 : memref<10000x64xf32, #tpu.memory_space<hbm>>) dst(%arg10 : memref<125x64xf32, #tpu.memory_space<vmem>>)
        %add3A_103 = arith.constant 1 : i32
        %add3A_104 = arith.addi %add3A_79, %add3A_103 : i32
        %dma_start3A_105 = arith.constant 0 : i32
        %dma_start3A_106 = tpu.memref_slice %arg8[%add3A_104, %dma_start3A_105] : memref<160x125xi32, #tpu.memory_space<vmem>> -> memref<1x125xi32, #tpu.memory_space<vmem>>
        %dma_start3A_107 = tpu.memref_squeeze %dma_start3A_106 : memref<1x125xi32, #tpu.memory_space<vmem>> -> memref<125xi32, #tpu.memory_space<vmem>>
        %dma_start3A_108 = arith.constant 0 : i32
        %dma_start3A_109 = arith.constant 0 : i32
        %dma_start3A_110 = tpu.memref_slice %arg15[%dma_start3A_108, %dma_start3A_109] : memref<10240x64xf32, #tpu.memory_space<vmem_shared>> -> memref<10240x64xf32, #tpu.memory_space<vmem_shared>>
        tpu.enqueue_indirect_dma source(%arg10 : memref<125x64xf32, #tpu.memory_space<vmem>>) target(%dma_start3A_110 : memref<10240x64xf32, #tpu.memory_space<vmem_shared>>) offsets(%dma_start3A_107 : memref<125xi32, #tpu.memory_space<vmem>>) semaphore(%arg22 : memref<!tpu.dma_semaphore, #tpu.memory_space<semaphore_mem>>) {add = true}
        %add3A_111 = arith.constant 2 : i32
        %add3A_112 = arith.addi %add3A_79, %add3A_111 : i32
        %dma_wait3A_113 = arith.constant 0 : i32
        %dma_wait3A_114 = tpu.memref_slice %arg7[%add3A_112, %dma_wait3A_113] : memref<160x125xi32, #tpu.memory_space<vmem>> -> memref<1x125xi32, #tpu.memory_space<vmem>>
        %dma_wait3A_115 = tpu.memref_squeeze %dma_wait3A_114 : memref<1x125xi32, #tpu.memory_space<vmem>> -> memref<125xi32, #tpu.memory_space<vmem>>
        %dma_wait3A_116 = arith.constant 0 : i32
        %dma_wait3A_117 = arith.constant 0 : i32
        %dma_wait3A_118 = tpu.memref_slice %arg3[%dma_wait3A_116, %dma_wait3A_117] : memref<10000x64xf32, #tpu.memory_space<hbm>> -> memref<10000x64xf32, #tpu.memory_space<hbm>>
        tpu.wait_indirect_dma semaphore(%arg18 : memref<!tpu.dma_semaphore, #tpu.memory_space<semaphore_mem>>) src(%dma_wait3A_118 : memref<10000x64xf32, #tpu.memory_space<hbm>>) dst(%arg11 : memref<125x64xf32, #tpu.memory_space<vmem>>)
        %add3A_119 = arith.constant 2 : i32
        %add3A_120 = arith.addi %add3A_79, %add3A_119 : i32
        %dma_start3A_121 = arith.constant 0 : i32
        %dma_start3A_122 = tpu.memref_slice %arg8[%add3A_120, %dma_start3A_121] : memref<160x125xi32, #tpu.memory_space<vmem>> -> memref<1x125xi32, #tpu.memory_space<vmem>>
        %dma_start3A_123 = tpu.memref_squeeze %dma_start3A_122 : memref<1x125xi32, #tpu.memory_space<vmem>> -> memref<125xi32, #tpu.memory_space<vmem>>
        %dma_start3A_124 = arith.constant 0 : i32
        %dma_start3A_125 = arith.constant 0 : i32
        %dma_start3A_126 = tpu.memref_slice %arg15[%dma_start3A_124, %dma_start3A_125] : memref<10240x64xf32, #tpu.memory_space<vmem_shared>> -> memref<10240x64xf32, #tpu.memory_space<vmem_shared>>
        tpu.enqueue_indirect_dma source(%arg11 : memref<125x64xf32, #tpu.memory_space<vmem>>) target(%dma_start3A_126 : memref<10240x64xf32, #tpu.memory_space<vmem_shared>>) offsets(%dma_start3A_123 : memref<125xi32, #tpu.memory_space<vmem>>) semaphore(%arg23 : memref<!tpu.dma_semaphore, #tpu.memory_space<semaphore_mem>>) {add = true}
        %add3A_127 = arith.constant 3 : i32
        %add3A_128 = arith.addi %add3A_79, %add3A_127 : i32
        %dma_wait3A_129 = arith.constant 0 : i32
        %dma_wait3A_130 = tpu.memref_slice %arg7[%add3A_128, %dma_wait3A_129] : memref<160x125xi32, #tpu.memory_space<vmem>> -> memref<1x125xi32, #tpu.memory_space<vmem>>
        %dma_wait3A_131 = tpu.memref_squeeze %dma_wait3A_130 : memref<1x125xi32, #tpu.memory_space<vmem>> -> memref<125xi32, #tpu.memory_space<vmem>>
        %dma_wait3A_132 = arith.constant 0 : i32
        %dma_wait3A_133 = arith.constant 0 : i32
        %dma_wait3A_134 = tpu.memref_slice %arg3[%dma_wait3A_132, %dma_wait3A_133] : memref<10000x64xf32, #tpu.memory_space<hbm>> -> memref<10000x64xf32, #tpu.memory_space<hbm>>
        tpu.wait_indirect_dma semaphore(%arg19 : memref<!tpu.dma_semaphore, #tpu.memory_space<semaphore_mem>>) src(%dma_wait3A_134 : memref<10000x64xf32, #tpu.memory_space<hbm>>) dst(%arg12 : memref<125x64xf32, #tpu.memory_space<vmem>>)
        %add3A_135 = arith.constant 3 : i32
        %add3A_136 = arith.addi %add3A_79, %add3A_135 : i32
        %dma_start3A_137 = arith.constant 0 : i32
        %dma_start3A_138 = tpu.memref_slice %arg8[%add3A_136, %dma_start3A_137] : memref<160x125xi32, #tpu.memory_space<vmem>> -> memref<1x125xi32, #tpu.memory_space<vmem>>
        %dma_start3A_139 = tpu.memref_squeeze %dma_start3A_138 : memref<1x125xi32, #tpu.memory_space<vmem>> -> memref<125xi32, #tpu.memory_space<vmem>>
        %dma_start3A_140 = arith.constant 0 : i32
        %dma_start3A_141 = arith.constant 0 : i32
        %dma_start3A_142 = tpu.memref_slice %arg15[%dma_start3A_140, %dma_start3A_141] : memref<10240x64xf32, #tpu.memory_space<vmem_shared>> -> memref<10240x64xf32, #tpu.memory_space<vmem_shared>>
        tpu.enqueue_indirect_dma source(%arg12 : memref<125x64xf32, #tpu.memory_space<vmem>>) target(%dma_start3A_142 : memref<10240x64xf32, #tpu.memory_space<vmem_shared>>) offsets(%dma_start3A_139 : memref<125xi32, #tpu.memory_space<vmem>>) semaphore(%arg24 : memref<!tpu.dma_semaphore, #tpu.memory_space<semaphore_mem>>) {add = true}
        %add3A_143 = arith.constant 4 : i32
        %add3A_144 = arith.addi %add3A_79, %add3A_143 : i32
        %dma_wait3A_145 = arith.constant 0 : i32
        %dma_wait3A_146 = tpu.memref_slice %arg7[%add3A_144, %dma_wait3A_145] : memref<160x125xi32, #tpu.memory_space<vmem>> -> memref<1x125xi32, #tpu.memory_space<vmem>>
        %dma_wait3A_147 = tpu.memref_squeeze %dma_wait3A_146 : memref<1x125xi32, #tpu.memory_space<vmem>> -> memref<125xi32, #tpu.memory_space<vmem>>
        %dma_wait3A_148 = arith.constant 0 : i32
        %dma_wait3A_149 = arith.constant 0 : i32
        %dma_wait3A_150 = tpu.memref_slice %arg3[%dma_wait3A_148, %dma_wait3A_149] : memref<10000x64xf32, #tpu.memory_space<hbm>> -> memref<10000x64xf32, #tpu.memory_space<hbm>>
        tpu.wait_indirect_dma semaphore(%arg20 : memref<!tpu.dma_semaphore, #tpu.memory_space<semaphore_mem>>) src(%dma_wait3A_150 : memref<10000x64xf32, #tpu.memory_space<hbm>>) dst(%arg13 : memref<125x64xf32, #tpu.memory_space<vmem>>)
        %add3A_151 = arith.constant 4 : i32
        %add3A_152 = arith.addi %add3A_79, %add3A_151 : i32
        %dma_start3A_153 = arith.constant 0 : i32
        %dma_start3A_154 = tpu.memref_slice %arg8[%add3A_152, %dma_start3A_153] : memref<160x125xi32, #tpu.memory_space<vmem>> -> memref<1x125xi32, #tpu.memory_space<vmem>>
        %dma_start3A_155 = tpu.memref_squeeze %dma_start3A_154 : memref<1x125xi32, #tpu.memory_space<vmem>> -> memref<125xi32, #tpu.memory_space<vmem>>
        %dma_start3A_156 = arith.constant 0 : i32
        %dma_start3A_157 = arith.constant 0 : i32
        %dma_start3A_158 = tpu.memref_slice %arg15[%dma_start3A_156, %dma_start3A_157] : memref<10240x64xf32, #tpu.memory_space<vmem_shared>> -> memref<10240x64xf32, #tpu.memory_space<vmem_shared>>
        tpu.enqueue_indirect_dma source(%arg13 : memref<125x64xf32, #tpu.memory_space<vmem>>) target(%dma_start3A_158 : memref<10240x64xf32, #tpu.memory_space<vmem_shared>>) offsets(%dma_start3A_155 : memref<125xi32, #tpu.memory_space<vmem>>) semaphore(%arg25 : memref<!tpu.dma_semaphore, #tpu.memory_space<semaphore_mem>>) {add = true}
        %add3A_159 = arith.constant 0 : i32
        %add3A_160 = arith.addi %add3A_79, %add3A_159 : i32
        %dma_wait3A_161 = arith.constant 0 : i32
        %dma_wait3A_162 = tpu.memref_slice %arg8[%add3A_160, %dma_wait3A_161] : memref<160x125xi32, #tpu.memory_space<vmem>> -> memref<1x125xi32, #tpu.memory_space<vmem>>
        %dma_wait3A_163 = tpu.memref_squeeze %dma_wait3A_162 : memref<1x125xi32, #tpu.memory_space<vmem>> -> memref<125xi32, #tpu.memory_space<vmem>>
        %dma_wait3A_164 = arith.constant 0 : i32
        %dma_wait3A_165 = arith.constant 0 : i32
        %dma_wait3A_166 = tpu.memref_slice %arg15[%dma_wait3A_164, %dma_wait3A_165] : memref<10240x64xf32, #tpu.memory_space<vmem_shared>> -> memref<10240x64xf32, #tpu.memory_space<vmem_shared>>
        tpu.wait_indirect_dma semaphore(%arg21 : memref<!tpu.dma_semaphore, #tpu.memory_space<semaphore_mem>>) src(%arg9 : memref<125x64xf32, #tpu.memory_space<vmem>>) dst(%dma_wait3A_166 : memref<10240x64xf32, #tpu.memory_space<vmem_shared>>)
        %add3A_167 = arith.constant 0 : i32
        %add3A_168 = arith.addi %add3A_79, %add3A_167 : i32
        %add3A_169 = arith.constant 5 : i32
        %add3A_170 = arith.addi %add3A_168, %add3A_169 : i32
        %lt3A = arith.constant 160 : i32
        %lt3A_171 = arith.cmpi slt, %add3A_170, %lt3A : i32
        %convert_element_type3A_172 = arith.extui %lt3A_171 : i1 to i32
        %cond3A_173 = arith.constant 0 : i32
        %cond3A_174 = arith.cmpi ne, %convert_element_type3A_172, %cond3A_173 : i32
        scf.if %cond3A_174 {
          %add3A_243 = arith.constant 0 : i32
          %add3A_244 = arith.addi %add3A_79, %add3A_243 : i32
          %add3A_245 = arith.constant 5 : i32
          %add3A_246 = arith.addi %add3A_244, %add3A_245 : i32
          %dma_start3A_247 = arith.constant 0 : i32
          %dma_start3A_248 = tpu.memref_slice %arg7[%add3A_246, %dma_start3A_247] : memref<160x125xi32, #tpu.memory_space<vmem>> -> memref<1x125xi32, #tpu.memory_space<vmem>>
          %dma_start3A_249 = tpu.memref_squeeze %dma_start3A_248 : memref<1x125xi32, #tpu.memory_space<vmem>> -> memref<125xi32, #tpu.memory_space<vmem>>
          %dma_start3A_250 = arith.constant 0 : i32
          %dma_start3A_251 = arith.constant 0 : i32
          %dma_start3A_252 = tpu.memref_slice %arg3[%dma_start3A_250, %dma_start3A_251] : memref<10000x64xf32, #tpu.memory_space<hbm>> -> memref<10000x64xf32, #tpu.memory_space<hbm>>
          tpu.enqueue_indirect_dma source(%dma_start3A_252 : memref<10000x64xf32, #tpu.memory_space<hbm>>) target(%arg9 : memref<125x64xf32, #tpu.memory_space<vmem>>) offsets(%dma_start3A_249 : memref<125xi32, #tpu.memory_space<vmem>>) semaphore(%arg16 : memref<!tpu.dma_semaphore, #tpu.memory_space<semaphore_mem>>)
        } else {
        }
        %add3A_175 = arith.constant 1 : i32
        %add3A_176 = arith.addi %add3A_79, %add3A_175 : i32
        %dma_wait3A_177 = arith.constant 0 : i32
        %dma_wait3A_178 = tpu.memref_slice %arg8[%add3A_176, %dma_wait3A_177] : memref<160x125xi32, #tpu.memory_space<vmem>> -> memref<1x125xi32, #tpu.memory_space<vmem>>
        %dma_wait3A_179 = tpu.memref_squeeze %dma_wait3A_178 : memref<1x125xi32, #tpu.memory_space<vmem>> -> memref<125xi32, #tpu.memory_space<vmem>>
        %dma_wait3A_180 = arith.constant 0 : i32
        %dma_wait3A_181 = arith.constant 0 : i32
        %dma_wait3A_182 = tpu.memref_slice %arg15[%dma_wait3A_180, %dma_wait3A_181] : memref<10240x64xf32, #tpu.memory_space<vmem_shared>> -> memref<10240x64xf32, #tpu.memory_space<vmem_shared>>
        tpu.wait_indirect_dma semaphore(%arg22 : memref<!tpu.dma_semaphore, #tpu.memory_space<semaphore_mem>>) src(%arg10 : memref<125x64xf32, #tpu.memory_space<vmem>>) dst(%dma_wait3A_182 : memref<10240x64xf32, #tpu.memory_space<vmem_shared>>)
        %add3A_183 = arith.constant 1 : i32
        %add3A_184 = arith.addi %add3A_79, %add3A_183 : i32
        %add3A_185 = arith.constant 5 : i32
        %add3A_186 = arith.addi %add3A_184, %add3A_185 : i32
        %lt3A_187 = arith.constant 160 : i32
        %lt3A_188 = arith.cmpi slt, %add3A_186, %lt3A_187 : i32
        %convert_element_type3A_189 = arith.extui %lt3A_188 : i1 to i32
        %cond3A_190 = arith.constant 0 : i32
        %cond3A_191 = arith.cmpi ne, %convert_element_type3A_189, %cond3A_190 : i32
        scf.if %cond3A_191 {
          %add3A_243 = arith.constant 1 : i32
          %add3A_244 = arith.addi %add3A_79, %add3A_243 : i32
          %add3A_245 = arith.constant 5 : i32
          %add3A_246 = arith.addi %add3A_244, %add3A_245 : i32
          %dma_start3A_247 = arith.constant 0 : i32
          %dma_start3A_248 = tpu.memref_slice %arg7[%add3A_246, %dma_start3A_247] : memref<160x125xi32, #tpu.memory_space<vmem>> -> memref<1x125xi32, #tpu.memory_space<vmem>>
          %dma_start3A_249 = tpu.memref_squeeze %dma_start3A_248 : memref<1x125xi32, #tpu.memory_space<vmem>> -> memref<125xi32, #tpu.memory_space<vmem>>
          %dma_start3A_250 = arith.constant 0 : i32
          %dma_start3A_251 = arith.constant 0 : i32
          %dma_start3A_252 = tpu.memref_slice %arg3[%dma_start3A_250, %dma_start3A_251] : memref<10000x64xf32, #tpu.memory_space<hbm>> -> memref<10000x64xf32, #tpu.memory_space<hbm>>
          tpu.enqueue_indirect_dma source(%dma_start3A_252 : memref<10000x64xf32, #tpu.memory_space<hbm>>) target(%arg10 : memref<125x64xf32, #tpu.memory_space<vmem>>) offsets(%dma_start3A_249 : memref<125xi32, #tpu.memory_space<vmem>>) semaphore(%arg17 : memref<!tpu.dma_semaphore, #tpu.memory_space<semaphore_mem>>)
        } else {
        }
        %add3A_192 = arith.constant 2 : i32
        %add3A_193 = arith.addi %add3A_79, %add3A_192 : i32
        %dma_wait3A_194 = arith.constant 0 : i32
        %dma_wait3A_195 = tpu.memref_slice %arg8[%add3A_193, %dma_wait3A_194] : memref<160x125xi32, #tpu.memory_space<vmem>> -> memref<1x125xi32, #tpu.memory_space<vmem>>
        %dma_wait3A_196 = tpu.memref_squeeze %dma_wait3A_195 : memref<1x125xi32, #tpu.memory_space<vmem>> -> memref<125xi32, #tpu.memory_space<vmem>>
        %dma_wait3A_197 = arith.constant 0 : i32
        %dma_wait3A_198 = arith.constant 0 : i32
        %dma_wait3A_199 = tpu.memref_slice %arg15[%dma_wait3A_197, %dma_wait3A_198] : memref<10240x64xf32, #tpu.memory_space<vmem_shared>> -> memref<10240x64xf32, #tpu.memory_space<vmem_shared>>
        tpu.wait_indirect_dma semaphore(%arg23 : memref<!tpu.dma_semaphore, #tpu.memory_space<semaphore_mem>>) src(%arg11 : memref<125x64xf32, #tpu.memory_space<vmem>>) dst(%dma_wait3A_199 : memref<10240x64xf32, #tpu.memory_space<vmem_shared>>)
        %add3A_200 = arith.constant 2 : i32
        %add3A_201 = arith.addi %add3A_79, %add3A_200 : i32
        %add3A_202 = arith.constant 5 : i32
        %add3A_203 = arith.addi %add3A_201, %add3A_202 : i32
        %lt3A_204 = arith.constant 160 : i32
        %lt3A_205 = arith.cmpi slt, %add3A_203, %lt3A_204 : i32
        %convert_element_type3A_206 = arith.extui %lt3A_205 : i1 to i32
        %cond3A_207 = arith.constant 0 : i32
        %cond3A_208 = arith.cmpi ne, %convert_element_type3A_206, %cond3A_207 : i32
        scf.if %cond3A_208 {
          %add3A_243 = arith.constant 2 : i32
          %add3A_244 = arith.addi %add3A_79, %add3A_243 : i32
          %add3A_245 = arith.constant 5 : i32
          %add3A_246 = arith.addi %add3A_244, %add3A_245 : i32
          %dma_start3A_247 = arith.constant 0 : i32
          %dma_start3A_248 = tpu.memref_slice %arg7[%add3A_246, %dma_start3A_247] : memref<160x125xi32, #tpu.memory_space<vmem>> -> memref<1x125xi32, #tpu.memory_space<vmem>>
          %dma_start3A_249 = tpu.memref_squeeze %dma_start3A_248 : memref<1x125xi32, #tpu.memory_space<vmem>> -> memref<125xi32, #tpu.memory_space<vmem>>
          %dma_start3A_250 = arith.constant 0 : i32
          %dma_start3A_251 = arith.constant 0 : i32
          %dma_start3A_252 = tpu.memref_slice %arg3[%dma_start3A_250, %dma_start3A_251] : memref<10000x64xf32, #tpu.memory_space<hbm>> -> memref<10000x64xf32, #tpu.memory_space<hbm>>
          tpu.enqueue_indirect_dma source(%dma_start3A_252 : memref<10000x64xf32, #tpu.memory_space<hbm>>) target(%arg11 : memref<125x64xf32, #tpu.memory_space<vmem>>) offsets(%dma_start3A_249 : memref<125xi32, #tpu.memory_space<vmem>>) semaphore(%arg18 : memref<!tpu.dma_semaphore, #tpu.memory_space<semaphore_mem>>)
        } else {
        }
        %add3A_209 = arith.constant 3 : i32
        %add3A_210 = arith.addi %add3A_79, %add3A_209 : i32
        %dma_wait3A_211 = arith.constant 0 : i32
        %dma_wait3A_212 = tpu.memref_slice %arg8[%add3A_210, %dma_wait3A_211] : memref<160x125xi32, #tpu.memory_space<vmem>> -> memref<1x125xi32, #tpu.memory_space<vmem>>
        %dma_wait3A_213 = tpu.memref_squeeze %dma_wait3A_212 : memref<1x125xi32, #tpu.memory_space<vmem>> -> memref<125xi32, #tpu.memory_space<vmem>>
        %dma_wait3A_214 = arith.constant 0 : i32
        %dma_wait3A_215 = arith.constant 0 : i32
        %dma_wait3A_216 = tpu.memref_slice %arg15[%dma_wait3A_214, %dma_wait3A_215] : memref<10240x64xf32, #tpu.memory_space<vmem_shared>> -> memref<10240x64xf32, #tpu.memory_space<vmem_shared>>
        tpu.wait_indirect_dma semaphore(%arg24 : memref<!tpu.dma_semaphore, #tpu.memory_space<semaphore_mem>>) src(%arg12 : memref<125x64xf32, #tpu.memory_space<vmem>>) dst(%dma_wait3A_216 : memref<10240x64xf32, #tpu.memory_space<vmem_shared>>)
        %add3A_217 = arith.constant 3 : i32
        %add3A_218 = arith.addi %add3A_79, %add3A_217 : i32
        %add3A_219 = arith.constant 5 : i32
        %add3A_220 = arith.addi %add3A_218, %add3A_219 : i32
        %lt3A_221 = arith.constant 160 : i32
        %lt3A_222 = arith.cmpi slt, %add3A_220, %lt3A_221 : i32
        %convert_element_type3A_223 = arith.extui %lt3A_222 : i1 to i32
        %cond3A_224 = arith.constant 0 : i32
        %cond3A_225 = arith.cmpi ne, %convert_element_type3A_223, %cond3A_224 : i32
        scf.if %cond3A_225 {
          %add3A_243 = arith.constant 3 : i32
          %add3A_244 = arith.addi %add3A_79, %add3A_243 : i32
          %add3A_245 = arith.constant 5 : i32
          %add3A_246 = arith.addi %add3A_244, %add3A_245 : i32
          %dma_start3A_247 = arith.constant 0 : i32
          %dma_start3A_248 = tpu.memref_slice %arg7[%add3A_246, %dma_start3A_247] : memref<160x125xi32, #tpu.memory_space<vmem>> -> memref<1x125xi32, #tpu.memory_space<vmem>>
          %dma_start3A_249 = tpu.memref_squeeze %dma_start3A_248 : memref<1x125xi32, #tpu.memory_space<vmem>> -> memref<125xi32, #tpu.memory_space<vmem>>
          %dma_start3A_250 = arith.constant 0 : i32
          %dma_start3A_251 = arith.constant 0 : i32
          %dma_start3A_252 = tpu.memref_slice %arg3[%dma_start3A_250, %dma_start3A_251] : memref<10000x64xf32, #tpu.memory_space<hbm>> -> memref<10000x64xf32, #tpu.memory_space<hbm>>
          tpu.enqueue_indirect_dma source(%dma_start3A_252 : memref<10000x64xf32, #tpu.memory_space<hbm>>) target(%arg12 : memref<125x64xf32, #tpu.memory_space<vmem>>) offsets(%dma_start3A_249 : memref<125xi32, #tpu.memory_space<vmem>>) semaphore(%arg19 : memref<!tpu.dma_semaphore, #tpu.memory_space<semaphore_mem>>)
        } else {
        }
        %add3A_226 = arith.constant 4 : i32
        %add3A_227 = arith.addi %add3A_79, %add3A_226 : i32
        %dma_wait3A_228 = arith.constant 0 : i32
        %dma_wait3A_229 = tpu.memref_slice %arg8[%add3A_227, %dma_wait3A_228] : memref<160x125xi32, #tpu.memory_space<vmem>> -> memref<1x125xi32, #tpu.memory_space<vmem>>
        %dma_wait3A_230 = tpu.memref_squeeze %dma_wait3A_229 : memref<1x125xi32, #tpu.memory_space<vmem>> -> memref<125xi32, #tpu.memory_space<vmem>>
        %dma_wait3A_231 = arith.constant 0 : i32
        %dma_wait3A_232 = arith.constant 0 : i32
        %dma_wait3A_233 = tpu.memref_slice %arg15[%dma_wait3A_231, %dma_wait3A_232] : memref<10240x64xf32, #tpu.memory_space<vmem_shared>> -> memref<10240x64xf32, #tpu.memory_space<vmem_shared>>
        tpu.wait_indirect_dma semaphore(%arg25 : memref<!tpu.dma_semaphore, #tpu.memory_space<semaphore_mem>>) src(%arg13 : memref<125x64xf32, #tpu.memory_space<vmem>>) dst(%dma_wait3A_233 : memref<10240x64xf32, #tpu.memory_space<vmem_shared>>)
        %add3A_234 = arith.constant 4 : i32
        %add3A_235 = arith.addi %add3A_79, %add3A_234 : i32
        %add3A_236 = arith.constant 5 : i32
        %add3A_237 = arith.addi %add3A_235, %add3A_236 : i32
        %lt3A_238 = arith.constant 160 : i32
        %lt3A_239 = arith.cmpi slt, %add3A_237, %lt3A_238 : i32
        %convert_element_type3A_240 = arith.extui %lt3A_239 : i1 to i32
        %cond3A_241 = arith.constant 0 : i32
        %cond3A_242 = arith.cmpi ne, %convert_element_type3A_240, %cond3A_241 : i32
        scf.if %cond3A_242 {
          %add3A_243 = arith.constant 4 : i32
          %add3A_244 = arith.addi %add3A_79, %add3A_243 : i32
          %add3A_245 = arith.constant 5 : i32
          %add3A_246 = arith.addi %add3A_244, %add3A_245 : i32
          %dma_start3A_247 = arith.constant 0 : i32
          %dma_start3A_248 = tpu.memref_slice %arg7[%add3A_246, %dma_start3A_247] : memref<160x125xi32, #tpu.memory_space<vmem>> -> memref<1x125xi32, #tpu.memory_space<vmem>>
          %dma_start3A_249 = tpu.memref_squeeze %dma_start3A_248 : memref<1x125xi32, #tpu.memory_space<vmem>> -> memref<125xi32, #tpu.memory_space<vmem>>
          %dma_start3A_250 = arith.constant 0 : i32
          %dma_start3A_251 = arith.constant 0 : i32
          %dma_start3A_252 = tpu.memref_slice %arg3[%dma_start3A_250, %dma_start3A_251] : memref<10000x64xf32, #tpu.memory_space<hbm>> -> memref<10000x64xf32, #tpu.memory_space<hbm>>
          tpu.enqueue_indirect_dma source(%dma_start3A_252 : memref<10000x64xf32, #tpu.memory_space<hbm>>) target(%arg13 : memref<125x64xf32, #tpu.memory_space<vmem>>) offsets(%dma_start3A_249 : memref<125xi32, #tpu.memory_space<vmem>>) semaphore(%arg20 : memref<!tpu.dma_semaphore, #tpu.memory_space<semaphore_mem>>)
        } else {
        }
      }
      %scan3A_74 = arith.constant 32 : i32
    } else {
    }
    %barrier3A_29 = arith.constant 0 : index
    tpu.barrier barrier_id(%barrier3A_29)
    %mul3A_30 = arith.constant 640 : i32
    %mul3A_31 = arith.muli %arg1, %mul3A_30 : i32
    %mul3A_32 = arith.constant 640 : i32
    %mul3A_33 = arith.muli %arg1, %mul3A_32 : i32
    %mul3A_34 = arith.constant 64 : i32
    %mul3A_35 = arith.muli %arg0, %mul3A_34 : i32
    "tpu.region"() ({
      %run_scoped3A = tpu.sem_alloc : memref<!tpu.dma_semaphore, #tpu.memory_space<semaphore_mem>>
      %dma_start3A = tpu.memref_slice %arg6[%arg0, %mul3A_33, %mul3A_35] : memref<2x10240x128xf32, #tpu.memory_space<hbm>> -> memref<1x640x64xf32, #tpu.memory_space<hbm>>
      %dma_start3A_36 = tpu.memref_squeeze %dma_start3A : memref<1x640x64xf32, #tpu.memory_space<hbm>> -> memref<640x64xf32, #tpu.memory_space<hbm>>
      %dma_start3A_37 = arith.constant 0 : i32
      %dma_start3A_38 = tpu.memref_slice %arg15[%mul3A_31, %dma_start3A_37] : memref<10240x64xf32, #tpu.memory_space<vmem_shared>> -> memref<640x64xf32, #tpu.memory_space<vmem_shared>>
      tpu.enqueue_dma source(%dma_start3A_38 : memref<640x64xf32, #tpu.memory_space<vmem_shared>>) target(%dma_start3A_36 : memref<640x64xf32, #tpu.memory_space<hbm>>) target_semaphore(%run_scoped3A : memref<!tpu.dma_semaphore, #tpu.memory_space<semaphore_mem>>)
      %dma_wait3A = tpu.memref_slice %arg6[%arg0, %mul3A_33, %mul3A_35] : memref<2x10240x128xf32, #tpu.memory_space<hbm>> -> memref<1x640x64xf32, #tpu.memory_space<hbm>>
      %dma_wait3A_39 = tpu.memref_squeeze %dma_wait3A : memref<1x640x64xf32, #tpu.memory_space<hbm>> -> memref<640x64xf32, #tpu.memory_space<hbm>>
      %dma_wait3A_40 = arith.constant 0 : i32
      %dma_wait3A_41 = tpu.memref_slice %arg15[%mul3A_31, %dma_wait3A_40] : memref<10240x64xf32, #tpu.memory_space<vmem_shared>> -> memref<640x64xf32, #tpu.memory_space<vmem_shared>>
      tpu.wait_dma2 semaphore(%run_scoped3A : memref<!tpu.dma_semaphore, #tpu.memory_space<semaphore_mem>>) src(%dma_wait3A_41 : memref<640x64xf32, #tpu.memory_space<vmem_shared>>) dst(%dma_wait3A_39 : memref<640x64xf32, #tpu.memory_space<hbm>>)
      tpu.yield
    }) : () -> ()
    return
  }
}

#map = affine_map<(d0, d1) -> (0, 0, 0)>
module attributes {stable_mosaic.version = 14 : i64} {
  func.func @_sc_deg_body(%arg0: i32, %arg1: i32, %arg2: memref<16x160x125xi32, #tpu.memory_space<hbm>>, %arg3: memref<2x10240x16xf32, #tpu.memory_space<hbm>>, %arg4: memref<80x125xi32, #tpu.memory_space<vmem>>, %arg5: memref<125x16xf32, #tpu.memory_space<vmem>>, %arg6: memref<640x16xf32, #tpu.memory_space<vmem>>, %arg7: memref<10240x16xf32, #tpu.memory_space<vmem_shared>>, %arg8: memref<!tpu.dma_semaphore, #tpu.memory_space<semaphore_mem>>) attributes {dimension_semantics = [#tpu.dimension_semantics<core_parallel>, #tpu.dimension_semantics<subcore_parallel>], iteration_bounds = array<i64: 2, 16>, scalar_prefetch = 0 : i64, scratch_operands = 5 : i64, tpu.core_type = #tpu.core_type<sc_vector_subcore>, window_params = [{transform_indices = #map}, {transform_indices = #map}]} {
    %scan3A = arith.constant 0 : i32
    %scan3A_0 = arith.constant 125 : i32
    %scan3A_1 = arith.addi %scan3A, %scan3A_0 : i32
    %scan3A_2 = arith.constant 1 : i32
    scf.for %scan3A_22 = %scan3A to %scan3A_1 step %scan3A_2  : i32 {
      %mul3A_23 = arith.constant 1 : i32
      %mul3A_24 = arith.muli %scan3A_22, %mul3A_23 : i32
      %add3A = arith.constant 0 : i32
      %add3A_25 = arith.addi %add3A, %mul3A_24 : i32
      %broadcast_in_dim3A = arith.constant 1.000000e+00 : f32
      %broadcast_in_dim3A_26 = vector.broadcast %broadcast_in_dim3A : f32 to vector<16xf32>
      %swap3A = arith.index_cast %add3A_25 : i32 to index
      %swap3A_27 = arith.constant 0 : index
      %swap3A_28 = tpu.vector_load %arg5[%swap3A, %swap3A_27] {strides = array<i32>} : memref<125x16xf32, #tpu.memory_space<vmem>>, vector<1x16xf32>,
      %swap3A_29 = vector.shape_cast %swap3A_28 : vector<1x16xf32> to vector<16xf32>
      %swap3A_30 = vector.shape_cast %broadcast_in_dim3A_26 : vector<16xf32> to vector<1x16xf32>
      tpu.vector_store %arg5[%swap3A, %swap3A_27], %swap3A_30 {strides = array<i32>} : memref<125x16xf32, #tpu.memory_space<vmem>>, vector<1x16xf32>,
    }
    %scan3A_3 = arith.constant 125 : i32
    %scan3A_4 = arith.constant 0 : i32
    %scan3A_5 = arith.constant 640 : i32
    %scan3A_6 = arith.addi %scan3A_4, %scan3A_5 : i32
    %scan3A_7 = arith.constant 1 : i32
    scf.for %scan3A_22 = %scan3A_4 to %scan3A_6 step %scan3A_7  : i32 {
      %mul3A_23 = arith.constant 1 : i32
      %mul3A_24 = arith.muli %scan3A_22, %mul3A_23 : i32
      %add3A = arith.constant 0 : i32
      %add3A_25 = arith.addi %add3A, %mul3A_24 : i32
      %broadcast_in_dim3A = arith.constant 0.000000e+00 : f32
      %broadcast_in_dim3A_26 = vector.broadcast %broadcast_in_dim3A : f32 to vector<16xf32>
      %swap3A = arith.index_cast %add3A_25 : i32 to index
      %swap3A_27 = arith.constant 0 : index
      %swap3A_28 = tpu.vector_load %arg6[%swap3A, %swap3A_27] {strides = array<i32>} : memref<640x16xf32, #tpu.memory_space<vmem>>, vector<1x16xf32>,
      %swap3A_29 = vector.shape_cast %swap3A_28 : vector<1x16xf32> to vector<16xf32>
      %swap3A_30 = vector.shape_cast %broadcast_in_dim3A_26 : vector<16xf32> to vector<1x16xf32>
      tpu.vector_store %arg6[%swap3A, %swap3A_27], %swap3A_30 {strides = array<i32>} : memref<640x16xf32, #tpu.memory_space<vmem>>, vector<1x16xf32>,
    }
    %scan3A_8 = arith.constant 640 : i32
    %mul3A = arith.constant 80 : i32
    %mul3A_9 = arith.muli %arg0, %mul3A : i32
    "tpu.region"() ({
      %run_scoped3A = tpu.sem_alloc : memref<!tpu.dma_semaphore, #tpu.memory_space<semaphore_mem>>
      %dma_start3A = arith.constant 0 : i32
      %dma_start3A_22 = tpu.memref_slice %arg2[%arg1, %mul3A_9, %dma_start3A] : memref<16x160x125xi32, #tpu.memory_space<hbm>> -> memref<1x80x125xi32, #tpu.memory_space<hbm>>
      %dma_start3A_23 = tpu.memref_squeeze %dma_start3A_22 : memref<1x80x125xi32, #tpu.memory_space<hbm>> -> memref<80x125xi32, #tpu.memory_space<hbm>>
      %dma_start3A_24 = arith.constant 0 : i32
      %dma_start3A_25 = tpu.memref_slice %arg2[%arg1, %mul3A_9, %dma_start3A_24] : memref<16x160x125xi32, #tpu.memory_space<hbm>> -> memref<1x80x125xi32, #tpu.memory_space<hbm>>
      %dma_start3A_26 = tpu.memref_squeeze %dma_start3A_25 : memref<1x80x125xi32, #tpu.memory_space<hbm>> -> memref<80x125xi32, #tpu.memory_space<hbm>>
      tpu.enqueue_dma source(%dma_start3A_26 : memref<80x125xi32, #tpu.memory_space<hbm>>) target(%arg4 : memref<80x125xi32, #tpu.memory_space<vmem>>) target_semaphore(%run_scoped3A : memref<!tpu.dma_semaphore, #tpu.memory_space<semaphore_mem>>)
      %dma_wait3A = arith.constant 0 : i32
      %dma_wait3A_27 = tpu.memref_slice %arg2[%arg1, %mul3A_9, %dma_wait3A] : memref<16x160x125xi32, #tpu.memory_space<hbm>> -> memref<1x80x125xi32, #tpu.memory_space<hbm>>
      %dma_wait3A_28 = tpu.memref_squeeze %dma_wait3A_27 : memref<1x80x125xi32, #tpu.memory_space<hbm>> -> memref<80x125xi32, #tpu.memory_space<hbm>>
      %dma_wait3A_29 = arith.constant 0 : i32
      %dma_wait3A_30 = tpu.memref_slice %arg2[%arg1, %mul3A_9, %dma_wait3A_29] : memref<16x160x125xi32, #tpu.memory_space<hbm>> -> memref<1x80x125xi32, #tpu.memory_space<hbm>>
      %dma_wait3A_31 = tpu.memref_squeeze %dma_wait3A_30 : memref<1x80x125xi32, #tpu.memory_space<hbm>> -> memref<80x125xi32, #tpu.memory_space<hbm>>
      tpu.wait_dma2 semaphore(%run_scoped3A : memref<!tpu.dma_semaphore, #tpu.memory_space<semaphore_mem>>) src(%dma_wait3A_31 : memref<80x125xi32, #tpu.memory_space<hbm>>) dst(%arg4 : memref<80x125xi32, #tpu.memory_space<vmem>>)
      tpu.yield
    }) : () -> ()
    %mul3A_10 = arith.constant 640 : i32
    %mul3A_11 = arith.muli %arg1, %mul3A_10 : i32
    "tpu.region"() ({
      %run_scoped3A = tpu.sem_alloc : memref<!tpu.dma_semaphore, #tpu.memory_space<semaphore_mem>>
      %dma_start3A = arith.constant 0 : i32
      %dma_start3A_22 = tpu.memref_slice %arg7[%mul3A_11, %dma_start3A] : memref<10240x16xf32, #tpu.memory_space<vmem_shared>> -> memref<640x16xf32, #tpu.memory_space<vmem_shared>>
      %dma_start3A_23 = arith.constant 0 : i32
      %dma_start3A_24 = tpu.memref_slice %arg7[%mul3A_11, %dma_start3A_23] : memref<10240x16xf32, #tpu.memory_space<vmem_shared>> -> memref<640x16xf32, #tpu.memory_space<vmem_shared>>
      tpu.enqueue_dma source(%arg6 : memref<640x16xf32, #tpu.memory_space<vmem>>) target(%dma_start3A_24 : memref<640x16xf32, #tpu.memory_space<vmem_shared>>) target_semaphore(%run_scoped3A : memref<!tpu.dma_semaphore, #tpu.memory_space<semaphore_mem>>)
      %dma_wait3A = arith.constant 0 : i32
      %dma_wait3A_25 = tpu.memref_slice %arg7[%mul3A_11, %dma_wait3A] : memref<10240x16xf32, #tpu.memory_space<vmem_shared>> -> memref<640x16xf32, #tpu.memory_space<vmem_shared>>
      %dma_wait3A_26 = arith.constant 0 : i32
      %dma_wait3A_27 = tpu.memref_slice %arg7[%mul3A_11, %dma_wait3A_26] : memref<10240x16xf32, #tpu.memory_space<vmem_shared>> -> memref<640x16xf32, #tpu.memory_space<vmem_shared>>
      tpu.wait_dma2 semaphore(%run_scoped3A : memref<!tpu.dma_semaphore, #tpu.memory_space<semaphore_mem>>) src(%arg6 : memref<640x16xf32, #tpu.memory_space<vmem>>) dst(%dma_wait3A_27 : memref<640x16xf32, #tpu.memory_space<vmem_shared>>)
      tpu.yield
    }) : () -> ()
    %barrier3A = arith.constant 0 : index
    tpu.barrier barrier_id(%barrier3A)
    %scan3A_12 = arith.constant 0 : i32
    %scan3A_13 = arith.constant 80 : i32
    %scan3A_14 = arith.addi %scan3A_12, %scan3A_13 : i32
    %scan3A_15 = arith.constant 1 : i32
    scf.for %scan3A_22 = %scan3A_12 to %scan3A_14 step %scan3A_15  : i32 {
      %mul3A_23 = arith.constant 1 : i32
      %mul3A_24 = arith.muli %scan3A_22, %mul3A_23 : i32
      %add3A = arith.constant 0 : i32
      %add3A_25 = arith.addi %add3A, %mul3A_24 : i32
      "tpu.region"() ({
        %run_scoped3A = tpu.sem_alloc : memref<!tpu.dma_semaphore, #tpu.memory_space<semaphore_mem>>
        %dma_start3A = arith.constant 0 : i32
        %dma_start3A_26 = tpu.memref_slice %arg4[%add3A_25, %dma_start3A] : memref<80x125xi32, #tpu.memory_space<vmem>> -> memref<1x125xi32, #tpu.memory_space<vmem>>
        %dma_start3A_27 = tpu.memref_squeeze %dma_start3A_26 : memref<1x125xi32, #tpu.memory_space<vmem>> -> memref<125xi32, #tpu.memory_space<vmem>>
        %dma_start3A_28 = arith.constant 0 : i32
        %dma_start3A_29 = arith.constant 0 : i32
        %dma_start3A_30 = tpu.memref_slice %arg7[%dma_start3A_28, %dma_start3A_29] : memref<10240x16xf32, #tpu.memory_space<vmem_shared>> -> memref<10240x16xf32, #tpu.memory_space<vmem_shared>>
        tpu.enqueue_indirect_dma source(%arg5 : memref<125x16xf32, #tpu.memory_space<vmem>>) target(%dma_start3A_30 : memref<10240x16xf32, #tpu.memory_space<vmem_shared>>) offsets(%dma_start3A_27 : memref<125xi32, #tpu.memory_space<vmem>>) semaphore(%run_scoped3A : memref<!tpu.dma_semaphore, #tpu.memory_space<semaphore_mem>>) {add = true}
        %dma_wait3A = arith.constant 0 : i32
        %dma_wait3A_31 = tpu.memref_slice %arg4[%add3A_25, %dma_wait3A] : memref<80x125xi32, #tpu.memory_space<vmem>> -> memref<1x125xi32, #tpu.memory_space<vmem>>
        %dma_wait3A_32 = tpu.memref_squeeze %dma_wait3A_31 : memref<1x125xi32, #tpu.memory_space<vmem>> -> memref<125xi32, #tpu.memory_space<vmem>>
        %dma_wait3A_33 = arith.constant 0 : i32
        %dma_wait3A_34 = arith.constant 0 : i32
        %dma_wait3A_35 = tpu.memref_slice %arg7[%dma_wait3A_33, %dma_wait3A_34] : memref<10240x16xf32, #tpu.memory_space<vmem_shared>> -> memref<10240x16xf32, #tpu.memory_space<vmem_shared>>
        tpu.wait_indirect_dma semaphore(%run_scoped3A : memref<!tpu.dma_semaphore, #tpu.memory_space<semaphore_mem>>) src(%arg5 : memref<125x16xf32, #tpu.memory_space<vmem>>) dst(%dma_wait3A_35 : memref<10240x16xf32, #tpu.memory_space<vmem_shared>>)
        tpu.yield
      }) : () -> ()
    }
    %scan3A_16 = arith.constant 80 : i32
    %barrier3A_17 = arith.constant 0 : index
    tpu.barrier barrier_id(%barrier3A_17)
    %mul3A_18 = arith.constant 640 : i32
    %mul3A_19 = arith.muli %arg1, %mul3A_18 : i32
    %mul3A_20 = arith.constant 640 : i32
    %mul3A_21 = arith.muli %arg1, %mul3A_20 : i32
    "tpu.region"() ({
      %run_scoped3A = tpu.sem_alloc : memref<!tpu.dma_semaphore, #tpu.memory_space<semaphore_mem>>
      %dma_start3A = arith.constant 0 : i32
      %dma_start3A_22 = tpu.memref_slice %arg3[%arg0, %mul3A_21, %dma_start3A] : memref<2x10240x16xf32, #tpu.memory_space<hbm>> -> memref<1x640x16xf32, #tpu.memory_space<hbm>>
      %dma_start3A_23 = tpu.memref_squeeze %dma_start3A_22 : memref<1x640x16xf32, #tpu.memory_space<hbm>> -> memref<640x16xf32, #tpu.memory_space<hbm>>
      %dma_start3A_24 = arith.constant 0 : i32
      %dma_start3A_25 = tpu.memref_slice %arg7[%mul3A_19, %dma_start3A_24] : memref<10240x16xf32, #tpu.memory_space<vmem_shared>> -> memref<640x16xf32, #tpu.memory_space<vmem_shared>>
      tpu.enqueue_dma source(%dma_start3A_25 : memref<640x16xf32, #tpu.memory_space<vmem_shared>>) target(%dma_start3A_23 : memref<640x16xf32, #tpu.memory_space<hbm>>) target_semaphore(%run_scoped3A : memref<!tpu.dma_semaphore, #tpu.memory_space<semaphore_mem>>)
      %dma_wait3A = arith.constant 0 : i32
      %dma_wait3A_26 = tpu.memref_slice %arg3[%arg0, %mul3A_21, %dma_wait3A] : memref<2x10240x16xf32, #tpu.memory_space<hbm>> -> memref<1x640x16xf32, #tpu.memory_space<hbm>>
      %dma_wait3A_27 = tpu.memref_squeeze %dma_wait3A_26 : memref<1x640x16xf32, #tpu.memory_space<hbm>> -> memref<640x16xf32, #tpu.memory_space<hbm>>
      %dma_wait3A_28 = arith.constant 0 : i32
      %dma_wait3A_29 = tpu.memref_slice %arg7[%mul3A_19, %dma_wait3A_28] : memref<10240x16xf32, #tpu.memory_space<vmem_shared>> -> memref<640x16xf32, #tpu.memory_space<vmem_shared>>
      tpu.wait_dma2 semaphore(%run_scoped3A : memref<!tpu.dma_semaphore, #tpu.memory_space<semaphore_mem>>) src(%dma_wait3A_29 : memref<640x16xf32, #tpu.memory_space<vmem_shared>>) dst(%dma_wait3A_27 : memref<640x16xf32, #tpu.memory_space<hbm>>)
      tpu.yield
    }) : () -> ()
    return
  }
}

#map = affine_map<(d0, d1) -> (0, 0)>
#map1 = affine_map<(d0, d1) -> (0, 0, 0)>
module attributes {stable_mosaic.version = 14 : i64} {
  func.func @_sc_edge_body(%arg0: i32, %arg1: i32, %arg2: memref<10000x64xf32, #tpu.memory_space<hbm>>, %arg3: memref<10000x64xf32, #tpu.memory_space<hbm>>, %arg4: memref<16x160x125xi32, #tpu.memory_space<hbm>>, %arg5: memref<16x160x125xi32, #tpu.memory_space<hbm>>, %arg6: memref<2x10240x128xf32, #tpu.memory_space<hbm>>, %arg7: memref<160x125xi32, #tpu.memory_space<vmem>>, %arg8: memref<160x125xi32, #tpu.memory_space<vmem>>, %arg9: memref<125x64xf32, #tpu.memory_space<vmem>>, %arg10: memref<125x64xf32, #tpu.memory_space<vmem>>, %arg11: memref<125x64xf32, #tpu.memory_space<vmem>>, %arg12: memref<125x64xf32, #tpu.memory_space<vmem>>, %arg13: memref<125x64xf32, #tpu.memory_space<vmem>>, %arg14: memref<128x64xf32, #tpu.memory_space<vmem>>, %arg15: memref<10240x64xf32, #tpu.memory_space<vmem_shared>>, %arg16: memref<!tpu.dma_semaphore, #tpu.memory_space<semaphore_mem>>, %arg17: memref<!tpu.dma_semaphore, #tpu.memory_space<semaphore_mem>>, %arg18: memref<!tpu.dma_semaphore, #tpu.memory_space<semaphore_mem>>, %arg19: memref<!tpu.dma_semaphore, #tpu.memory_space<semaphore_mem>>, %arg20: memref<!tpu.dma_semaphore, #tpu.memory_space<semaphore_mem>>, %arg21: memref<!tpu.dma_semaphore, #tpu.memory_space<semaphore_mem>>, %arg22: memref<!tpu.dma_semaphore, #tpu.memory_space<semaphore_mem>>, %arg23: memref<!tpu.dma_semaphore, #tpu.memory_space<semaphore_mem>>, %arg24: memref<!tpu.dma_semaphore, #tpu.memory_space<semaphore_mem>>, %arg25: memref<!tpu.dma_semaphore, #tpu.memory_space<semaphore_mem>>) attributes {dimension_semantics = [#tpu.dimension_semantics<core_parallel>, #tpu.dimension_semantics<subcore_parallel>], iteration_bounds = array<i64: 2, 16>, scalar_prefetch = 0 : i64, scratch_operands = 19 : i64, tpu.core_type = #tpu.core_type<sc_vector_subcore>, window_params = [{transform_indices = #map}, {transform_indices = #map}, {transform_indices = #map1}, {transform_indices = #map1}, {transform_indices = #map1}]} {
    %scan3A = arith.constant 0 : i32
    %scan3A_0 = arith.constant 128 : i32
    %scan3A_1 = arith.addi %scan3A, %scan3A_0 : i32
    %scan3A_2 = arith.constant 1 : i32
    scf.for %scan3A_36 = %scan3A to %scan3A_1 step %scan3A_2  : i32 {
      %mul3A_37 = arith.constant 1 : i32
      %mul3A_38 = arith.muli %scan3A_36, %mul3A_37 : i32
      %add3A_39 = arith.constant 0 : i32
      %add3A_40 = arith.addi %add3A_39, %mul3A_38 : i32
      %scan3A_41 = arith.constant 0 : i32
      %scan3A_42 = arith.constant 4 : i32
      %scan3A_43 = arith.addi %scan3A_41, %scan3A_42 : i32
      %scan3A_44 = arith.constant 1 : i32
      scf.for %scan3A_46 = %scan3A_41 to %scan3A_43 step %scan3A_44  : i32 {
        %mul3A_47 = arith.constant 1 : i32
        %mul3A_48 = arith.muli %scan3A_46, %mul3A_47 : i32
        %add3A_49 = arith.constant 0 : i32
        %add3A_50 = arith.addi %add3A_49, %mul3A_48 : i32
        %broadcast_in_dim3A = arith.constant 0.000000e+00 : f32
        %broadcast_in_dim3A_51 = vector.broadcast %broadcast_in_dim3A : f32 to vector<16xf32>
        %mul3A_52 = arith.constant 16 : i32
        %mul3A_53 = arith.muli %add3A_50, %mul3A_52 : i32
        %swap3A = arith.index_cast %add3A_40 : i32 to index
        %swap3A_54 = arith.index_cast %mul3A_53 : i32 to index
        %swap3A_55 = tpu.vector_load %arg14[%swap3A, %swap3A_54] {strides = array<i32>} : memref<128x64xf32, #tpu.memory_space<vmem>>, vector<1x16xf32>,
        %swap3A_56 = vector.shape_cast %swap3A_55 : vector<1x16xf32> to vector<16xf32>
        %swap3A_57 = vector.shape_cast %broadcast_in_dim3A_51 : vector<16xf32> to vector<1x16xf32>
        tpu.vector_store %arg14[%swap3A, %swap3A_54], %swap3A_57 {strides = array<i32>} : memref<128x64xf32, #tpu.memory_space<vmem>>, vector<1x16xf32>,
      }
      %scan3A_45 = arith.constant 4 : i32
    }
    %scan3A_3 = arith.constant 128 : i32
    "tpu.region"() ({
      %run_scoped3A = tpu.sem_alloc : memref<!tpu.dma_semaphore, #tpu.memory_space<semaphore_mem>>
      %dma_start3A = arith.constant 0 : i32
      %dma_start3A_36 = arith.constant 0 : i32
      %dma_start3A_37 = tpu.memref_slice %arg4[%arg1, %dma_start3A, %dma_start3A_36] : memref<16x160x125xi32, #tpu.memory_space<hbm>> -> memref<1x160x125xi32, #tpu.memory_space<hbm>>
      %dma_start3A_38 = tpu.memref_squeeze %dma_start3A_37 : memref<1x160x125xi32, #tpu.memory_space<hbm>> -> memref<160x125xi32, #tpu.memory_space<hbm>>
      %dma_start3A_39 = arith.constant 0 : i32
      %dma_start3A_40 = arith.constant 0 : i32
      %dma_start3A_41 = tpu.memref_slice %arg4[%arg1, %dma_start3A_39, %dma_start3A_40] : memref<16x160x125xi32, #tpu.memory_space<hbm>> -> memref<1x160x125xi32, #tpu.memory_space<hbm>>
      %dma_start3A_42 = tpu.memref_squeeze %dma_start3A_41 : memref<1x160x125xi32, #tpu.memory_space<hbm>> -> memref<160x125xi32, #tpu.memory_space<hbm>>
      tpu.enqueue_dma source(%dma_start3A_42 : memref<160x125xi32, #tpu.memory_space<hbm>>) target(%arg7 : memref<160x125xi32, #tpu.memory_space<vmem>>) target_semaphore(%run_scoped3A : memref<!tpu.dma_semaphore, #tpu.memory_space<semaphore_mem>>)
      %dma_wait3A = arith.constant 0 : i32
      %dma_wait3A_43 = arith.constant 0 : i32
      %dma_wait3A_44 = tpu.memref_slice %arg4[%arg1, %dma_wait3A, %dma_wait3A_43] : memref<16x160x125xi32, #tpu.memory_space<hbm>> -> memref<1x160x125xi32, #tpu.memory_space<hbm>>
      %dma_wait3A_45 = tpu.memref_squeeze %dma_wait3A_44 : memref<1x160x125xi32, #tpu.memory_space<hbm>> -> memref<160x125xi32, #tpu.memory_space<hbm>>
      %dma_wait3A_46 = arith.constant 0 : i32
      %dma_wait3A_47 = arith.constant 0 : i32
      %dma_wait3A_48 = tpu.memref_slice %arg4[%arg1, %dma_wait3A_46, %dma_wait3A_47] : memref<16x160x125xi32, #tpu.memory_space<hbm>> -> memref<1x160x125xi32, #tpu.memory_space<hbm>>
      %dma_wait3A_49 = tpu.memref_squeeze %dma_wait3A_48 : memref<1x160x125xi32, #tpu.memory_space<hbm>> -> memref<160x125xi32, #tpu.memory_space<hbm>>
      tpu.wait_dma2 semaphore(%run_scoped3A : memref<!tpu.dma_semaphore, #tpu.memory_space<semaphore_mem>>) src(%dma_wait3A_49 : memref<160x125xi32, #tpu.memory_space<hbm>>) dst(%arg7 : memref<160x125xi32, #tpu.memory_space<vmem>>)
      tpu.yield
    }) : () -> ()
    "tpu.region"() ({
      %run_scoped3A = tpu.sem_alloc : memref<!tpu.dma_semaphore, #tpu.memory_space<semaphore_mem>>
      %dma_start3A = arith.constant 0 : i32
      %dma_start3A_36 = arith.constant 0 : i32
      %dma_start3A_37 = tpu.memref_slice %arg5[%arg1, %dma_start3A, %dma_start3A_36] : memref<16x160x125xi32, #tpu.memory_space<hbm>> -> memref<1x160x125xi32, #tpu.memory_space<hbm>>
      %dma_start3A_38 = tpu.memref_squeeze %dma_start3A_37 : memref<1x160x125xi32, #tpu.memory_space<hbm>> -> memref<160x125xi32, #tpu.memory_space<hbm>>
      %dma_start3A_39 = arith.constant 0 : i32
      %dma_start3A_40 = arith.constant 0 : i32
      %dma_start3A_41 = tpu.memref_slice %arg5[%arg1, %dma_start3A_39, %dma_start3A_40] : memref<16x160x125xi32, #tpu.memory_space<hbm>> -> memref<1x160x125xi32, #tpu.memory_space<hbm>>
      %dma_start3A_42 = tpu.memref_squeeze %dma_start3A_41 : memref<1x160x125xi32, #tpu.memory_space<hbm>> -> memref<160x125xi32, #tpu.memory_space<hbm>>
      tpu.enqueue_dma source(%dma_start3A_42 : memref<160x125xi32, #tpu.memory_space<hbm>>) target(%arg8 : memref<160x125xi32, #tpu.memory_space<vmem>>) target_semaphore(%run_scoped3A : memref<!tpu.dma_semaphore, #tpu.memory_space<semaphore_mem>>)
      %dma_wait3A = arith.constant 0 : i32
      %dma_wait3A_43 = arith.constant 0 : i32
      %dma_wait3A_44 = tpu.memref_slice %arg5[%arg1, %dma_wait3A, %dma_wait3A_43] : memref<16x160x125xi32, #tpu.memory_space<hbm>> -> memref<1x160x125xi32, #tpu.memory_space<hbm>>
      %dma_wait3A_45 = tpu.memref_squeeze %dma_wait3A_44 : memref<1x160x125xi32, #tpu.memory_space<hbm>> -> memref<160x125xi32, #tpu.memory_space<hbm>>
      %dma_wait3A_46 = arith.constant 0 : i32
      %dma_wait3A_47 = arith.constant 0 : i32
      %dma_wait3A_48 = tpu.memref_slice %arg5[%arg1, %dma_wait3A_46, %dma_wait3A_47] : memref<16x160x125xi32, #tpu.memory_space<hbm>> -> memref<1x160x125xi32, #tpu.memory_space<hbm>>
      %dma_wait3A_49 = tpu.memref_squeeze %dma_wait3A_48 : memref<1x160x125xi32, #tpu.memory_space<hbm>> -> memref<160x125xi32, #tpu.memory_space<hbm>>
      tpu.wait_dma2 semaphore(%run_scoped3A : memref<!tpu.dma_semaphore, #tpu.memory_space<semaphore_mem>>) src(%dma_wait3A_49 : memref<160x125xi32, #tpu.memory_space<hbm>>) dst(%arg8 : memref<160x125xi32, #tpu.memory_space<vmem>>)
      tpu.yield
    }) : () -> ()
    %mul3A = arith.constant 640 : i32
    %mul3A_4 = arith.muli %arg1, %mul3A : i32
    %add3A = arith.constant 0 : i32
    %add3A_5 = arith.addi %mul3A_4, %add3A : i32
    "tpu.region"() ({
      %run_scoped3A = tpu.sem_alloc : memref<!tpu.dma_semaphore, #tpu.memory_space<semaphore_mem>>
      %dma_start3A = arith.constant 0 : i32
      %dma_start3A_36 = tpu.memref_slice %arg15[%add3A_5, %dma_start3A] : memref<10240x64xf32, #tpu.memory_space<vmem_shared>> -> memref<128x64xf32, #tpu.memory_space<vmem_shared>>
      %dma_start3A_37 = arith.constant 0 : i32
      %dma_start3A_38 = tpu.memref_slice %arg15[%add3A_5, %dma_start3A_37] : memref<10240x64xf32, #tpu.memory_space<vmem_shared>> -> memref<128x64xf32, #tpu.memory_space<vmem_shared>>
      tpu.enqueue_dma source(%arg14 : memref<128x64xf32, #tpu.memory_space<vmem>>) target(%dma_start3A_38 : memref<128x64xf32, #tpu.memory_space<vmem_shared>>) target_semaphore(%run_scoped3A : memref<!tpu.dma_semaphore, #tpu.memory_space<semaphore_mem>>)
      %dma_wait3A = arith.constant 0 : i32
      %dma_wait3A_39 = tpu.memref_slice %arg15[%add3A_5, %dma_wait3A] : memref<10240x64xf32, #tpu.memory_space<vmem_shared>> -> memref<128x64xf32, #tpu.memory_space<vmem_shared>>
      %dma_wait3A_40 = arith.constant 0 : i32
      %dma_wait3A_41 = tpu.memref_slice %arg15[%add3A_5, %dma_wait3A_40] : memref<10240x64xf32, #tpu.memory_space<vmem_shared>> -> memref<128x64xf32, #tpu.memory_space<vmem_shared>>
      tpu.wait_dma2 semaphore(%run_scoped3A : memref<!tpu.dma_semaphore, #tpu.memory_space<semaphore_mem>>) src(%arg14 : memref<128x64xf32, #tpu.memory_space<vmem>>) dst(%dma_wait3A_41 : memref<128x64xf32, #tpu.memory_space<vmem_shared>>)
      tpu.yield
    }) : () -> ()
    %mul3A_6 = arith.constant 640 : i32
    %mul3A_7 = arith.muli %arg1, %mul3A_6 : i32
    %add3A_8 = arith.constant 128 : i32
    %add3A_9 = arith.addi %mul3A_7, %add3A_8 : i32
    "tpu.region"() ({
      %run_scoped3A = tpu.sem_alloc : memref<!tpu.dma_semaphore, #tpu.memory_space<semaphore_mem>>
      %dma_start3A = arith.constant 0 : i32
      %dma_start3A_36 = tpu.memref_slice %arg15[%add3A_9, %dma_start3A] : memref<10240x64xf32, #tpu.memory_space<vmem_shared>> -> memref<128x64xf32, #tpu.memory_space<vmem_shared>>
      %dma_start3A_37 = arith.constant 0 : i32
      %dma_start3A_38 = tpu.memref_slice %arg15[%add3A_9, %dma_start3A_37] : memref<10240x64xf32, #tpu.memory_space<vmem_shared>> -> memref<128x64xf32, #tpu.memory_space<vmem_shared>>
      tpu.enqueue_dma source(%arg14 : memref<128x64xf32, #tpu.memory_space<vmem>>) target(%dma_start3A_38 : memref<128x64xf32, #tpu.memory_space<vmem_shared>>) target_semaphore(%run_scoped3A : memref<!tpu.dma_semaphore, #tpu.memory_space<semaphore_mem>>)
      %dma_wait3A = arith.constant 0 : i32
      %dma_wait3A_39 = tpu.memref_slice %arg15[%add3A_9, %dma_wait3A] : memref<10240x64xf32, #tpu.memory_space<vmem_shared>> -> memref<128x64xf32, #tpu.memory_space<vmem_shared>>
      %dma_wait3A_40 = arith.constant 0 : i32
      %dma_wait3A_41 = tpu.memref_slice %arg15[%add3A_9, %dma_wait3A_40] : memref<10240x64xf32, #tpu.memory_space<vmem_shared>> -> memref<128x64xf32, #tpu.memory_space<vmem_shared>>
      tpu.wait_dma2 semaphore(%run_scoped3A : memref<!tpu.dma_semaphore, #tpu.memory_space<semaphore_mem>>) src(%arg14 : memref<128x64xf32, #tpu.memory_space<vmem>>) dst(%dma_wait3A_41 : memref<128x64xf32, #tpu.memory_space<vmem_shared>>)
      tpu.yield
    }) : () -> ()
    %mul3A_10 = arith.constant 640 : i32
    %mul3A_11 = arith.muli %arg1, %mul3A_10 : i32
    %add3A_12 = arith.constant 256 : i32
    %add3A_13 = arith.addi %mul3A_11, %add3A_12 : i32
    "tpu.region"() ({
      %run_scoped3A = tpu.sem_alloc : memref<!tpu.dma_semaphore, #tpu.memory_space<semaphore_mem>>
      %dma_start3A = arith.constant 0 : i32
      %dma_start3A_36 = tpu.memref_slice %arg15[%add3A_13, %dma_start3A] : memref<10240x64xf32, #tpu.memory_space<vmem_shared>> -> memref<128x64xf32, #tpu.memory_space<vmem_shared>>
      %dma_start3A_37 = arith.constant 0 : i32
      %dma_start3A_38 = tpu.memref_slice %arg15[%add3A_13, %dma_start3A_37] : memref<10240x64xf32, #tpu.memory_space<vmem_shared>> -> memref<128x64xf32, #tpu.memory_space<vmem_shared>>
      tpu.enqueue_dma source(%arg14 : memref<128x64xf32, #tpu.memory_space<vmem>>) target(%dma_start3A_38 : memref<128x64xf32, #tpu.memory_space<vmem_shared>>) target_semaphore(%run_scoped3A : memref<!tpu.dma_semaphore, #tpu.memory_space<semaphore_mem>>)
      %dma_wait3A = arith.constant 0 : i32
      %dma_wait3A_39 = tpu.memref_slice %arg15[%add3A_13, %dma_wait3A] : memref<10240x64xf32, #tpu.memory_space<vmem_shared>> -> memref<128x64xf32, #tpu.memory_space<vmem_shared>>
      %dma_wait3A_40 = arith.constant 0 : i32
      %dma_wait3A_41 = tpu.memref_slice %arg15[%add3A_13, %dma_wait3A_40] : memref<10240x64xf32, #tpu.memory_space<vmem_shared>> -> memref<128x64xf32, #tpu.memory_space<vmem_shared>>
      tpu.wait_dma2 semaphore(%run_scoped3A : memref<!tpu.dma_semaphore, #tpu.memory_space<semaphore_mem>>) src(%arg14 : memref<128x64xf32, #tpu.memory_space<vmem>>) dst(%dma_wait3A_41 : memref<128x64xf32, #tpu.memory_space<vmem_shared>>)
      tpu.yield
    }) : () -> ()
    %mul3A_14 = arith.constant 640 : i32
    %mul3A_15 = arith.muli %arg1, %mul3A_14 : i32
    %add3A_16 = arith.constant 384 : i32
    %add3A_17 = arith.addi %mul3A_15, %add3A_16 : i32
    "tpu.region"() ({
      %run_scoped3A = tpu.sem_alloc : memref<!tpu.dma_semaphore, #tpu.memory_space<semaphore_mem>>
      %dma_start3A = arith.constant 0 : i32
      %dma_start3A_36 = tpu.memref_slice %arg15[%add3A_17, %dma_start3A] : memref<10240x64xf32, #tpu.memory_space<vmem_shared>> -> memref<128x64xf32, #tpu.memory_space<vmem_shared>>
      %dma_start3A_37 = arith.constant 0 : i32
      %dma_start3A_38 = tpu.memref_slice %arg15[%add3A_17, %dma_start3A_37] : memref<10240x64xf32, #tpu.memory_space<vmem_shared>> -> memref<128x64xf32, #tpu.memory_space<vmem_shared>>
      tpu.enqueue_dma source(%arg14 : memref<128x64xf32, #tpu.memory_space<vmem>>) target(%dma_start3A_38 : memref<128x64xf32, #tpu.memory_space<vmem_shared>>) target_semaphore(%run_scoped3A : memref<!tpu.dma_semaphore, #tpu.memory_space<semaphore_mem>>)
      %dma_wait3A = arith.constant 0 : i32
      %dma_wait3A_39 = tpu.memref_slice %arg15[%add3A_17, %dma_wait3A] : memref<10240x64xf32, #tpu.memory_space<vmem_shared>> -> memref<128x64xf32, #tpu.memory_space<vmem_shared>>
      %dma_wait3A_40 = arith.constant 0 : i32
      %dma_wait3A_41 = tpu.memref_slice %arg15[%add3A_17, %dma_wait3A_40] : memref<10240x64xf32, #tpu.memory_space<vmem_shared>> -> memref<128x64xf32, #tpu.memory_space<vmem_shared>>
      tpu.wait_dma2 semaphore(%run_scoped3A : memref<!tpu.dma_semaphore, #tpu.memory_space<semaphore_mem>>) src(%arg14 : memref<128x64xf32, #tpu.memory_space<vmem>>) dst(%dma_wait3A_41 : memref<128x64xf32, #tpu.memory_space<vmem_shared>>)
      tpu.yield
    }) : () -> ()
    %mul3A_18 = arith.constant 640 : i32
    %mul3A_19 = arith.muli %arg1, %mul3A_18 : i32
    %add3A_20 = arith.constant 512 : i32
    %add3A_21 = arith.addi %mul3A_19, %add3A_20 : i32
    "tpu.region"() ({
      %run_scoped3A = tpu.sem_alloc : memref<!tpu.dma_semaphore, #tpu.memory_space<semaphore_mem>>
      %dma_start3A = arith.constant 0 : i32
      %dma_start3A_36 = tpu.memref_slice %arg15[%add3A_21, %dma_start3A] : memref<10240x64xf32, #tpu.memory_space<vmem_shared>> -> memref<128x64xf32, #tpu.memory_space<vmem_shared>>
      %dma_start3A_37 = arith.constant 0 : i32
      %dma_start3A_38 = tpu.memref_slice %arg15[%add3A_21, %dma_start3A_37] : memref<10240x64xf32, #tpu.memory_space<vmem_shared>> -> memref<128x64xf32, #tpu.memory_space<vmem_shared>>
      tpu.enqueue_dma source(%arg14 : memref<128x64xf32, #tpu.memory_space<vmem>>) target(%dma_start3A_38 : memref<128x64xf32, #tpu.memory_space<vmem_shared>>) target_semaphore(%run_scoped3A : memref<!tpu.dma_semaphore, #tpu.memory_space<semaphore_mem>>)
      %dma_wait3A = arith.constant 0 : i32
      %dma_wait3A_39 = tpu.memref_slice %arg15[%add3A_21, %dma_wait3A] : memref<10240x64xf32, #tpu.memory_space<vmem_shared>> -> memref<128x64xf32, #tpu.memory_space<vmem_shared>>
      %dma_wait3A_40 = arith.constant 0 : i32
      %dma_wait3A_41 = tpu.memref_slice %arg15[%add3A_21, %dma_wait3A_40] : memref<10240x64xf32, #tpu.memory_space<vmem_shared>> -> memref<128x64xf32, #tpu.memory_space<vmem_shared>>
      tpu.wait_dma2 semaphore(%run_scoped3A : memref<!tpu.dma_semaphore, #tpu.memory_space<semaphore_mem>>) src(%arg14 : memref<128x64xf32, #tpu.memory_space<vmem>>) dst(%dma_wait3A_41 : memref<128x64xf32, #tpu.memory_space<vmem_shared>>)
      tpu.yield
    }) : () -> ()
    %barrier3A = arith.constant 0 : index
    tpu.barrier barrier_id(%barrier3A)
    %eq3A = arith.constant 0 : i32
    %eq3A_22 = arith.cmpi eq, %arg0, %eq3A : i32
    %convert_element_type3A = arith.extui %eq3A_22 : i1 to i32
    %cond3A = arith.constant 0 : i32
    %cond3A_23 = arith.cmpi ne, %convert_element_type3A, %cond3A : i32
    scf.if %cond3A_23 {
      %dma_start3A = arith.constant 0 : i32
      %dma_start3A_36 = arith.constant 0 : i32
      %dma_start3A_37 = tpu.memref_slice %arg7[%dma_start3A, %dma_start3A_36] : memref<160x125xi32, #tpu.memory_space<vmem>> -> memref<1x125xi32, #tpu.memory_space<vmem>>
      %dma_start3A_38 = tpu.memref_squeeze %dma_start3A_37 : memref<1x125xi32, #tpu.memory_space<vmem>> -> memref<125xi32, #tpu.memory_space<vmem>>
      %dma_start3A_39 = arith.constant 0 : i32
      %dma_start3A_40 = arith.constant 0 : i32
      %dma_start3A_41 = tpu.memref_slice %arg2[%dma_start3A_39, %dma_start3A_40] : memref<10000x64xf32, #tpu.memory_space<hbm>> -> memref<10000x64xf32, #tpu.memory_space<hbm>>
      tpu.enqueue_indirect_dma source(%dma_start3A_41 : memref<10000x64xf32, #tpu.memory_space<hbm>>) target(%arg9 : memref<125x64xf32, #tpu.memory_space<vmem>>) offsets(%dma_start3A_38 : memref<125xi32, #tpu.memory_space<vmem>>) semaphore(%arg16 : memref<!tpu.dma_semaphore, #tpu.memory_space<semaphore_mem>>)
      %dma_start3A_42 = arith.constant 1 : i32
      %dma_start3A_43 = arith.constant 0 : i32
      %dma_start3A_44 = tpu.memref_slice %arg7[%dma_start3A_42, %dma_start3A_43] : memref<160x125xi32, #tpu.memory_space<vmem>> -> memref<1x125xi32, #tpu.memory_space<vmem>>
      %dma_start3A_45 = tpu.memref_squeeze %dma_start3A_44 : memref<1x125xi32, #tpu.memory_space<vmem>> -> memref<125xi32, #tpu.memory_space<vmem>>
      %dma_start3A_46 = arith.constant 0 : i32
      %dma_start3A_47 = arith.constant 0 : i32
      %dma_start3A_48 = tpu.memref_slice %arg2[%dma_start3A_46, %dma_start3A_47] : memref<10000x64xf32, #tpu.memory_space<hbm>> -> memref<10000x64xf32, #tpu.memory_space<hbm>>
      tpu.enqueue_indirect_dma source(%dma_start3A_48 : memref<10000x64xf32, #tpu.memory_space<hbm>>) target(%arg10 : memref<125x64xf32, #tpu.memory_space<vmem>>) offsets(%dma_start3A_45 : memref<125xi32, #tpu.memory_space<vmem>>) semaphore(%arg17 : memref<!tpu.dma_semaphore, #tpu.memory_space<semaphore_mem>>)
      %dma_start3A_49 = arith.constant 2 : i32
      %dma_start3A_50 = arith.constant 0 : i32
      %dma_start3A_51 = tpu.memref_slice %arg7[%dma_start3A_49, %dma_start3A_50] : memref<160x125xi32, #tpu.memory_space<vmem>> -> memref<1x125xi32, #tpu.memory_space<vmem>>
      %dma_start3A_52 = tpu.memref_squeeze %dma_start3A_51 : memref<1x125xi32, #tpu.memory_space<vmem>> -> memref<125xi32, #tpu.memory_space<vmem>>
      %dma_start3A_53 = arith.constant 0 : i32
      %dma_start3A_54 = arith.constant 0 : i32
      %dma_start3A_55 = tpu.memref_slice %arg2[%dma_start3A_53, %dma_start3A_54] : memref<10000x64xf32, #tpu.memory_space<hbm>> -> memref<10000x64xf32, #tpu.memory_space<hbm>>
      tpu.enqueue_indirect_dma source(%dma_start3A_55 : memref<10000x64xf32, #tpu.memory_space<hbm>>) target(%arg11 : memref<125x64xf32, #tpu.memory_space<vmem>>) offsets(%dma_start3A_52 : memref<125xi32, #tpu.memory_space<vmem>>) semaphore(%arg18 : memref<!tpu.dma_semaphore, #tpu.memory_space<semaphore_mem>>)
      %dma_start3A_56 = arith.constant 3 : i32
      %dma_start3A_57 = arith.constant 0 : i32
      %dma_start3A_58 = tpu.memref_slice %arg7[%dma_start3A_56, %dma_start3A_57] : memref<160x125xi32, #tpu.memory_space<vmem>> -> memref<1x125xi32, #tpu.memory_space<vmem>>
      %dma_start3A_59 = tpu.memref_squeeze %dma_start3A_58 : memref<1x125xi32, #tpu.memory_space<vmem>> -> memref<125xi32, #tpu.memory_space<vmem>>
      %dma_start3A_60 = arith.constant 0 : i32
      %dma_start3A_61 = arith.constant 0 : i32
      %dma_start3A_62 = tpu.memref_slice %arg2[%dma_start3A_60, %dma_start3A_61] : memref<10000x64xf32, #tpu.memory_space<hbm>> -> memref<10000x64xf32, #tpu.memory_space<hbm>>
      tpu.enqueue_indirect_dma source(%dma_start3A_62 : memref<10000x64xf32, #tpu.memory_space<hbm>>) target(%arg12 : memref<125x64xf32, #tpu.memory_space<vmem>>) offsets(%dma_start3A_59 : memref<125xi32, #tpu.memory_space<vmem>>) semaphore(%arg19 : memref<!tpu.dma_semaphore, #tpu.memory_space<semaphore_mem>>)
      %dma_start3A_63 = arith.constant 4 : i32
      %dma_start3A_64 = arith.constant 0 : i32
      %dma_start3A_65 = tpu.memref_slice %arg7[%dma_start3A_63, %dma_start3A_64] : memref<160x125xi32, #tpu.memory_space<vmem>> -> memref<1x125xi32, #tpu.memory_space<vmem>>
      %dma_start3A_66 = tpu.memref_squeeze %dma_start3A_65 : memref<1x125xi32, #tpu.memory_space<vmem>> -> memref<125xi32, #tpu.memory_space<vmem>>
      %dma_start3A_67 = arith.constant 0 : i32
      %dma_start3A_68 = arith.constant 0 : i32
      %dma_start3A_69 = tpu.memref_slice %arg2[%dma_start3A_67, %dma_start3A_68] : memref<10000x64xf32, #tpu.memory_space<hbm>> -> memref<10000x64xf32, #tpu.memory_space<hbm>>
      tpu.enqueue_indirect_dma source(%dma_start3A_69 : memref<10000x64xf32, #tpu.memory_space<hbm>>) target(%arg13 : memref<125x64xf32, #tpu.memory_space<vmem>>) offsets(%dma_start3A_66 : memref<125xi32, #tpu.memory_space<vmem>>) semaphore(%arg20 : memref<!tpu.dma_semaphore, #tpu.memory_space<semaphore_mem>>)
      %scan3A_70 = arith.constant 0 : i32
      %scan3A_71 = arith.constant 32 : i32
      %scan3A_72 = arith.addi %scan3A_70, %scan3A_71 : i32
      %scan3A_73 = arith.constant 1 : i32
      scf.for %scan3A_75 = %scan3A_70 to %scan3A_72 step %scan3A_73  : i32 {
        %mul3A_76 = arith.constant 5 : i32
        %mul3A_77 = arith.muli %scan3A_75, %mul3A_76 : i32
        %add3A_78 = arith.constant 0 : i32
        %add3A_79 = arith.addi %add3A_78, %mul3A_77 : i32
        %add3A_80 = arith.constant 0 : i32
        %add3A_81 = arith.addi %add3A_79, %add3A_80 : i32
        %dma_wait3A = arith.constant 0 : i32
        %dma_wait3A_82 = tpu.memref_slice %arg7[%add3A_81, %dma_wait3A] : memref<160x125xi32, #tpu.memory_space<vmem>> -> memref<1x125xi32, #tpu.memory_space<vmem>>
        %dma_wait3A_83 = tpu.memref_squeeze %dma_wait3A_82 : memref<1x125xi32, #tpu.memory_space<vmem>> -> memref<125xi32, #tpu.memory_space<vmem>>
        %dma_wait3A_84 = arith.constant 0 : i32
        %dma_wait3A_85 = arith.constant 0 : i32
        %dma_wait3A_86 = tpu.memref_slice %arg2[%dma_wait3A_84, %dma_wait3A_85] : memref<10000x64xf32, #tpu.memory_space<hbm>> -> memref<10000x64xf32, #tpu.memory_space<hbm>>
        tpu.wait_indirect_dma semaphore(%arg16 : memref<!tpu.dma_semaphore, #tpu.memory_space<semaphore_mem>>) src(%dma_wait3A_86 : memref<10000x64xf32, #tpu.memory_space<hbm>>) dst(%arg9 : memref<125x64xf32, #tpu.memory_space<vmem>>)
        %add3A_87 = arith.constant 0 : i32
        %add3A_88 = arith.addi %add3A_79, %add3A_87 : i32
        %dma_start3A_89 = arith.constant 0 : i32
        %dma_start3A_90 = tpu.memref_slice %arg8[%add3A_88, %dma_start3A_89] : memref<160x125xi32, #tpu.memory_space<vmem>> -> memref<1x125xi32, #tpu.memory_space<vmem>>
        %dma_start3A_91 = tpu.memref_squeeze %dma_start3A_90 : memref<1x125xi32, #tpu.memory_space<vmem>> -> memref<125xi32, #tpu.memory_space<vmem>>
        %dma_start3A_92 = arith.constant 0 : i32
        %dma_start3A_93 = arith.constant 0 : i32
        %dma_start3A_94 = tpu.memref_slice %arg15[%dma_start3A_92, %dma_start3A_93] : memref<10240x64xf32, #tpu.memory_space<vmem_shared>> -> memref<10240x64xf32, #tpu.memory_space<vmem_shared>>
        tpu.enqueue_indirect_dma source(%arg9 : memref<125x64xf32, #tpu.memory_space<vmem>>) target(%dma_start3A_94 : memref<10240x64xf32, #tpu.memory_space<vmem_shared>>) offsets(%dma_start3A_91 : memref<125xi32, #tpu.memory_space<vmem>>) semaphore(%arg21 : memref<!tpu.dma_semaphore, #tpu.memory_space<semaphore_mem>>) {add = true}
        %add3A_95 = arith.constant 1 : i32
        %add3A_96 = arith.addi %add3A_79, %add3A_95 : i32
        %dma_wait3A_97 = arith.constant 0 : i32
        %dma_wait3A_98 = tpu.memref_slice %arg7[%add3A_96, %dma_wait3A_97] : memref<160x125xi32, #tpu.memory_space<vmem>> -> memref<1x125xi32, #tpu.memory_space<vmem>>
        %dma_wait3A_99 = tpu.memref_squeeze %dma_wait3A_98 : memref<1x125xi32, #tpu.memory_space<vmem>> -> memref<125xi32, #tpu.memory_space<vmem>>
        %dma_wait3A_100 = arith.constant 0 : i32
        %dma_wait3A_101 = arith.constant 0 : i32
        %dma_wait3A_102 = tpu.memref_slice %arg2[%dma_wait3A_100, %dma_wait3A_101] : memref<10000x64xf32, #tpu.memory_space<hbm>> -> memref<10000x64xf32, #tpu.memory_space<hbm>>
        tpu.wait_indirect_dma semaphore(%arg17 : memref<!tpu.dma_semaphore, #tpu.memory_space<semaphore_mem>>) src(%dma_wait3A_102 : memref<10000x64xf32, #tpu.memory_space<hbm>>) dst(%arg10 : memref<125x64xf32, #tpu.memory_space<vmem>>)
        %add3A_103 = arith.constant 1 : i32
        %add3A_104 = arith.addi %add3A_79, %add3A_103 : i32
        %dma_start3A_105 = arith.constant 0 : i32
        %dma_start3A_106 = tpu.memref_slice %arg8[%add3A_104, %dma_start3A_105] : memref<160x125xi32, #tpu.memory_space<vmem>> -> memref<1x125xi32, #tpu.memory_space<vmem>>
        %dma_start3A_107 = tpu.memref_squeeze %dma_start3A_106 : memref<1x125xi32, #tpu.memory_space<vmem>> -> memref<125xi32, #tpu.memory_space<vmem>>
        %dma_start3A_108 = arith.constant 0 : i32
        %dma_start3A_109 = arith.constant 0 : i32
        %dma_start3A_110 = tpu.memref_slice %arg15[%dma_start3A_108, %dma_start3A_109] : memref<10240x64xf32, #tpu.memory_space<vmem_shared>> -> memref<10240x64xf32, #tpu.memory_space<vmem_shared>>
        tpu.enqueue_indirect_dma source(%arg10 : memref<125x64xf32, #tpu.memory_space<vmem>>) target(%dma_start3A_110 : memref<10240x64xf32, #tpu.memory_space<vmem_shared>>) offsets(%dma_start3A_107 : memref<125xi32, #tpu.memory_space<vmem>>) semaphore(%arg22 : memref<!tpu.dma_semaphore, #tpu.memory_space<semaphore_mem>>) {add = true}
        %add3A_111 = arith.constant 2 : i32
        %add3A_112 = arith.addi %add3A_79, %add3A_111 : i32
        %dma_wait3A_113 = arith.constant 0 : i32
        %dma_wait3A_114 = tpu.memref_slice %arg7[%add3A_112, %dma_wait3A_113] : memref<160x125xi32, #tpu.memory_space<vmem>> -> memref<1x125xi32, #tpu.memory_space<vmem>>
        %dma_wait3A_115 = tpu.memref_squeeze %dma_wait3A_114 : memref<1x125xi32, #tpu.memory_space<vmem>> -> memref<125xi32, #tpu.memory_space<vmem>>
        %dma_wait3A_116 = arith.constant 0 : i32
        %dma_wait3A_117 = arith.constant 0 : i32
        %dma_wait3A_118 = tpu.memref_slice %arg2[%dma_wait3A_116, %dma_wait3A_117] : memref<10000x64xf32, #tpu.memory_space<hbm>> -> memref<10000x64xf32, #tpu.memory_space<hbm>>
        tpu.wait_indirect_dma semaphore(%arg18 : memref<!tpu.dma_semaphore, #tpu.memory_space<semaphore_mem>>) src(%dma_wait3A_118 : memref<10000x64xf32, #tpu.memory_space<hbm>>) dst(%arg11 : memref<125x64xf32, #tpu.memory_space<vmem>>)
        %add3A_119 = arith.constant 2 : i32
        %add3A_120 = arith.addi %add3A_79, %add3A_119 : i32
        %dma_start3A_121 = arith.constant 0 : i32
        %dma_start3A_122 = tpu.memref_slice %arg8[%add3A_120, %dma_start3A_121] : memref<160x125xi32, #tpu.memory_space<vmem>> -> memref<1x125xi32, #tpu.memory_space<vmem>>
        %dma_start3A_123 = tpu.memref_squeeze %dma_start3A_122 : memref<1x125xi32, #tpu.memory_space<vmem>> -> memref<125xi32, #tpu.memory_space<vmem>>
        %dma_start3A_124 = arith.constant 0 : i32
        %dma_start3A_125 = arith.constant 0 : i32
        %dma_start3A_126 = tpu.memref_slice %arg15[%dma_start3A_124, %dma_start3A_125] : memref<10240x64xf32, #tpu.memory_space<vmem_shared>> -> memref<10240x64xf32, #tpu.memory_space<vmem_shared>>
        tpu.enqueue_indirect_dma source(%arg11 : memref<125x64xf32, #tpu.memory_space<vmem>>) target(%dma_start3A_126 : memref<10240x64xf32, #tpu.memory_space<vmem_shared>>) offsets(%dma_start3A_123 : memref<125xi32, #tpu.memory_space<vmem>>) semaphore(%arg23 : memref<!tpu.dma_semaphore, #tpu.memory_space<semaphore_mem>>) {add = true}
        %add3A_127 = arith.constant 3 : i32
        %add3A_128 = arith.addi %add3A_79, %add3A_127 : i32
        %dma_wait3A_129 = arith.constant 0 : i32
        %dma_wait3A_130 = tpu.memref_slice %arg7[%add3A_128, %dma_wait3A_129] : memref<160x125xi32, #tpu.memory_space<vmem>> -> memref<1x125xi32, #tpu.memory_space<vmem>>
        %dma_wait3A_131 = tpu.memref_squeeze %dma_wait3A_130 : memref<1x125xi32, #tpu.memory_space<vmem>> -> memref<125xi32, #tpu.memory_space<vmem>>
        %dma_wait3A_132 = arith.constant 0 : i32
        %dma_wait3A_133 = arith.constant 0 : i32
        %dma_wait3A_134 = tpu.memref_slice %arg2[%dma_wait3A_132, %dma_wait3A_133] : memref<10000x64xf32, #tpu.memory_space<hbm>> -> memref<10000x64xf32, #tpu.memory_space<hbm>>
        tpu.wait_indirect_dma semaphore(%arg19 : memref<!tpu.dma_semaphore, #tpu.memory_space<semaphore_mem>>) src(%dma_wait3A_134 : memref<10000x64xf32, #tpu.memory_space<hbm>>) dst(%arg12 : memref<125x64xf32, #tpu.memory_space<vmem>>)
        %add3A_135 = arith.constant 3 : i32
        %add3A_136 = arith.addi %add3A_79, %add3A_135 : i32
        %dma_start3A_137 = arith.constant 0 : i32
        %dma_start3A_138 = tpu.memref_slice %arg8[%add3A_136, %dma_start3A_137] : memref<160x125xi32, #tpu.memory_space<vmem>> -> memref<1x125xi32, #tpu.memory_space<vmem>>
        %dma_start3A_139 = tpu.memref_squeeze %dma_start3A_138 : memref<1x125xi32, #tpu.memory_space<vmem>> -> memref<125xi32, #tpu.memory_space<vmem>>
        %dma_start3A_140 = arith.constant 0 : i32
        %dma_start3A_141 = arith.constant 0 : i32
        %dma_start3A_142 = tpu.memref_slice %arg15[%dma_start3A_140, %dma_start3A_141] : memref<10240x64xf32, #tpu.memory_space<vmem_shared>> -> memref<10240x64xf32, #tpu.memory_space<vmem_shared>>
        tpu.enqueue_indirect_dma source(%arg12 : memref<125x64xf32, #tpu.memory_space<vmem>>) target(%dma_start3A_142 : memref<10240x64xf32, #tpu.memory_space<vmem_shared>>) offsets(%dma_start3A_139 : memref<125xi32, #tpu.memory_space<vmem>>) semaphore(%arg24 : memref<!tpu.dma_semaphore, #tpu.memory_space<semaphore_mem>>) {add = true}
        %add3A_143 = arith.constant 4 : i32
        %add3A_144 = arith.addi %add3A_79, %add3A_143 : i32
        %dma_wait3A_145 = arith.constant 0 : i32
        %dma_wait3A_146 = tpu.memref_slice %arg7[%add3A_144, %dma_wait3A_145] : memref<160x125xi32, #tpu.memory_space<vmem>> -> memref<1x125xi32, #tpu.memory_space<vmem>>
        %dma_wait3A_147 = tpu.memref_squeeze %dma_wait3A_146 : memref<1x125xi32, #tpu.memory_space<vmem>> -> memref<125xi32, #tpu.memory_space<vmem>>
        %dma_wait3A_148 = arith.constant 0 : i32
        %dma_wait3A_149 = arith.constant 0 : i32
        %dma_wait3A_150 = tpu.memref_slice %arg2[%dma_wait3A_148, %dma_wait3A_149] : memref<10000x64xf32, #tpu.memory_space<hbm>> -> memref<10000x64xf32, #tpu.memory_space<hbm>>
        tpu.wait_indirect_dma semaphore(%arg20 : memref<!tpu.dma_semaphore, #tpu.memory_space<semaphore_mem>>) src(%dma_wait3A_150 : memref<10000x64xf32, #tpu.memory_space<hbm>>) dst(%arg13 : memref<125x64xf32, #tpu.memory_space<vmem>>)
        %add3A_151 = arith.constant 4 : i32
        %add3A_152 = arith.addi %add3A_79, %add3A_151 : i32
        %dma_start3A_153 = arith.constant 0 : i32
        %dma_start3A_154 = tpu.memref_slice %arg8[%add3A_152, %dma_start3A_153] : memref<160x125xi32, #tpu.memory_space<vmem>> -> memref<1x125xi32, #tpu.memory_space<vmem>>
        %dma_start3A_155 = tpu.memref_squeeze %dma_start3A_154 : memref<1x125xi32, #tpu.memory_space<vmem>> -> memref<125xi32, #tpu.memory_space<vmem>>
        %dma_start3A_156 = arith.constant 0 : i32
        %dma_start3A_157 = arith.constant 0 : i32
        %dma_start3A_158 = tpu.memref_slice %arg15[%dma_start3A_156, %dma_start3A_157] : memref<10240x64xf32, #tpu.memory_space<vmem_shared>> -> memref<10240x64xf32, #tpu.memory_space<vmem_shared>>
        tpu.enqueue_indirect_dma source(%arg13 : memref<125x64xf32, #tpu.memory_space<vmem>>) target(%dma_start3A_158 : memref<10240x64xf32, #tpu.memory_space<vmem_shared>>) offsets(%dma_start3A_155 : memref<125xi32, #tpu.memory_space<vmem>>) semaphore(%arg25 : memref<!tpu.dma_semaphore, #tpu.memory_space<semaphore_mem>>) {add = true}
        %add3A_159 = arith.constant 0 : i32
        %add3A_160 = arith.addi %add3A_79, %add3A_159 : i32
        %dma_wait3A_161 = arith.constant 0 : i32
        %dma_wait3A_162 = tpu.memref_slice %arg8[%add3A_160, %dma_wait3A_161] : memref<160x125xi32, #tpu.memory_space<vmem>> -> memref<1x125xi32, #tpu.memory_space<vmem>>
        %dma_wait3A_163 = tpu.memref_squeeze %dma_wait3A_162 : memref<1x125xi32, #tpu.memory_space<vmem>> -> memref<125xi32, #tpu.memory_space<vmem>>
        %dma_wait3A_164 = arith.constant 0 : i32
        %dma_wait3A_165 = arith.constant 0 : i32
        %dma_wait3A_166 = tpu.memref_slice %arg15[%dma_wait3A_164, %dma_wait3A_165] : memref<10240x64xf32, #tpu.memory_space<vmem_shared>> -> memref<10240x64xf32, #tpu.memory_space<vmem_shared>>
        tpu.wait_indirect_dma semaphore(%arg21 : memref<!tpu.dma_semaphore, #tpu.memory_space<semaphore_mem>>) src(%arg9 : memref<125x64xf32, #tpu.memory_space<vmem>>) dst(%dma_wait3A_166 : memref<10240x64xf32, #tpu.memory_space<vmem_shared>>)
        %add3A_167 = arith.constant 0 : i32
        %add3A_168 = arith.addi %add3A_79, %add3A_167 : i32
        %add3A_169 = arith.constant 5 : i32
        %add3A_170 = arith.addi %add3A_168, %add3A_169 : i32
        %lt3A = arith.constant 160 : i32
        %lt3A_171 = arith.cmpi slt, %add3A_170, %lt3A : i32
        %convert_element_type3A_172 = arith.extui %lt3A_171 : i1 to i32
        %cond3A_173 = arith.constant 0 : i32
        %cond3A_174 = arith.cmpi ne, %convert_element_type3A_172, %cond3A_173 : i32
        scf.if %cond3A_174 {
          %add3A_243 = arith.constant 0 : i32
          %add3A_244 = arith.addi %add3A_79, %add3A_243 : i32
          %add3A_245 = arith.constant 5 : i32
          %add3A_246 = arith.addi %add3A_244, %add3A_245 : i32
          %dma_start3A_247 = arith.constant 0 : i32
          %dma_start3A_248 = tpu.memref_slice %arg7[%add3A_246, %dma_start3A_247] : memref<160x125xi32, #tpu.memory_space<vmem>> -> memref<1x125xi32, #tpu.memory_space<vmem>>
          %dma_start3A_249 = tpu.memref_squeeze %dma_start3A_248 : memref<1x125xi32, #tpu.memory_space<vmem>> -> memref<125xi32, #tpu.memory_space<vmem>>
          %dma_start3A_250 = arith.constant 0 : i32
          %dma_start3A_251 = arith.constant 0 : i32
          %dma_start3A_252 = tpu.memref_slice %arg2[%dma_start3A_250, %dma_start3A_251] : memref<10000x64xf32, #tpu.memory_space<hbm>> -> memref<10000x64xf32, #tpu.memory_space<hbm>>
          tpu.enqueue_indirect_dma source(%dma_start3A_252 : memref<10000x64xf32, #tpu.memory_space<hbm>>) target(%arg9 : memref<125x64xf32, #tpu.memory_space<vmem>>) offsets(%dma_start3A_249 : memref<125xi32, #tpu.memory_space<vmem>>) semaphore(%arg16 : memref<!tpu.dma_semaphore, #tpu.memory_space<semaphore_mem>>)
        } else {
        }
        %add3A_175 = arith.constant 1 : i32
        %add3A_176 = arith.addi %add3A_79, %add3A_175 : i32
        %dma_wait3A_177 = arith.constant 0 : i32
        %dma_wait3A_178 = tpu.memref_slice %arg8[%add3A_176, %dma_wait3A_177] : memref<160x125xi32, #tpu.memory_space<vmem>> -> memref<1x125xi32, #tpu.memory_space<vmem>>
        %dma_wait3A_179 = tpu.memref_squeeze %dma_wait3A_178 : memref<1x125xi32, #tpu.memory_space<vmem>> -> memref<125xi32, #tpu.memory_space<vmem>>
        %dma_wait3A_180 = arith.constant 0 : i32
        %dma_wait3A_181 = arith.constant 0 : i32
        %dma_wait3A_182 = tpu.memref_slice %arg15[%dma_wait3A_180, %dma_wait3A_181] : memref<10240x64xf32, #tpu.memory_space<vmem_shared>> -> memref<10240x64xf32, #tpu.memory_space<vmem_shared>>
        tpu.wait_indirect_dma semaphore(%arg22 : memref<!tpu.dma_semaphore, #tpu.memory_space<semaphore_mem>>) src(%arg10 : memref<125x64xf32, #tpu.memory_space<vmem>>) dst(%dma_wait3A_182 : memref<10240x64xf32, #tpu.memory_space<vmem_shared>>)
        %add3A_183 = arith.constant 1 : i32
        %add3A_184 = arith.addi %add3A_79, %add3A_183 : i32
        %add3A_185 = arith.constant 5 : i32
        %add3A_186 = arith.addi %add3A_184, %add3A_185 : i32
        %lt3A_187 = arith.constant 160 : i32
        %lt3A_188 = arith.cmpi slt, %add3A_186, %lt3A_187 : i32
        %convert_element_type3A_189 = arith.extui %lt3A_188 : i1 to i32
        %cond3A_190 = arith.constant 0 : i32
        %cond3A_191 = arith.cmpi ne, %convert_element_type3A_189, %cond3A_190 : i32
        scf.if %cond3A_191 {
          %add3A_243 = arith.constant 1 : i32
          %add3A_244 = arith.addi %add3A_79, %add3A_243 : i32
          %add3A_245 = arith.constant 5 : i32
          %add3A_246 = arith.addi %add3A_244, %add3A_245 : i32
          %dma_start3A_247 = arith.constant 0 : i32
          %dma_start3A_248 = tpu.memref_slice %arg7[%add3A_246, %dma_start3A_247] : memref<160x125xi32, #tpu.memory_space<vmem>> -> memref<1x125xi32, #tpu.memory_space<vmem>>
          %dma_start3A_249 = tpu.memref_squeeze %dma_start3A_248 : memref<1x125xi32, #tpu.memory_space<vmem>> -> memref<125xi32, #tpu.memory_space<vmem>>
          %dma_start3A_250 = arith.constant 0 : i32
          %dma_start3A_251 = arith.constant 0 : i32
          %dma_start3A_252 = tpu.memref_slice %arg2[%dma_start3A_250, %dma_start3A_251] : memref<10000x64xf32, #tpu.memory_space<hbm>> -> memref<10000x64xf32, #tpu.memory_space<hbm>>
          tpu.enqueue_indirect_dma source(%dma_start3A_252 : memref<10000x64xf32, #tpu.memory_space<hbm>>) target(%arg10 : memref<125x64xf32, #tpu.memory_space<vmem>>) offsets(%dma_start3A_249 : memref<125xi32, #tpu.memory_space<vmem>>) semaphore(%arg17 : memref<!tpu.dma_semaphore, #tpu.memory_space<semaphore_mem>>)
        } else {
        }
        %add3A_192 = arith.constant 2 : i32
        %add3A_193 = arith.addi %add3A_79, %add3A_192 : i32
        %dma_wait3A_194 = arith.constant 0 : i32
        %dma_wait3A_195 = tpu.memref_slice %arg8[%add3A_193, %dma_wait3A_194] : memref<160x125xi32, #tpu.memory_space<vmem>> -> memref<1x125xi32, #tpu.memory_space<vmem>>
        %dma_wait3A_196 = tpu.memref_squeeze %dma_wait3A_195 : memref<1x125xi32, #tpu.memory_space<vmem>> -> memref<125xi32, #tpu.memory_space<vmem>>
        %dma_wait3A_197 = arith.constant 0 : i32
        %dma_wait3A_198 = arith.constant 0 : i32
        %dma_wait3A_199 = tpu.memref_slice %arg15[%dma_wait3A_197, %dma_wait3A_198] : memref<10240x64xf32, #tpu.memory_space<vmem_shared>> -> memref<10240x64xf32, #tpu.memory_space<vmem_shared>>
        tpu.wait_indirect_dma semaphore(%arg23 : memref<!tpu.dma_semaphore, #tpu.memory_space<semaphore_mem>>) src(%arg11 : memref<125x64xf32, #tpu.memory_space<vmem>>) dst(%dma_wait3A_199 : memref<10240x64xf32, #tpu.memory_space<vmem_shared>>)
        %add3A_200 = arith.constant 2 : i32
        %add3A_201 = arith.addi %add3A_79, %add3A_200 : i32
        %add3A_202 = arith.constant 5 : i32
        %add3A_203 = arith.addi %add3A_201, %add3A_202 : i32
        %lt3A_204 = arith.constant 160 : i32
        %lt3A_205 = arith.cmpi slt, %add3A_203, %lt3A_204 : i32
        %convert_element_type3A_206 = arith.extui %lt3A_205 : i1 to i32
        %cond3A_207 = arith.constant 0 : i32
        %cond3A_208 = arith.cmpi ne, %convert_element_type3A_206, %cond3A_207 : i32
        scf.if %cond3A_208 {
          %add3A_243 = arith.constant 2 : i32
          %add3A_244 = arith.addi %add3A_79, %add3A_243 : i32
          %add3A_245 = arith.constant 5 : i32
          %add3A_246 = arith.addi %add3A_244, %add3A_245 : i32
          %dma_start3A_247 = arith.constant 0 : i32
          %dma_start3A_248 = tpu.memref_slice %arg7[%add3A_246, %dma_start3A_247] : memref<160x125xi32, #tpu.memory_space<vmem>> -> memref<1x125xi32, #tpu.memory_space<vmem>>
          %dma_start3A_249 = tpu.memref_squeeze %dma_start3A_248 : memref<1x125xi32, #tpu.memory_space<vmem>> -> memref<125xi32, #tpu.memory_space<vmem>>
          %dma_start3A_250 = arith.constant 0 : i32
          %dma_start3A_251 = arith.constant 0 : i32
          %dma_start3A_252 = tpu.memref_slice %arg2[%dma_start3A_250, %dma_start3A_251] : memref<10000x64xf32, #tpu.memory_space<hbm>> -> memref<10000x64xf32, #tpu.memory_space<hbm>>
          tpu.enqueue_indirect_dma source(%dma_start3A_252 : memref<10000x64xf32, #tpu.memory_space<hbm>>) target(%arg11 : memref<125x64xf32, #tpu.memory_space<vmem>>) offsets(%dma_start3A_249 : memref<125xi32, #tpu.memory_space<vmem>>) semaphore(%arg18 : memref<!tpu.dma_semaphore, #tpu.memory_space<semaphore_mem>>)
        } else {
        }
        %add3A_209 = arith.constant 3 : i32
        %add3A_210 = arith.addi %add3A_79, %add3A_209 : i32
        %dma_wait3A_211 = arith.constant 0 : i32
        %dma_wait3A_212 = tpu.memref_slice %arg8[%add3A_210, %dma_wait3A_211] : memref<160x125xi32, #tpu.memory_space<vmem>> -> memref<1x125xi32, #tpu.memory_space<vmem>>
        %dma_wait3A_213 = tpu.memref_squeeze %dma_wait3A_212 : memref<1x125xi32, #tpu.memory_space<vmem>> -> memref<125xi32, #tpu.memory_space<vmem>>
        %dma_wait3A_214 = arith.constant 0 : i32
        %dma_wait3A_215 = arith.constant 0 : i32
        %dma_wait3A_216 = tpu.memref_slice %arg15[%dma_wait3A_214, %dma_wait3A_215] : memref<10240x64xf32, #tpu.memory_space<vmem_shared>> -> memref<10240x64xf32, #tpu.memory_space<vmem_shared>>
        tpu.wait_indirect_dma semaphore(%arg24 : memref<!tpu.dma_semaphore, #tpu.memory_space<semaphore_mem>>) src(%arg12 : memref<125x64xf32, #tpu.memory_space<vmem>>) dst(%dma_wait3A_216 : memref<10240x64xf32, #tpu.memory_space<vmem_shared>>)
        %add3A_217 = arith.constant 3 : i32
        %add3A_218 = arith.addi %add3A_79, %add3A_217 : i32
        %add3A_219 = arith.constant 5 : i32
        %add3A_220 = arith.addi %add3A_218, %add3A_219 : i32
        %lt3A_221 = arith.constant 160 : i32
        %lt3A_222 = arith.cmpi slt, %add3A_220, %lt3A_221 : i32
        %convert_element_type3A_223 = arith.extui %lt3A_222 : i1 to i32
        %cond3A_224 = arith.constant 0 : i32
        %cond3A_225 = arith.cmpi ne, %convert_element_type3A_223, %cond3A_224 : i32
        scf.if %cond3A_225 {
          %add3A_243 = arith.constant 3 : i32
          %add3A_244 = arith.addi %add3A_79, %add3A_243 : i32
          %add3A_245 = arith.constant 5 : i32
          %add3A_246 = arith.addi %add3A_244, %add3A_245 : i32
          %dma_start3A_247 = arith.constant 0 : i32
          %dma_start3A_248 = tpu.memref_slice %arg7[%add3A_246, %dma_start3A_247] : memref<160x125xi32, #tpu.memory_space<vmem>> -> memref<1x125xi32, #tpu.memory_space<vmem>>
          %dma_start3A_249 = tpu.memref_squeeze %dma_start3A_248 : memref<1x125xi32, #tpu.memory_space<vmem>> -> memref<125xi32, #tpu.memory_space<vmem>>
          %dma_start3A_250 = arith.constant 0 : i32
          %dma_start3A_251 = arith.constant 0 : i32
          %dma_start3A_252 = tpu.memref_slice %arg2[%dma_start3A_250, %dma_start3A_251] : memref<10000x64xf32, #tpu.memory_space<hbm>> -> memref<10000x64xf32, #tpu.memory_space<hbm>>
          tpu.enqueue_indirect_dma source(%dma_start3A_252 : memref<10000x64xf32, #tpu.memory_space<hbm>>) target(%arg12 : memref<125x64xf32, #tpu.memory_space<vmem>>) offsets(%dma_start3A_249 : memref<125xi32, #tpu.memory_space<vmem>>) semaphore(%arg19 : memref<!tpu.dma_semaphore, #tpu.memory_space<semaphore_mem>>)
        } else {
        }
        %add3A_226 = arith.constant 4 : i32
        %add3A_227 = arith.addi %add3A_79, %add3A_226 : i32
        %dma_wait3A_228 = arith.constant 0 : i32
        %dma_wait3A_229 = tpu.memref_slice %arg8[%add3A_227, %dma_wait3A_228] : memref<160x125xi32, #tpu.memory_space<vmem>> -> memref<1x125xi32, #tpu.memory_space<vmem>>
        %dma_wait3A_230 = tpu.memref_squeeze %dma_wait3A_229 : memref<1x125xi32, #tpu.memory_space<vmem>> -> memref<125xi32, #tpu.memory_space<vmem>>
        %dma_wait3A_231 = arith.constant 0 : i32
        %dma_wait3A_232 = arith.constant 0 : i32
        %dma_wait3A_233 = tpu.memref_slice %arg15[%dma_wait3A_231, %dma_wait3A_232] : memref<10240x64xf32, #tpu.memory_space<vmem_shared>> -> memref<10240x64xf32, #tpu.memory_space<vmem_shared>>
        tpu.wait_indirect_dma semaphore(%arg25 : memref<!tpu.dma_semaphore, #tpu.memory_space<semaphore_mem>>) src(%arg13 : memref<125x64xf32, #tpu.memory_space<vmem>>) dst(%dma_wait3A_233 : memref<10240x64xf32, #tpu.memory_space<vmem_shared>>)
        %add3A_234 = arith.constant 4 : i32
        %add3A_235 = arith.addi %add3A_79, %add3A_234 : i32
        %add3A_236 = arith.constant 5 : i32
        %add3A_237 = arith.addi %add3A_235, %add3A_236 : i32
        %lt3A_238 = arith.constant 160 : i32
        %lt3A_239 = arith.cmpi slt, %add3A_237, %lt3A_238 : i32
        %convert_element_type3A_240 = arith.extui %lt3A_239 : i1 to i32
        %cond3A_241 = arith.constant 0 : i32
        %cond3A_242 = arith.cmpi ne, %convert_element_type3A_240, %cond3A_241 : i32
        scf.if %cond3A_242 {
          %add3A_243 = arith.constant 4 : i32
          %add3A_244 = arith.addi %add3A_79, %add3A_243 : i32
          %add3A_245 = arith.constant 5 : i32
          %add3A_246 = arith.addi %add3A_244, %add3A_245 : i32
          %dma_start3A_247 = arith.constant 0 : i32
          %dma_start3A_248 = tpu.memref_slice %arg7[%add3A_246, %dma_start3A_247] : memref<160x125xi32, #tpu.memory_space<vmem>> -> memref<1x125xi32, #tpu.memory_space<vmem>>
          %dma_start3A_249 = tpu.memref_squeeze %dma_start3A_248 : memref<1x125xi32, #tpu.memory_space<vmem>> -> memref<125xi32, #tpu.memory_space<vmem>>
          %dma_start3A_250 = arith.constant 0 : i32
          %dma_start3A_251 = arith.constant 0 : i32
          %dma_start3A_252 = tpu.memref_slice %arg2[%dma_start3A_250, %dma_start3A_251] : memref<10000x64xf32, #tpu.memory_space<hbm>> -> memref<10000x64xf32, #tpu.memory_space<hbm>>
          tpu.enqueue_indirect_dma source(%dma_start3A_252 : memref<10000x64xf32, #tpu.memory_space<hbm>>) target(%arg13 : memref<125x64xf32, #tpu.memory_space<vmem>>) offsets(%dma_start3A_249 : memref<125xi32, #tpu.memory_space<vmem>>) semaphore(%arg20 : memref<!tpu.dma_semaphore, #tpu.memory_space<semaphore_mem>>)
        } else {
        }
      }
      %scan3A_74 = arith.constant 32 : i32
    } else {
    }
    %eq3A_24 = arith.constant 1 : i32
    %eq3A_25 = arith.cmpi eq, %arg0, %eq3A_24 : i32
    %convert_element_type3A_26 = arith.extui %eq3A_25 : i1 to i32
    %cond3A_27 = arith.constant 0 : i32
    %cond3A_28 = arith.cmpi ne, %convert_element_type3A_26, %cond3A_27 : i32
    scf.if %cond3A_28 {
      %dma_start3A = arith.constant 0 : i32
      %dma_start3A_36 = arith.constant 0 : i32
      %dma_start3A_37 = tpu.memref_slice %arg7[%dma_start3A, %dma_start3A_36] : memref<160x125xi32, #tpu.memory_space<vmem>> -> memref<1x125xi32, #tpu.memory_space<vmem>>
      %dma_start3A_38 = tpu.memref_squeeze %dma_start3A_37 : memref<1x125xi32, #tpu.memory_space<vmem>> -> memref<125xi32, #tpu.memory_space<vmem>>
      %dma_start3A_39 = arith.constant 0 : i32
      %dma_start3A_40 = arith.constant 0 : i32
      %dma_start3A_41 = tpu.memref_slice %arg3[%dma_start3A_39, %dma_start3A_40] : memref<10000x64xf32, #tpu.memory_space<hbm>> -> memref<10000x64xf32, #tpu.memory_space<hbm>>
      tpu.enqueue_indirect_dma source(%dma_start3A_41 : memref<10000x64xf32, #tpu.memory_space<hbm>>) target(%arg9 : memref<125x64xf32, #tpu.memory_space<vmem>>) offsets(%dma_start3A_38 : memref<125xi32, #tpu.memory_space<vmem>>) semaphore(%arg16 : memref<!tpu.dma_semaphore, #tpu.memory_space<semaphore_mem>>)
      %dma_start3A_42 = arith.constant 1 : i32
      %dma_start3A_43 = arith.constant 0 : i32
      %dma_start3A_44 = tpu.memref_slice %arg7[%dma_start3A_42, %dma_start3A_43] : memref<160x125xi32, #tpu.memory_space<vmem>> -> memref<1x125xi32, #tpu.memory_space<vmem>>
      %dma_start3A_45 = tpu.memref_squeeze %dma_start3A_44 : memref<1x125xi32, #tpu.memory_space<vmem>> -> memref<125xi32, #tpu.memory_space<vmem>>
      %dma_start3A_46 = arith.constant 0 : i32
      %dma_start3A_47 = arith.constant 0 : i32
      %dma_start3A_48 = tpu.memref_slice %arg3[%dma_start3A_46, %dma_start3A_47] : memref<10000x64xf32, #tpu.memory_space<hbm>> -> memref<10000x64xf32, #tpu.memory_space<hbm>>
      tpu.enqueue_indirect_dma source(%dma_start3A_48 : memref<10000x64xf32, #tpu.memory_space<hbm>>) target(%arg10 : memref<125x64xf32, #tpu.memory_space<vmem>>) offsets(%dma_start3A_45 : memref<125xi32, #tpu.memory_space<vmem>>) semaphore(%arg17 : memref<!tpu.dma_semaphore, #tpu.memory_space<semaphore_mem>>)
      %dma_start3A_49 = arith.constant 2 : i32
      %dma_start3A_50 = arith.constant 0 : i32
      %dma_start3A_51 = tpu.memref_slice %arg7[%dma_start3A_49, %dma_start3A_50] : memref<160x125xi32, #tpu.memory_space<vmem>> -> memref<1x125xi32, #tpu.memory_space<vmem>>
      %dma_start3A_52 = tpu.memref_squeeze %dma_start3A_51 : memref<1x125xi32, #tpu.memory_space<vmem>> -> memref<125xi32, #tpu.memory_space<vmem>>
      %dma_start3A_53 = arith.constant 0 : i32
      %dma_start3A_54 = arith.constant 0 : i32
      %dma_start3A_55 = tpu.memref_slice %arg3[%dma_start3A_53, %dma_start3A_54] : memref<10000x64xf32, #tpu.memory_space<hbm>> -> memref<10000x64xf32, #tpu.memory_space<hbm>>
      tpu.enqueue_indirect_dma source(%dma_start3A_55 : memref<10000x64xf32, #tpu.memory_space<hbm>>) target(%arg11 : memref<125x64xf32, #tpu.memory_space<vmem>>) offsets(%dma_start3A_52 : memref<125xi32, #tpu.memory_space<vmem>>) semaphore(%arg18 : memref<!tpu.dma_semaphore, #tpu.memory_space<semaphore_mem>>)
      %dma_start3A_56 = arith.constant 3 : i32
      %dma_start3A_57 = arith.constant 0 : i32
      %dma_start3A_58 = tpu.memref_slice %arg7[%dma_start3A_56, %dma_start3A_57] : memref<160x125xi32, #tpu.memory_space<vmem>> -> memref<1x125xi32, #tpu.memory_space<vmem>>
      %dma_start3A_59 = tpu.memref_squeeze %dma_start3A_58 : memref<1x125xi32, #tpu.memory_space<vmem>> -> memref<125xi32, #tpu.memory_space<vmem>>
      %dma_start3A_60 = arith.constant 0 : i32
      %dma_start3A_61 = arith.constant 0 : i32
      %dma_start3A_62 = tpu.memref_slice %arg3[%dma_start3A_60, %dma_start3A_61] : memref<10000x64xf32, #tpu.memory_space<hbm>> -> memref<10000x64xf32, #tpu.memory_space<hbm>>
      tpu.enqueue_indirect_dma source(%dma_start3A_62 : memref<10000x64xf32, #tpu.memory_space<hbm>>) target(%arg12 : memref<125x64xf32, #tpu.memory_space<vmem>>) offsets(%dma_start3A_59 : memref<125xi32, #tpu.memory_space<vmem>>) semaphore(%arg19 : memref<!tpu.dma_semaphore, #tpu.memory_space<semaphore_mem>>)
      %dma_start3A_63 = arith.constant 4 : i32
      %dma_start3A_64 = arith.constant 0 : i32
      %dma_start3A_65 = tpu.memref_slice %arg7[%dma_start3A_63, %dma_start3A_64] : memref<160x125xi32, #tpu.memory_space<vmem>> -> memref<1x125xi32, #tpu.memory_space<vmem>>
      %dma_start3A_66 = tpu.memref_squeeze %dma_start3A_65 : memref<1x125xi32, #tpu.memory_space<vmem>> -> memref<125xi32, #tpu.memory_space<vmem>>
      %dma_start3A_67 = arith.constant 0 : i32
      %dma_start3A_68 = arith.constant 0 : i32
      %dma_start3A_69 = tpu.memref_slice %arg3[%dma_start3A_67, %dma_start3A_68] : memref<10000x64xf32, #tpu.memory_space<hbm>> -> memref<10000x64xf32, #tpu.memory_space<hbm>>
      tpu.enqueue_indirect_dma source(%dma_start3A_69 : memref<10000x64xf32, #tpu.memory_space<hbm>>) target(%arg13 : memref<125x64xf32, #tpu.memory_space<vmem>>) offsets(%dma_start3A_66 : memref<125xi32, #tpu.memory_space<vmem>>) semaphore(%arg20 : memref<!tpu.dma_semaphore, #tpu.memory_space<semaphore_mem>>)
      %scan3A_70 = arith.constant 0 : i32
      %scan3A_71 = arith.constant 32 : i32
      %scan3A_72 = arith.addi %scan3A_70, %scan3A_71 : i32
      %scan3A_73 = arith.constant 1 : i32
      scf.for %scan3A_75 = %scan3A_70 to %scan3A_72 step %scan3A_73  : i32 {
        %mul3A_76 = arith.constant 5 : i32
        %mul3A_77 = arith.muli %scan3A_75, %mul3A_76 : i32
        %add3A_78 = arith.constant 0 : i32
        %add3A_79 = arith.addi %add3A_78, %mul3A_77 : i32
        %add3A_80 = arith.constant 0 : i32
        %add3A_81 = arith.addi %add3A_79, %add3A_80 : i32
        %dma_wait3A = arith.constant 0 : i32
        %dma_wait3A_82 = tpu.memref_slice %arg7[%add3A_81, %dma_wait3A] : memref<160x125xi32, #tpu.memory_space<vmem>> -> memref<1x125xi32, #tpu.memory_space<vmem>>
        %dma_wait3A_83 = tpu.memref_squeeze %dma_wait3A_82 : memref<1x125xi32, #tpu.memory_space<vmem>> -> memref<125xi32, #tpu.memory_space<vmem>>
        %dma_wait3A_84 = arith.constant 0 : i32
        %dma_wait3A_85 = arith.constant 0 : i32
        %dma_wait3A_86 = tpu.memref_slice %arg3[%dma_wait3A_84, %dma_wait3A_85] : memref<10000x64xf32, #tpu.memory_space<hbm>> -> memref<10000x64xf32, #tpu.memory_space<hbm>>
        tpu.wait_indirect_dma semaphore(%arg16 : memref<!tpu.dma_semaphore, #tpu.memory_space<semaphore_mem>>) src(%dma_wait3A_86 : memref<10000x64xf32, #tpu.memory_space<hbm>>) dst(%arg9 : memref<125x64xf32, #tpu.memory_space<vmem>>)
        %add3A_87 = arith.constant 0 : i32
        %add3A_88 = arith.addi %add3A_79, %add3A_87 : i32
        %dma_start3A_89 = arith.constant 0 : i32
        %dma_start3A_90 = tpu.memref_slice %arg8[%add3A_88, %dma_start3A_89] : memref<160x125xi32, #tpu.memory_space<vmem>> -> memref<1x125xi32, #tpu.memory_space<vmem>>
        %dma_start3A_91 = tpu.memref_squeeze %dma_start3A_90 : memref<1x125xi32, #tpu.memory_space<vmem>> -> memref<125xi32, #tpu.memory_space<vmem>>
        %dma_start3A_92 = arith.constant 0 : i32
        %dma_start3A_93 = arith.constant 0 : i32
        %dma_start3A_94 = tpu.memref_slice %arg15[%dma_start3A_92, %dma_start3A_93] : memref<10240x64xf32, #tpu.memory_space<vmem_shared>> -> memref<10240x64xf32, #tpu.memory_space<vmem_shared>>
        tpu.enqueue_indirect_dma source(%arg9 : memref<125x64xf32, #tpu.memory_space<vmem>>) target(%dma_start3A_94 : memref<10240x64xf32, #tpu.memory_space<vmem_shared>>) offsets(%dma_start3A_91 : memref<125xi32, #tpu.memory_space<vmem>>) semaphore(%arg21 : memref<!tpu.dma_semaphore, #tpu.memory_space<semaphore_mem>>) {add = true}
        %add3A_95 = arith.constant 1 : i32
        %add3A_96 = arith.addi %add3A_79, %add3A_95 : i32
        %dma_wait3A_97 = arith.constant 0 : i32
        %dma_wait3A_98 = tpu.memref_slice %arg7[%add3A_96, %dma_wait3A_97] : memref<160x125xi32, #tpu.memory_space<vmem>> -> memref<1x125xi32, #tpu.memory_space<vmem>>
        %dma_wait3A_99 = tpu.memref_squeeze %dma_wait3A_98 : memref<1x125xi32, #tpu.memory_space<vmem>> -> memref<125xi32, #tpu.memory_space<vmem>>
        %dma_wait3A_100 = arith.constant 0 : i32
        %dma_wait3A_101 = arith.constant 0 : i32
        %dma_wait3A_102 = tpu.memref_slice %arg3[%dma_wait3A_100, %dma_wait3A_101] : memref<10000x64xf32, #tpu.memory_space<hbm>> -> memref<10000x64xf32, #tpu.memory_space<hbm>>
        tpu.wait_indirect_dma semaphore(%arg17 : memref<!tpu.dma_semaphore, #tpu.memory_space<semaphore_mem>>) src(%dma_wait3A_102 : memref<10000x64xf32, #tpu.memory_space<hbm>>) dst(%arg10 : memref<125x64xf32, #tpu.memory_space<vmem>>)
        %add3A_103 = arith.constant 1 : i32
        %add3A_104 = arith.addi %add3A_79, %add3A_103 : i32
        %dma_start3A_105 = arith.constant 0 : i32
        %dma_start3A_106 = tpu.memref_slice %arg8[%add3A_104, %dma_start3A_105] : memref<160x125xi32, #tpu.memory_space<vmem>> -> memref<1x125xi32, #tpu.memory_space<vmem>>
        %dma_start3A_107 = tpu.memref_squeeze %dma_start3A_106 : memref<1x125xi32, #tpu.memory_space<vmem>> -> memref<125xi32, #tpu.memory_space<vmem>>
        %dma_start3A_108 = arith.constant 0 : i32
        %dma_start3A_109 = arith.constant 0 : i32
        %dma_start3A_110 = tpu.memref_slice %arg15[%dma_start3A_108, %dma_start3A_109] : memref<10240x64xf32, #tpu.memory_space<vmem_shared>> -> memref<10240x64xf32, #tpu.memory_space<vmem_shared>>
        tpu.enqueue_indirect_dma source(%arg10 : memref<125x64xf32, #tpu.memory_space<vmem>>) target(%dma_start3A_110 : memref<10240x64xf32, #tpu.memory_space<vmem_shared>>) offsets(%dma_start3A_107 : memref<125xi32, #tpu.memory_space<vmem>>) semaphore(%arg22 : memref<!tpu.dma_semaphore, #tpu.memory_space<semaphore_mem>>) {add = true}
        %add3A_111 = arith.constant 2 : i32
        %add3A_112 = arith.addi %add3A_79, %add3A_111 : i32
        %dma_wait3A_113 = arith.constant 0 : i32
        %dma_wait3A_114 = tpu.memref_slice %arg7[%add3A_112, %dma_wait3A_113] : memref<160x125xi32, #tpu.memory_space<vmem>> -> memref<1x125xi32, #tpu.memory_space<vmem>>
        %dma_wait3A_115 = tpu.memref_squeeze %dma_wait3A_114 : memref<1x125xi32, #tpu.memory_space<vmem>> -> memref<125xi32, #tpu.memory_space<vmem>>
        %dma_wait3A_116 = arith.constant 0 : i32
        %dma_wait3A_117 = arith.constant 0 : i32
        %dma_wait3A_118 = tpu.memref_slice %arg3[%dma_wait3A_116, %dma_wait3A_117] : memref<10000x64xf32, #tpu.memory_space<hbm>> -> memref<10000x64xf32, #tpu.memory_space<hbm>>
        tpu.wait_indirect_dma semaphore(%arg18 : memref<!tpu.dma_semaphore, #tpu.memory_space<semaphore_mem>>) src(%dma_wait3A_118 : memref<10000x64xf32, #tpu.memory_space<hbm>>) dst(%arg11 : memref<125x64xf32, #tpu.memory_space<vmem>>)
        %add3A_119 = arith.constant 2 : i32
        %add3A_120 = arith.addi %add3A_79, %add3A_119 : i32
        %dma_start3A_121 = arith.constant 0 : i32
        %dma_start3A_122 = tpu.memref_slice %arg8[%add3A_120, %dma_start3A_121] : memref<160x125xi32, #tpu.memory_space<vmem>> -> memref<1x125xi32, #tpu.memory_space<vmem>>
        %dma_start3A_123 = tpu.memref_squeeze %dma_start3A_122 : memref<1x125xi32, #tpu.memory_space<vmem>> -> memref<125xi32, #tpu.memory_space<vmem>>
        %dma_start3A_124 = arith.constant 0 : i32
        %dma_start3A_125 = arith.constant 0 : i32
        %dma_start3A_126 = tpu.memref_slice %arg15[%dma_start3A_124, %dma_start3A_125] : memref<10240x64xf32, #tpu.memory_space<vmem_shared>> -> memref<10240x64xf32, #tpu.memory_space<vmem_shared>>
        tpu.enqueue_indirect_dma source(%arg11 : memref<125x64xf32, #tpu.memory_space<vmem>>) target(%dma_start3A_126 : memref<10240x64xf32, #tpu.memory_space<vmem_shared>>) offsets(%dma_start3A_123 : memref<125xi32, #tpu.memory_space<vmem>>) semaphore(%arg23 : memref<!tpu.dma_semaphore, #tpu.memory_space<semaphore_mem>>) {add = true}
        %add3A_127 = arith.constant 3 : i32
        %add3A_128 = arith.addi %add3A_79, %add3A_127 : i32
        %dma_wait3A_129 = arith.constant 0 : i32
        %dma_wait3A_130 = tpu.memref_slice %arg7[%add3A_128, %dma_wait3A_129] : memref<160x125xi32, #tpu.memory_space<vmem>> -> memref<1x125xi32, #tpu.memory_space<vmem>>
        %dma_wait3A_131 = tpu.memref_squeeze %dma_wait3A_130 : memref<1x125xi32, #tpu.memory_space<vmem>> -> memref<125xi32, #tpu.memory_space<vmem>>
        %dma_wait3A_132 = arith.constant 0 : i32
        %dma_wait3A_133 = arith.constant 0 : i32
        %dma_wait3A_134 = tpu.memref_slice %arg3[%dma_wait3A_132, %dma_wait3A_133] : memref<10000x64xf32, #tpu.memory_space<hbm>> -> memref<10000x64xf32, #tpu.memory_space<hbm>>
        tpu.wait_indirect_dma semaphore(%arg19 : memref<!tpu.dma_semaphore, #tpu.memory_space<semaphore_mem>>) src(%dma_wait3A_134 : memref<10000x64xf32, #tpu.memory_space<hbm>>) dst(%arg12 : memref<125x64xf32, #tpu.memory_space<vmem>>)
        %add3A_135 = arith.constant 3 : i32
        %add3A_136 = arith.addi %add3A_79, %add3A_135 : i32
        %dma_start3A_137 = arith.constant 0 : i32
        %dma_start3A_138 = tpu.memref_slice %arg8[%add3A_136, %dma_start3A_137] : memref<160x125xi32, #tpu.memory_space<vmem>> -> memref<1x125xi32, #tpu.memory_space<vmem>>
        %dma_start3A_139 = tpu.memref_squeeze %dma_start3A_138 : memref<1x125xi32, #tpu.memory_space<vmem>> -> memref<125xi32, #tpu.memory_space<vmem>>
        %dma_start3A_140 = arith.constant 0 : i32
        %dma_start3A_141 = arith.constant 0 : i32
        %dma_start3A_142 = tpu.memref_slice %arg15[%dma_start3A_140, %dma_start3A_141] : memref<10240x64xf32, #tpu.memory_space<vmem_shared>> -> memref<10240x64xf32, #tpu.memory_space<vmem_shared>>
        tpu.enqueue_indirect_dma source(%arg12 : memref<125x64xf32, #tpu.memory_space<vmem>>) target(%dma_start3A_142 : memref<10240x64xf32, #tpu.memory_space<vmem_shared>>) offsets(%dma_start3A_139 : memref<125xi32, #tpu.memory_space<vmem>>) semaphore(%arg24 : memref<!tpu.dma_semaphore, #tpu.memory_space<semaphore_mem>>) {add = true}
        %add3A_143 = arith.constant 4 : i32
        %add3A_144 = arith.addi %add3A_79, %add3A_143 : i32
        %dma_wait3A_145 = arith.constant 0 : i32
        %dma_wait3A_146 = tpu.memref_slice %arg7[%add3A_144, %dma_wait3A_145] : memref<160x125xi32, #tpu.memory_space<vmem>> -> memref<1x125xi32, #tpu.memory_space<vmem>>
        %dma_wait3A_147 = tpu.memref_squeeze %dma_wait3A_146 : memref<1x125xi32, #tpu.memory_space<vmem>> -> memref<125xi32, #tpu.memory_space<vmem>>
        %dma_wait3A_148 = arith.constant 0 : i32
        %dma_wait3A_149 = arith.constant 0 : i32
        %dma_wait3A_150 = tpu.memref_slice %arg3[%dma_wait3A_148, %dma_wait3A_149] : memref<10000x64xf32, #tpu.memory_space<hbm>> -> memref<10000x64xf32, #tpu.memory_space<hbm>>
        tpu.wait_indirect_dma semaphore(%arg20 : memref<!tpu.dma_semaphore, #tpu.memory_space<semaphore_mem>>) src(%dma_wait3A_150 : memref<10000x64xf32, #tpu.memory_space<hbm>>) dst(%arg13 : memref<125x64xf32, #tpu.memory_space<vmem>>)
        %add3A_151 = arith.constant 4 : i32
        %add3A_152 = arith.addi %add3A_79, %add3A_151 : i32
        %dma_start3A_153 = arith.constant 0 : i32
        %dma_start3A_154 = tpu.memref_slice %arg8[%add3A_152, %dma_start3A_153] : memref<160x125xi32, #tpu.memory_space<vmem>> -> memref<1x125xi32, #tpu.memory_space<vmem>>
        %dma_start3A_155 = tpu.memref_squeeze %dma_start3A_154 : memref<1x125xi32, #tpu.memory_space<vmem>> -> memref<125xi32, #tpu.memory_space<vmem>>
        %dma_start3A_156 = arith.constant 0 : i32
        %dma_start3A_157 = arith.constant 0 : i32
        %dma_start3A_158 = tpu.memref_slice %arg15[%dma_start3A_156, %dma_start3A_157] : memref<10240x64xf32, #tpu.memory_space<vmem_shared>> -> memref<10240x64xf32, #tpu.memory_space<vmem_shared>>
        tpu.enqueue_indirect_dma source(%arg13 : memref<125x64xf32, #tpu.memory_space<vmem>>) target(%dma_start3A_158 : memref<10240x64xf32, #tpu.memory_space<vmem_shared>>) offsets(%dma_start3A_155 : memref<125xi32, #tpu.memory_space<vmem>>) semaphore(%arg25 : memref<!tpu.dma_semaphore, #tpu.memory_space<semaphore_mem>>) {add = true}
        %add3A_159 = arith.constant 0 : i32
        %add3A_160 = arith.addi %add3A_79, %add3A_159 : i32
        %dma_wait3A_161 = arith.constant 0 : i32
        %dma_wait3A_162 = tpu.memref_slice %arg8[%add3A_160, %dma_wait3A_161] : memref<160x125xi32, #tpu.memory_space<vmem>> -> memref<1x125xi32, #tpu.memory_space<vmem>>
        %dma_wait3A_163 = tpu.memref_squeeze %dma_wait3A_162 : memref<1x125xi32, #tpu.memory_space<vmem>> -> memref<125xi32, #tpu.memory_space<vmem>>
        %dma_wait3A_164 = arith.constant 0 : i32
        %dma_wait3A_165 = arith.constant 0 : i32
        %dma_wait3A_166 = tpu.memref_slice %arg15[%dma_wait3A_164, %dma_wait3A_165] : memref<10240x64xf32, #tpu.memory_space<vmem_shared>> -> memref<10240x64xf32, #tpu.memory_space<vmem_shared>>
        tpu.wait_indirect_dma semaphore(%arg21 : memref<!tpu.dma_semaphore, #tpu.memory_space<semaphore_mem>>) src(%arg9 : memref<125x64xf32, #tpu.memory_space<vmem>>) dst(%dma_wait3A_166 : memref<10240x64xf32, #tpu.memory_space<vmem_shared>>)
        %add3A_167 = arith.constant 0 : i32
        %add3A_168 = arith.addi %add3A_79, %add3A_167 : i32
        %add3A_169 = arith.constant 5 : i32
        %add3A_170 = arith.addi %add3A_168, %add3A_169 : i32
        %lt3A = arith.constant 160 : i32
        %lt3A_171 = arith.cmpi slt, %add3A_170, %lt3A : i32
        %convert_element_type3A_172 = arith.extui %lt3A_171 : i1 to i32
        %cond3A_173 = arith.constant 0 : i32
        %cond3A_174 = arith.cmpi ne, %convert_element_type3A_172, %cond3A_173 : i32
        scf.if %cond3A_174 {
          %add3A_243 = arith.constant 0 : i32
          %add3A_244 = arith.addi %add3A_79, %add3A_243 : i32
          %add3A_245 = arith.constant 5 : i32
          %add3A_246 = arith.addi %add3A_244, %add3A_245 : i32
          %dma_start3A_247 = arith.constant 0 : i32
          %dma_start3A_248 = tpu.memref_slice %arg7[%add3A_246, %dma_start3A_247] : memref<160x125xi32, #tpu.memory_space<vmem>> -> memref<1x125xi32, #tpu.memory_space<vmem>>
          %dma_start3A_249 = tpu.memref_squeeze %dma_start3A_248 : memref<1x125xi32, #tpu.memory_space<vmem>> -> memref<125xi32, #tpu.memory_space<vmem>>
          %dma_start3A_250 = arith.constant 0 : i32
          %dma_start3A_251 = arith.constant 0 : i32
          %dma_start3A_252 = tpu.memref_slice %arg3[%dma_start3A_250, %dma_start3A_251] : memref<10000x64xf32, #tpu.memory_space<hbm>> -> memref<10000x64xf32, #tpu.memory_space<hbm>>
          tpu.enqueue_indirect_dma source(%dma_start3A_252 : memref<10000x64xf32, #tpu.memory_space<hbm>>) target(%arg9 : memref<125x64xf32, #tpu.memory_space<vmem>>) offsets(%dma_start3A_249 : memref<125xi32, #tpu.memory_space<vmem>>) semaphore(%arg16 : memref<!tpu.dma_semaphore, #tpu.memory_space<semaphore_mem>>)
        } else {
        }
        %add3A_175 = arith.constant 1 : i32
        %add3A_176 = arith.addi %add3A_79, %add3A_175 : i32
        %dma_wait3A_177 = arith.constant 0 : i32
        %dma_wait3A_178 = tpu.memref_slice %arg8[%add3A_176, %dma_wait3A_177] : memref<160x125xi32, #tpu.memory_space<vmem>> -> memref<1x125xi32, #tpu.memory_space<vmem>>
        %dma_wait3A_179 = tpu.memref_squeeze %dma_wait3A_178 : memref<1x125xi32, #tpu.memory_space<vmem>> -> memref<125xi32, #tpu.memory_space<vmem>>
        %dma_wait3A_180 = arith.constant 0 : i32
        %dma_wait3A_181 = arith.constant 0 : i32
        %dma_wait3A_182 = tpu.memref_slice %arg15[%dma_wait3A_180, %dma_wait3A_181] : memref<10240x64xf32, #tpu.memory_space<vmem_shared>> -> memref<10240x64xf32, #tpu.memory_space<vmem_shared>>
        tpu.wait_indirect_dma semaphore(%arg22 : memref<!tpu.dma_semaphore, #tpu.memory_space<semaphore_mem>>) src(%arg10 : memref<125x64xf32, #tpu.memory_space<vmem>>) dst(%dma_wait3A_182 : memref<10240x64xf32, #tpu.memory_space<vmem_shared>>)
        %add3A_183 = arith.constant 1 : i32
        %add3A_184 = arith.addi %add3A_79, %add3A_183 : i32
        %add3A_185 = arith.constant 5 : i32
        %add3A_186 = arith.addi %add3A_184, %add3A_185 : i32
        %lt3A_187 = arith.constant 160 : i32
        %lt3A_188 = arith.cmpi slt, %add3A_186, %lt3A_187 : i32
        %convert_element_type3A_189 = arith.extui %lt3A_188 : i1 to i32
        %cond3A_190 = arith.constant 0 : i32
        %cond3A_191 = arith.cmpi ne, %convert_element_type3A_189, %cond3A_190 : i32
        scf.if %cond3A_191 {
          %add3A_243 = arith.constant 1 : i32
          %add3A_244 = arith.addi %add3A_79, %add3A_243 : i32
          %add3A_245 = arith.constant 5 : i32
          %add3A_246 = arith.addi %add3A_244, %add3A_245 : i32
          %dma_start3A_247 = arith.constant 0 : i32
          %dma_start3A_248 = tpu.memref_slice %arg7[%add3A_246, %dma_start3A_247] : memref<160x125xi32, #tpu.memory_space<vmem>> -> memref<1x125xi32, #tpu.memory_space<vmem>>
          %dma_start3A_249 = tpu.memref_squeeze %dma_start3A_248 : memref<1x125xi32, #tpu.memory_space<vmem>> -> memref<125xi32, #tpu.memory_space<vmem>>
          %dma_start3A_250 = arith.constant 0 : i32
          %dma_start3A_251 = arith.constant 0 : i32
          %dma_start3A_252 = tpu.memref_slice %arg3[%dma_start3A_250, %dma_start3A_251] : memref<10000x64xf32, #tpu.memory_space<hbm>> -> memref<10000x64xf32, #tpu.memory_space<hbm>>
          tpu.enqueue_indirect_dma source(%dma_start3A_252 : memref<10000x64xf32, #tpu.memory_space<hbm>>) target(%arg10 : memref<125x64xf32, #tpu.memory_space<vmem>>) offsets(%dma_start3A_249 : memref<125xi32, #tpu.memory_space<vmem>>) semaphore(%arg17 : memref<!tpu.dma_semaphore, #tpu.memory_space<semaphore_mem>>)
        } else {
        }
        %add3A_192 = arith.constant 2 : i32
        %add3A_193 = arith.addi %add3A_79, %add3A_192 : i32
        %dma_wait3A_194 = arith.constant 0 : i32
        %dma_wait3A_195 = tpu.memref_slice %arg8[%add3A_193, %dma_wait3A_194] : memref<160x125xi32, #tpu.memory_space<vmem>> -> memref<1x125xi32, #tpu.memory_space<vmem>>
        %dma_wait3A_196 = tpu.memref_squeeze %dma_wait3A_195 : memref<1x125xi32, #tpu.memory_space<vmem>> -> memref<125xi32, #tpu.memory_space<vmem>>
        %dma_wait3A_197 = arith.constant 0 : i32
        %dma_wait3A_198 = arith.constant 0 : i32
        %dma_wait3A_199 = tpu.memref_slice %arg15[%dma_wait3A_197, %dma_wait3A_198] : memref<10240x64xf32, #tpu.memory_space<vmem_shared>> -> memref<10240x64xf32, #tpu.memory_space<vmem_shared>>
        tpu.wait_indirect_dma semaphore(%arg23 : memref<!tpu.dma_semaphore, #tpu.memory_space<semaphore_mem>>) src(%arg11 : memref<125x64xf32, #tpu.memory_space<vmem>>) dst(%dma_wait3A_199 : memref<10240x64xf32, #tpu.memory_space<vmem_shared>>)
        %add3A_200 = arith.constant 2 : i32
        %add3A_201 = arith.addi %add3A_79, %add3A_200 : i32
        %add3A_202 = arith.constant 5 : i32
        %add3A_203 = arith.addi %add3A_201, %add3A_202 : i32
        %lt3A_204 = arith.constant 160 : i32
        %lt3A_205 = arith.cmpi slt, %add3A_203, %lt3A_204 : i32
        %convert_element_type3A_206 = arith.extui %lt3A_205 : i1 to i32
        %cond3A_207 = arith.constant 0 : i32
        %cond3A_208 = arith.cmpi ne, %convert_element_type3A_206, %cond3A_207 : i32
        scf.if %cond3A_208 {
          %add3A_243 = arith.constant 2 : i32
          %add3A_244 = arith.addi %add3A_79, %add3A_243 : i32
          %add3A_245 = arith.constant 5 : i32
          %add3A_246 = arith.addi %add3A_244, %add3A_245 : i32
          %dma_start3A_247 = arith.constant 0 : i32
          %dma_start3A_248 = tpu.memref_slice %arg7[%add3A_246, %dma_start3A_247] : memref<160x125xi32, #tpu.memory_space<vmem>> -> memref<1x125xi32, #tpu.memory_space<vmem>>
          %dma_start3A_249 = tpu.memref_squeeze %dma_start3A_248 : memref<1x125xi32, #tpu.memory_space<vmem>> -> memref<125xi32, #tpu.memory_space<vmem>>
          %dma_start3A_250 = arith.constant 0 : i32
          %dma_start3A_251 = arith.constant 0 : i32
          %dma_start3A_252 = tpu.memref_slice %arg3[%dma_start3A_250, %dma_start3A_251] : memref<10000x64xf32, #tpu.memory_space<hbm>> -> memref<10000x64xf32, #tpu.memory_space<hbm>>
          tpu.enqueue_indirect_dma source(%dma_start3A_252 : memref<10000x64xf32, #tpu.memory_space<hbm>>) target(%arg11 : memref<125x64xf32, #tpu.memory_space<vmem>>) offsets(%dma_start3A_249 : memref<125xi32, #tpu.memory_space<vmem>>) semaphore(%arg18 : memref<!tpu.dma_semaphore, #tpu.memory_space<semaphore_mem>>)
        } else {
        }
        %add3A_209 = arith.constant 3 : i32
        %add3A_210 = arith.addi %add3A_79, %add3A_209 : i32
        %dma_wait3A_211 = arith.constant 0 : i32
        %dma_wait3A_212 = tpu.memref_slice %arg8[%add3A_210, %dma_wait3A_211] : memref<160x125xi32, #tpu.memory_space<vmem>> -> memref<1x125xi32, #tpu.memory_space<vmem>>
        %dma_wait3A_213 = tpu.memref_squeeze %dma_wait3A_212 : memref<1x125xi32, #tpu.memory_space<vmem>> -> memref<125xi32, #tpu.memory_space<vmem>>
        %dma_wait3A_214 = arith.constant 0 : i32
        %dma_wait3A_215 = arith.constant 0 : i32
        %dma_wait3A_216 = tpu.memref_slice %arg15[%dma_wait3A_214, %dma_wait3A_215] : memref<10240x64xf32, #tpu.memory_space<vmem_shared>> -> memref<10240x64xf32, #tpu.memory_space<vmem_shared>>
        tpu.wait_indirect_dma semaphore(%arg24 : memref<!tpu.dma_semaphore, #tpu.memory_space<semaphore_mem>>) src(%arg12 : memref<125x64xf32, #tpu.memory_space<vmem>>) dst(%dma_wait3A_216 : memref<10240x64xf32, #tpu.memory_space<vmem_shared>>)
        %add3A_217 = arith.constant 3 : i32
        %add3A_218 = arith.addi %add3A_79, %add3A_217 : i32
        %add3A_219 = arith.constant 5 : i32
        %add3A_220 = arith.addi %add3A_218, %add3A_219 : i32
        %lt3A_221 = arith.constant 160 : i32
        %lt3A_222 = arith.cmpi slt, %add3A_220, %lt3A_221 : i32
        %convert_element_type3A_223 = arith.extui %lt3A_222 : i1 to i32
        %cond3A_224 = arith.constant 0 : i32
        %cond3A_225 = arith.cmpi ne, %convert_element_type3A_223, %cond3A_224 : i32
        scf.if %cond3A_225 {
          %add3A_243 = arith.constant 3 : i32
          %add3A_244 = arith.addi %add3A_79, %add3A_243 : i32
          %add3A_245 = arith.constant 5 : i32
          %add3A_246 = arith.addi %add3A_244, %add3A_245 : i32
          %dma_start3A_247 = arith.constant 0 : i32
          %dma_start3A_248 = tpu.memref_slice %arg7[%add3A_246, %dma_start3A_247] : memref<160x125xi32, #tpu.memory_space<vmem>> -> memref<1x125xi32, #tpu.memory_space<vmem>>
          %dma_start3A_249 = tpu.memref_squeeze %dma_start3A_248 : memref<1x125xi32, #tpu.memory_space<vmem>> -> memref<125xi32, #tpu.memory_space<vmem>>
          %dma_start3A_250 = arith.constant 0 : i32
          %dma_start3A_251 = arith.constant 0 : i32
          %dma_start3A_252 = tpu.memref_slice %arg3[%dma_start3A_250, %dma_start3A_251] : memref<10000x64xf32, #tpu.memory_space<hbm>> -> memref<10000x64xf32, #tpu.memory_space<hbm>>
          tpu.enqueue_indirect_dma source(%dma_start3A_252 : memref<10000x64xf32, #tpu.memory_space<hbm>>) target(%arg12 : memref<125x64xf32, #tpu.memory_space<vmem>>) offsets(%dma_start3A_249 : memref<125xi32, #tpu.memory_space<vmem>>) semaphore(%arg19 : memref<!tpu.dma_semaphore, #tpu.memory_space<semaphore_mem>>)
        } else {
        }
        %add3A_226 = arith.constant 4 : i32
        %add3A_227 = arith.addi %add3A_79, %add3A_226 : i32
        %dma_wait3A_228 = arith.constant 0 : i32
        %dma_wait3A_229 = tpu.memref_slice %arg8[%add3A_227, %dma_wait3A_228] : memref<160x125xi32, #tpu.memory_space<vmem>> -> memref<1x125xi32, #tpu.memory_space<vmem>>
        %dma_wait3A_230 = tpu.memref_squeeze %dma_wait3A_229 : memref<1x125xi32, #tpu.memory_space<vmem>> -> memref<125xi32, #tpu.memory_space<vmem>>
        %dma_wait3A_231 = arith.constant 0 : i32
        %dma_wait3A_232 = arith.constant 0 : i32
        %dma_wait3A_233 = tpu.memref_slice %arg15[%dma_wait3A_231, %dma_wait3A_232] : memref<10240x64xf32, #tpu.memory_space<vmem_shared>> -> memref<10240x64xf32, #tpu.memory_space<vmem_shared>>
        tpu.wait_indirect_dma semaphore(%arg25 : memref<!tpu.dma_semaphore, #tpu.memory_space<semaphore_mem>>) src(%arg13 : memref<125x64xf32, #tpu.memory_space<vmem>>) dst(%dma_wait3A_233 : memref<10240x64xf32, #tpu.memory_space<vmem_shared>>)
        %add3A_234 = arith.constant 4 : i32
        %add3A_235 = arith.addi %add3A_79, %add3A_234 : i32
        %add3A_236 = arith.constant 5 : i32
        %add3A_237 = arith.addi %add3A_235, %add3A_236 : i32
        %lt3A_238 = arith.constant 160 : i32
        %lt3A_239 = arith.cmpi slt, %add3A_237, %lt3A_238 : i32
        %convert_element_type3A_240 = arith.extui %lt3A_239 : i1 to i32
        %cond3A_241 = arith.constant 0 : i32
        %cond3A_242 = arith.cmpi ne, %convert_element_type3A_240, %cond3A_241 : i32
        scf.if %cond3A_242 {
          %add3A_243 = arith.constant 4 : i32
          %add3A_244 = arith.addi %add3A_79, %add3A_243 : i32
          %add3A_245 = arith.constant 5 : i32
          %add3A_246 = arith.addi %add3A_244, %add3A_245 : i32
          %dma_start3A_247 = arith.constant 0 : i32
          %dma_start3A_248 = tpu.memref_slice %arg7[%add3A_246, %dma_start3A_247] : memref<160x125xi32, #tpu.memory_space<vmem>> -> memref<1x125xi32, #tpu.memory_space<vmem>>
          %dma_start3A_249 = tpu.memref_squeeze %dma_start3A_248 : memref<1x125xi32, #tpu.memory_space<vmem>> -> memref<125xi32, #tpu.memory_space<vmem>>
          %dma_start3A_250 = arith.constant 0 : i32
          %dma_start3A_251 = arith.constant 0 : i32
          %dma_start3A_252 = tpu.memref_slice %arg3[%dma_start3A_250, %dma_start3A_251] : memref<10000x64xf32, #tpu.memory_space<hbm>> -> memref<10000x64xf32, #tpu.memory_space<hbm>>
          tpu.enqueue_indirect_dma source(%dma_start3A_252 : memref<10000x64xf32, #tpu.memory_space<hbm>>) target(%arg13 : memref<125x64xf32, #tpu.memory_space<vmem>>) offsets(%dma_start3A_249 : memref<125xi32, #tpu.memory_space<vmem>>) semaphore(%arg20 : memref<!tpu.dma_semaphore, #tpu.memory_space<semaphore_mem>>)
        } else {
        }
      }
      %scan3A_74 = arith.constant 32 : i32
    } else {
    }
    %barrier3A_29 = arith.constant 0 : index
    tpu.barrier barrier_id(%barrier3A_29)
    %mul3A_30 = arith.constant 640 : i32
    %mul3A_31 = arith.muli %arg1, %mul3A_30 : i32
    %mul3A_32 = arith.constant 640 : i32
    %mul3A_33 = arith.muli %arg1, %mul3A_32 : i32
    %mul3A_34 = arith.constant 64 : i32
    %mul3A_35 = arith.muli %arg0, %mul3A_34 : i32
    "tpu.region"() ({
      %run_scoped3A = tpu.sem_alloc : memref<!tpu.dma_semaphore, #tpu.memory_space<semaphore_mem>>
      %dma_start3A = tpu.memref_slice %arg6[%arg0, %mul3A_33, %mul3A_35] : memref<2x10240x128xf32, #tpu.memory_space<hbm>> -> memref<1x640x64xf32, #tpu.memory_space<hbm>>
      %dma_start3A_36 = tpu.memref_squeeze %dma_start3A : memref<1x640x64xf32, #tpu.memory_space<hbm>> -> memref<640x64xf32, #tpu.memory_space<hbm>>
      %dma_start3A_37 = arith.constant 0 : i32
      %dma_start3A_38 = tpu.memref_slice %arg15[%mul3A_31, %dma_start3A_37] : memref<10240x64xf32, #tpu.memory_space<vmem_shared>> -> memref<640x64xf32, #tpu.memory_space<vmem_shared>>
      tpu.enqueue_dma source(%dma_start3A_38 : memref<640x64xf32, #tpu.memory_space<vmem_shared>>) target(%dma_start3A_36 : memref<640x64xf32, #tpu.memory_space<hbm>>) target_semaphore(%run_scoped3A : memref<!tpu.dma_semaphore, #tpu.memory_space<semaphore_mem>>)
      %dma_wait3A = tpu.memref_slice %arg6[%arg0, %mul3A_33, %mul3A_35] : memref<2x10240x128xf32, #tpu.memory_space<hbm>> -> memref<1x640x64xf32, #tpu.memory_space<hbm>>
      %dma_wait3A_39 = tpu.memref_squeeze %dma_wait3A : memref<1x640x64xf32, #tpu.memory_space<hbm>> -> memref<640x64xf32, #tpu.memory_space<hbm>>
      %dma_wait3A_40 = arith.constant 0 : i32
      %dma_wait3A_41 = tpu.memref_slice %arg15[%mul3A_31, %dma_wait3A_40] : memref<10240x64xf32, #tpu.memory_space<vmem_shared>> -> memref<640x64xf32, #tpu.memory_space<vmem_shared>>
      tpu.wait_dma2 semaphore(%run_scoped3A : memref<!tpu.dma_semaphore, #tpu.memory_space<semaphore_mem>>) src(%dma_wait3A_41 : memref<640x64xf32, #tpu.memory_space<vmem_shared>>) dst(%dma_wait3A_39 : memref<640x64xf32, #tpu.memory_space<hbm>>)
      tpu.yield
    }) : () -> ()
    return
  }
}

module attributes {stable_mosaic.version = 14 : i64} {
  func.func @_tc1_body(%arg0: i32, %arg1: memref<1000x128xf32, #tpu.memory_space<vmem>>, %arg2: memref<1x1000x16xf32, #tpu.memory_space<vmem>>, %arg3: memref<1x1000x16xf32, #tpu.memory_space<vmem>>, %arg4: memref<128x128xf32, #tpu.memory_space<vmem>>, %arg5: memref<128x128xf32, #tpu.memory_space<vmem>>, %arg6: memref<1000x64xf32, #tpu.memory_space<vmem>>, %arg7: memref<1000x64xf32, #tpu.memory_space<vmem>>, %arg8: memref<1000x128xf32, #tpu.memory_space<vmem>>) attributes {dimension_semantics = [#tpu.dimension_semantics<arbitrary>], iteration_bounds = array<i64: 10>, scalar_prefetch = 0 : i64, scratch_operands = 0 : i64, tpu.core_type = #tpu.core_type<tc>, window_params = [{transform_indices = @transform_0, window_bounds = array<i64: 1000, 128>}, {transform_indices = @transform_1, window_bounds = array<i64: 1, 1000, 16>}, {transform_indices = @transform_2, window_bounds = array<i64: 1, 1000, 16>}, {pipeline_mode = #tpu.pipeline_mode<synchronous>, transform_indices = @transform_3, window_bounds = array<i64: 128, 128>}, {pipeline_mode = #tpu.pipeline_mode<synchronous>, transform_indices = @transform_4, window_bounds = array<i64: 128, 128>}, {transform_indices = @transform_5, window_bounds = array<i64: 1000, 64>}, {transform_indices = @transform_6, window_bounds = array<i64: 1000, 64>}, {transform_indices = @transform_7, window_bounds = array<i64: 1000, 128>}]} {
    %get3A = arith.constant 0 : index
    %get3A_0 = arith.constant 0 : index
    %get3A_1 = arith.constant 0 : index
    %get3A_2 = vector.load %arg2[%get3A, %get3A_0, %get3A_1] : memref<1x1000x16xf32, #tpu.memory_space<vmem>>, vector<1x1000x16xf32>
    %get3A_3 = vector.shape_cast %get3A_2 : vector<1x1000x16xf32> to vector<1000x16xf32>
    %slice3A = vector.extract_strided_slice %get3A_3 {offsets = [0, 0], sizes = [1000, 1], strides = [1, 1]} : vector<1000x16xf32> to vector<1000x1xf32>
    %get3A_4 = arith.constant 0 : index
    %get3A_5 = arith.constant 0 : index
    %get3A_6 = arith.constant 0 : index
    %get3A_7 = vector.load %arg3[%get3A_4, %get3A_5, %get3A_6] : memref<1x1000x16xf32, #tpu.memory_space<vmem>>, vector<1x1000x16xf32>
    %get3A_8 = vector.shape_cast %get3A_7 : vector<1x1000x16xf32> to vector<1000x16xf32>
    %slice3A_9 = vector.extract_strided_slice %get3A_8 {offsets = [0, 0], sizes = [1000, 1], strides = [1, 1]} : vector<1000x16xf32> to vector<1000x1xf32>
    %add3A = arith.addf %slice3A, %slice3A_9 : vector<1000x1xf32>
    %add3A_10 = arith.constant 1.000000e+00 : f32
    %add3A_11 = vector.broadcast %add3A_10 : f32 to vector<1000x1xf32>
    %add3A_12 = arith.addf %add3A, %add3A_11 : vector<1000x1xf32>
    %rsqrt3A = math.rsqrt %add3A_12 : vector<1000x1xf32>
    %get3A_13 = arith.constant 0 : index
    %get3A_14 = arith.constant 0 : index
    %get3A_15 = vector.load %arg1[%get3A_13, %get3A_14] : memref<1000x128xf32, #tpu.memory_space<vmem>>, vector<1000x128xf32>
    %get3A_16 = arith.constant 0 : index
    %get3A_17 = arith.constant 0 : index
    %get3A_18 = vector.load %arg4[%get3A_16, %get3A_17] : memref<128x128xf32, #tpu.memory_space<vmem>>, vector<128x128xf32>
    %dot_general3A = arith.constant dense<0.000000e+00> : vector<1000x128xf32>
    %dot_general3A_19 = tpu.matmul %get3A_15, %get3A_18, %dot_general3A {dimension_numbers = #tpu.dot_dimension_numbers<[1], [1], [0], [0], [0, 0, 1, 0], [], []>, transpose_lhs_hint = false} : vector<1000x128xf32>, vector<128x128xf32>, vector<1000x128xf32> -> vector<1000x128xf32>
    %mul3A = vector.broadcast %rsqrt3A : vector<1000x1xf32> to vector<1000x128xf32>
    %mul3A_20 = arith.mulf %dot_general3A_19, %mul3A : vector<1000x128xf32>
    %slice3A_21 = vector.extract_strided_slice %mul3A_20 {offsets = [0, 0], sizes = [1000, 64], strides = [1, 1]} : vector<1000x128xf32> to vector<1000x64xf32>
    %swap3A = arith.constant 0 : index
    %swap3A_22 = arith.constant 0 : index
    %swap3A_23 = vector.load %arg6[%swap3A, %swap3A_22] : memref<1000x64xf32, #tpu.memory_space<vmem>>, vector<1000x64xf32>
    tpu.vector_store %arg6[%swap3A, %swap3A_22], %slice3A_21 {strides = array<i32>} : memref<1000x64xf32, #tpu.memory_space<vmem>>, vector<1000x64xf32>,
    %slice3A_24 = vector.extract_strided_slice %mul3A_20 {offsets = [0, 64], sizes = [1000, 64], strides = [1, 1]} : vector<1000x128xf32> to vector<1000x64xf32>
    %swap3A_25 = arith.constant 0 : index
    %swap3A_26 = arith.constant 0 : index
    %swap3A_27 = vector.load %arg7[%swap3A_25, %swap3A_26] : memref<1000x64xf32, #tpu.memory_space<vmem>>, vector<1000x64xf32>
    tpu.vector_store %arg7[%swap3A_25, %swap3A_26], %slice3A_24 {strides = array<i32>} : memref<1000x64xf32, #tpu.memory_space<vmem>>, vector<1000x64xf32>,
    %get3A_28 = arith.constant 0 : index
    %get3A_29 = arith.constant 0 : index
    %get3A_30 = vector.load %arg5[%get3A_28, %get3A_29] : memref<128x128xf32, #tpu.memory_space<vmem>>, vector<128x128xf32>
    %dot_general3A_31 = arith.constant dense<0.000000e+00> : vector<1000x128xf32>
    %dot_general3A_32 = tpu.matmul %get3A_15, %get3A_30, %dot_general3A_31 {dimension_numbers = #tpu.dot_dimension_numbers<[1], [1], [0], [0], [0, 0, 1, 0], [], []>, transpose_lhs_hint = false} : vector<1000x128xf32>, vector<128x128xf32>, vector<1000x128xf32> -> vector<1000x128xf32>
    %swap3A_33 = arith.constant 0 : index
    %swap3A_34 = arith.constant 0 : index
    %swap3A_35 = vector.load %arg8[%swap3A_33, %swap3A_34] : memref<1000x128xf32, #tpu.memory_space<vmem>>, vector<1000x128xf32>
    tpu.vector_store %arg8[%swap3A_33, %swap3A_34], %dot_general3A_32 {strides = array<i32>} : memref<1000x128xf32, #tpu.memory_space<vmem>>, vector<1000x128xf32>,
    return
  }
  func.func @transform_0(%arg0: i32) -> (i32, i32) {
    %c0_i32 = arith.constant 0 : i32
    %c0_i32_0 = arith.constant 0 : i32
    return %arg0, %c0_i32 : i32, i32
  }
  func.func @transform_1(%arg0: i32) -> (i32, i32, i32) {
    %c0_i32 = arith.constant 0 : i32
    %c0_i32_0 = arith.constant 0 : i32
    %c0_i32_1 = arith.constant 0 : i32
    return %c0_i32, %arg0, %c0_i32_0 : i32, i32, i32
  }
  func.func @transform_2(%arg0: i32) -> (i32, i32, i32) {
    %c1_i32 = arith.constant 1 : i32
    %c0_i32 = arith.constant 0 : i32
    %c0_i32_0 = arith.constant 0 : i32
    return %c1_i32, %arg0, %c0_i32 : i32, i32, i32
  }
  func.func @transform_3(%arg0: i32) -> (i32, i32) {
    %c0_i32 = arith.constant 0 : i32
    %c0_i32_0 = arith.constant 0 : i32
    %c0_i32_1 = arith.constant 0 : i32
    return %c0_i32, %c0_i32_0 : i32, i32
  }
  func.func @transform_4(%arg0: i32) -> (i32, i32) {
    %c0_i32 = arith.constant 0 : i32
    %c0_i32_0 = arith.constant 0 : i32
    %c0_i32_1 = arith.constant 0 : i32
    return %c0_i32, %c0_i32_0 : i32, i32
  }
  func.func @transform_5(%arg0: i32) -> (i32, i32) {
    %c0_i32 = arith.constant 0 : i32
    %c0_i32_0 = arith.constant 0 : i32
    return %arg0, %c0_i32 : i32, i32
  }
  func.func @transform_6(%arg0: i32) -> (i32, i32) {
    %c0_i32 = arith.constant 0 : i32
    %c0_i32_0 = arith.constant 0 : i32
    return %arg0, %c0_i32 : i32, i32
  }
  func.func @transform_7(%arg0: i32) -> (i32, i32) {
    %c0_i32 = arith.constant 0 : i32
    %c0_i32_0 = arith.constant 0 : i32
    return %arg0, %c0_i32 : i32, i32
  }
}

module attributes {stable_mosaic.version = 14 : i64} {
  func.func @_tc2_body(%arg0: i32, %arg1: memref<1x1000x128xf32, #tpu.memory_space<vmem>>, %arg2: memref<1x1000x128xf32, #tpu.memory_space<vmem>>, %arg3: memref<1000x64xf32, #tpu.memory_space<vmem>>, %arg4: memref<1000x64xf32, #tpu.memory_space<vmem>>, %arg5: memref<1x1000x16xf32, #tpu.memory_space<vmem>>, %arg6: memref<1x1000x16xf32, #tpu.memory_space<vmem>>, %arg7: memref<1x128xf32, #tpu.memory_space<vmem>>, %arg8: memref<1000x128xf32, #tpu.memory_space<vmem>>, %arg9: memref<2x128xf32, #tpu.memory_space<vmem>>) attributes {dimension_semantics = [#tpu.dimension_semantics<arbitrary>], iteration_bounds = array<i64: 10>, scalar_prefetch = 0 : i64, scratch_operands = 0 : i64, tpu.core_type = #tpu.core_type<tc>, window_params = [{transform_indices = @transform_0, window_bounds = array<i64: 1, 1000, 128>}, {transform_indices = @transform_1, window_bounds = array<i64: 1, 1000, 128>}, {transform_indices = @transform_2, window_bounds = array<i64: 1000, 64>}, {transform_indices = @transform_3, window_bounds = array<i64: 1000, 64>}, {transform_indices = @transform_4, window_bounds = array<i64: 1, 1000, 16>}, {transform_indices = @transform_5, window_bounds = array<i64: 1, 1000, 16>}, {pipeline_mode = #tpu.pipeline_mode<synchronous>, transform_indices = @transform_6, window_bounds = array<i64: 1, 128>}, {transform_indices = @transform_7, window_bounds = array<i64: 1000, 128>}, {pipeline_mode = #tpu.pipeline_mode<synchronous>, transform_indices = @transform_8, window_bounds = array<i64: 2, 128>}]} {
    %get3A = arith.constant 0 : index
    %get3A_0 = arith.constant 0 : index
    %get3A_1 = arith.constant 0 : index
    %get3A_2 = vector.load %arg5[%get3A, %get3A_0, %get3A_1] : memref<1x1000x16xf32, #tpu.memory_space<vmem>>, vector<1x1000x16xf32>
    %get3A_3 = vector.shape_cast %get3A_2 : vector<1x1000x16xf32> to vector<1000x16xf32>
    %slice3A = vector.extract_strided_slice %get3A_3 {offsets = [0, 0], sizes = [1000, 1], strides = [1, 1]} : vector<1000x16xf32> to vector<1000x1xf32>
    %get3A_4 = arith.constant 0 : index
    %get3A_5 = arith.constant 0 : index
    %get3A_6 = arith.constant 0 : index
    %get3A_7 = vector.load %arg6[%get3A_4, %get3A_5, %get3A_6] : memref<1x1000x16xf32, #tpu.memory_space<vmem>>, vector<1x1000x16xf32>
    %get3A_8 = vector.shape_cast %get3A_7 : vector<1x1000x16xf32> to vector<1000x16xf32>
    %slice3A_9 = vector.extract_strided_slice %get3A_8 {offsets = [0, 0], sizes = [1000, 1], strides = [1, 1]} : vector<1000x16xf32> to vector<1000x1xf32>
    %add3A = arith.addf %slice3A, %slice3A_9 : vector<1000x1xf32>
    %add3A_10 = arith.constant 1.000000e+00 : f32
    %add3A_11 = vector.broadcast %add3A_10 : f32 to vector<1000x1xf32>
    %add3A_12 = arith.addf %add3A, %add3A_11 : vector<1000x1xf32>
    %rsqrt3A = math.rsqrt %add3A_12 : vector<1000x1xf32>
    %get3A_13 = arith.constant 0 : index
    %get3A_14 = arith.constant 0 : index
    %get3A_15 = arith.constant 0 : index
    %get3A_16 = vector.load %arg1[%get3A_13, %get3A_14, %get3A_15] : memref<1x1000x128xf32, #tpu.memory_space<vmem>>, vector<1x1000x128xf32>
    %get3A_17 = vector.shape_cast %get3A_16 : vector<1x1000x128xf32> to vector<1000x128xf32>
    %slice3A_18 = vector.extract_strided_slice %get3A_17 {offsets = [0, 0], sizes = [1000, 64], strides = [1, 1]} : vector<1000x128xf32> to vector<1000x64xf32>
    %get3A_19 = arith.constant 0 : index
    %get3A_20 = arith.constant 0 : index
    %get3A_21 = vector.load %arg3[%get3A_19, %get3A_20] : memref<1000x64xf32, #tpu.memory_space<vmem>>, vector<1000x64xf32>
    %add3A_22 = arith.addf %slice3A_18, %get3A_21 : vector<1000x64xf32>
    %get3A_23 = arith.constant 0 : index
    %get3A_24 = arith.constant 0 : index
    %get3A_25 = arith.constant 0 : index
    %get3A_26 = vector.load %arg2[%get3A_23, %get3A_24, %get3A_25] : memref<1x1000x128xf32, #tpu.memory_space<vmem>>, vector<1x1000x128xf32>
    %get3A_27 = vector.shape_cast %get3A_26 : vector<1x1000x128xf32> to vector<1000x128xf32>
    %slice3A_28 = vector.extract_strided_slice %get3A_27 {offsets = [0, 64], sizes = [1000, 64], strides = [1, 1]} : vector<1000x128xf32> to vector<1000x64xf32>
    %get3A_29 = arith.constant 0 : index
    %get3A_30 = arith.constant 0 : index
    %get3A_31 = vector.load %arg4[%get3A_29, %get3A_30] : memref<1000x64xf32, #tpu.memory_space<vmem>>, vector<1000x64xf32>
    %add3A_32 = arith.addf %slice3A_28, %get3A_31 : vector<1000x64xf32>
    %concatenate3A = tpu.concatenate %add3A_22, %add3A_32 in 1 : vector<1000x64xf32>, vector<1000x64xf32> -> vector<1000x128xf32>
    %mul3A = vector.broadcast %rsqrt3A : vector<1000x1xf32> to vector<1000x128xf32>
    %mul3A_33 = arith.mulf %concatenate3A, %mul3A : vector<1000x128xf32>
    %get3A_34 = arith.constant 0 : index
    %get3A_35 = arith.constant 0 : index
    %get3A_36 = vector.load %arg7[%get3A_34, %get3A_35] : memref<1x128xf32, #tpu.memory_space<vmem>>, vector<1x128xf32>
    %add3A_37 = vector.broadcast %get3A_36 : vector<1x128xf32> to vector<1000x128xf32>
    %add3A_38 = arith.addf %mul3A_33, %add3A_37 : vector<1000x128xf32>
    %swap3A = arith.constant 0 : index
    %swap3A_39 = arith.constant 0 : index
    %swap3A_40 = vector.load %arg8[%swap3A, %swap3A_39] : memref<1000x128xf32, #tpu.memory_space<vmem>>, vector<1000x128xf32>
    tpu.vector_store %arg8[%swap3A, %swap3A_39], %add3A_38 {strides = array<i32>} : memref<1000x128xf32, #tpu.memory_space<vmem>>, vector<1000x128xf32>,
    %reduce_sum3A = arith.constant dense<0.000000e+00> : vector<128xf32>
    %reduce_sum3A_41 = vector.multi_reduction <add>, %add3A_38, %reduce_sum3A [0] : vector<1000x128xf32> to vector<128xf32>
    %broadcast_in_dim3A = vector.shape_cast %reduce_sum3A_41 : vector<128xf32> to vector<1x128xf32>
    %mul3A_42 = arith.mulf %add3A_38, %add3A_38 : vector<1000x128xf32>
    %reduce_sum3A_43 = arith.constant dense<0.000000e+00> : vector<128xf32>
    %reduce_sum3A_44 = vector.multi_reduction <add>, %mul3A_42, %reduce_sum3A_43 [0] : vector<1000x128xf32> to vector<128xf32>
    %broadcast_in_dim3A_45 = vector.shape_cast %reduce_sum3A_44 : vector<128xf32> to vector<1x128xf32>
    %concatenate3A_46 = tpu.concatenate %broadcast_in_dim3A, %broadcast_in_dim3A_45 in 0 : vector<1x128xf32>, vector<1x128xf32> -> vector<2x128xf32>
    %eq3A = arith.constant 0 : i32
    %eq3A_47 = arith.cmpi eq, %arg0, %eq3A : i32
    %convert_element_type3A = arith.extui %eq3A_47 : i1 to i32
    %cond3A = arith.constant 0 : i32
    %cond3A_48 = arith.cmpi ne, %convert_element_type3A, %cond3A : i32
    scf.if %cond3A_48 {
      %swap3A_53 = arith.constant 0 : index
      %swap3A_54 = arith.constant 0 : index
      %swap3A_55 = vector.load %arg9[%swap3A_53, %swap3A_54] : memref<2x128xf32, #tpu.memory_space<vmem>>, vector<2x128xf32>
      tpu.vector_store %arg9[%swap3A_53, %swap3A_54], %concatenate3A_46 {strides = array<i32>} : memref<2x128xf32, #tpu.memory_space<vmem>>, vector<2x128xf32>,
    } else {
    }
    %ne3A = arith.constant 0 : i32
    %ne3A_49 = arith.cmpi ne, %arg0, %ne3A : i32
    %convert_element_type3A_50 = arith.extui %ne3A_49 : i1 to i32
    %cond3A_51 = arith.constant 0 : i32
    %cond3A_52 = arith.cmpi ne, %convert_element_type3A_50, %cond3A_51 : i32
    scf.if %cond3A_52 {
      %get3A_53 = arith.constant 0 : index
      %get3A_54 = arith.constant 0 : index
      %get3A_55 = vector.load %arg9[%get3A_53, %get3A_54] : memref<2x128xf32, #tpu.memory_space<vmem>>, vector<2x128xf32>
      %add3A_56 = arith.addf %get3A_55, %concatenate3A_46 : vector<2x128xf32>
      %swap3A_57 = arith.constant 0 : index
      %swap3A_58 = arith.constant 0 : index
      %swap3A_59 = vector.load %arg9[%swap3A_57, %swap3A_58] : memref<2x128xf32, #tpu.memory_space<vmem>>, vector<2x128xf32>
      tpu.vector_store %arg9[%swap3A_57, %swap3A_58], %add3A_56 {strides = array<i32>} : memref<2x128xf32, #tpu.memory_space<vmem>>, vector<2x128xf32>,
    } else {
    }
    return
  }
  func.func @transform_0(%arg0: i32) -> (i32, i32, i32) {
    %c0_i32 = arith.constant 0 : i32
    %c0_i32_0 = arith.constant 0 : i32
    %c0_i32_1 = arith.constant 0 : i32
    return %c0_i32, %arg0, %c0_i32_0 : i32, i32, i32
  }
  func.func @transform_1(%arg0: i32) -> (i32, i32, i32) {
    %c1_i32 = arith.constant 1 : i32
    %c0_i32 = arith.constant 0 : i32
    %c0_i32_0 = arith.constant 0 : i32
    return %c1_i32, %arg0, %c0_i32 : i32, i32, i32
  }
  func.func @transform_2(%arg0: i32) -> (i32, i32) {
    %c0_i32 = arith.constant 0 : i32
    %c0_i32_0 = arith.constant 0 : i32
    return %arg0, %c0_i32 : i32, i32
  }
  func.func @transform_3(%arg0: i32) -> (i32, i32) {
    %c0_i32 = arith.constant 0 : i32
    %c0_i32_0 = arith.constant 0 : i32
    return %arg0, %c0_i32 : i32, i32
  }
  func.func @transform_4(%arg0: i32) -> (i32, i32, i32) {
    %c0_i32 = arith.constant 0 : i32
    %c0_i32_0 = arith.constant 0 : i32
    %c0_i32_1 = arith.constant 0 : i32
    return %c0_i32, %arg0, %c0_i32_0 : i32, i32, i32
  }
  func.func @transform_5(%arg0: i32) -> (i32, i32, i32) {
    %c1_i32 = arith.constant 1 : i32
    %c0_i32 = arith.constant 0 : i32
    %c0_i32_0 = arith.constant 0 : i32
    return %c1_i32, %arg0, %c0_i32 : i32, i32, i32
  }
  func.func @transform_6(%arg0: i32) -> (i32, i32) {
    %c0_i32 = arith.constant 0 : i32
    %c0_i32_0 = arith.constant 0 : i32
    %c0_i32_1 = arith.constant 0 : i32
    return %c0_i32, %c0_i32_0 : i32, i32
  }
  func.func @transform_7(%arg0: i32) -> (i32, i32) {
    %c0_i32 = arith.constant 0 : i32
    %c0_i32_0 = arith.constant 0 : i32
    return %arg0, %c0_i32 : i32, i32
  }
  func.func @transform_8(%arg0: i32) -> (i32, i32) {
    %c0_i32 = arith.constant 0 : i32
    %c0_i32_0 = arith.constant 0 : i32
    %c0_i32_1 = arith.constant 0 : i32
    return %c0_i32, %c0_i32_0 : i32, i32
  }
}

module attributes {stable_mosaic.version = 14 : i64} {
  func.func @_tc3_body(%arg0: i32, %arg1: memref<1000x128xf32, #tpu.memory_space<vmem>>, %arg2: memref<2x128xf32, #tpu.memory_space<vmem>>, %arg3: memref<1000x128xf32, #tpu.memory_space<vmem>>, %arg4: memref<1x1000x16xf32, #tpu.memory_space<vmem>>, %arg5: memref<1x1000x16xf32, #tpu.memory_space<vmem>>, %arg6: memref<1x128xf32, #tpu.memory_space<vmem>>, %arg7: memref<1x128xf32, #tpu.memory_space<vmem>>, %arg8: memref<1x128xf32, #tpu.memory_space<vmem>>, %arg9: memref<128x128xf32, #tpu.memory_space<vmem>>, %arg10: memref<1000x128xf32, #tpu.memory_space<vmem>>, %arg11: memref<1000x64xf32, #tpu.memory_space<vmem>>, %arg12: memref<1000x64xf32, #tpu.memory_space<vmem>>) attributes {dimension_semantics = [#tpu.dimension_semantics<arbitrary>], iteration_bounds = array<i64: 10>, scalar_prefetch = 0 : i64, scratch_operands = 0 : i64, tpu.core_type = #tpu.core_type<tc>, window_params = [{transform_indices = @transform_0, window_bounds = array<i64: 1000, 128>}, {pipeline_mode = #tpu.pipeline_mode<synchronous>, transform_indices = @transform_1, window_bounds = array<i64: 2, 128>}, {transform_indices = @transform_2, window_bounds = array<i64: 1000, 128>}, {transform_indices = @transform_3, window_bounds = array<i64: 1, 1000, 16>}, {transform_indices = @transform_4, window_bounds = array<i64: 1, 1000, 16>}, {pipeline_mode = #tpu.pipeline_mode<synchronous>, transform_indices = @transform_5, window_bounds = array<i64: 1, 128>}, {pipeline_mode = #tpu.pipeline_mode<synchronous>, transform_indices = @transform_6, window_bounds = array<i64: 1, 128>}, {pipeline_mode = #tpu.pipeline_mode<synchronous>, transform_indices = @transform_7, window_bounds = array<i64: 1, 128>}, {pipeline_mode = #tpu.pipeline_mode<synchronous>, transform_indices = @transform_8, window_bounds = array<i64: 128, 128>}, {transform_indices = @transform_9, window_bounds = array<i64: 1000, 128>}, {transform_indices = @transform_10, window_bounds = array<i64: 1000, 64>}, {transform_indices = @transform_11, window_bounds = array<i64: 1000, 64>}]} {
    %get3A = arith.constant 0 : index
    %get3A_0 = arith.constant 0 : index
    %get3A_1 = arith.constant 0 : index
    %get3A_2 = vector.load %arg4[%get3A, %get3A_0, %get3A_1] : memref<1x1000x16xf32, #tpu.memory_space<vmem>>, vector<1x1000x16xf32>
    %get3A_3 = vector.shape_cast %get3A_2 : vector<1x1000x16xf32> to vector<1000x16xf32>
    %slice3A = vector.extract_strided_slice %get3A_3 {offsets = [0, 0], sizes = [1000, 1], strides = [1, 1]} : vector<1000x16xf32> to vector<1000x1xf32>
    %get3A_4 = arith.constant 0 : index
    %get3A_5 = arith.constant 0 : index
    %get3A_6 = arith.constant 0 : index
    %get3A_7 = vector.load %arg5[%get3A_4, %get3A_5, %get3A_6] : memref<1x1000x16xf32, #tpu.memory_space<vmem>>, vector<1x1000x16xf32>
    %get3A_8 = vector.shape_cast %get3A_7 : vector<1x1000x16xf32> to vector<1000x16xf32>
    %slice3A_9 = vector.extract_strided_slice %get3A_8 {offsets = [0, 0], sizes = [1000, 1], strides = [1, 1]} : vector<1000x16xf32> to vector<1000x1xf32>
    %add3A = arith.addf %slice3A, %slice3A_9 : vector<1000x1xf32>
    %add3A_10 = arith.constant 1.000000e+00 : f32
    %add3A_11 = vector.broadcast %add3A_10 : f32 to vector<1000x1xf32>
    %add3A_12 = arith.addf %add3A, %add3A_11 : vector<1000x1xf32>
    %rsqrt3A = math.rsqrt %add3A_12 : vector<1000x1xf32>
    %get3A_13 = arith.constant 0 : index
    %get3A_14 = arith.constant 0 : index
    %get3A_15 = vector.load %arg1[%get3A_13, %get3A_14] : memref<1000x128xf32, #tpu.memory_space<vmem>>, vector<1000x128xf32>
    %get3A_16 = arith.constant 0 : index
    %get3A_17 = arith.constant 0 : index
    %get3A_18 = vector.load %arg2[%get3A_16, %get3A_17] : memref<2x128xf32, #tpu.memory_space<vmem>>, vector<2x128xf32>
    %get3A_19 = arith.constant 0 : index
    %get3A_20 = arith.constant 0 : index
    %get3A_21 = vector.load %arg6[%get3A_19, %get3A_20] : memref<1x128xf32, #tpu.memory_space<vmem>>, vector<1x128xf32>
    %get3A_22 = arith.constant 0 : index
    %get3A_23 = arith.constant 0 : index
    %get3A_24 = vector.load %arg7[%get3A_22, %get3A_23] : memref<1x128xf32, #tpu.memory_space<vmem>>, vector<1x128xf32>
    %get3A_25 = arith.constant 0 : index
    %get3A_26 = arith.constant 0 : index
    %get3A_27 = vector.load %arg8[%get3A_25, %get3A_26] : memref<1x128xf32, #tpu.memory_space<vmem>>, vector<1x128xf32>
    %slice3A_28 = vector.extract_strided_slice %get3A_18 {offsets = [0, 0], sizes = [1, 128], strides = [1, 1]} : vector<2x128xf32> to vector<1x128xf32>
    %div3A = arith.constant 1.000000e+04 : f32
    %div3A_29 = vector.broadcast %div3A : f32 to vector<1x128xf32>
    %div3A_30 = arith.divf %slice3A_28, %div3A_29 : vector<1x128xf32>
    %slice3A_31 = vector.extract_strided_slice %get3A_18 {offsets = [1, 0], sizes = [1, 128], strides = [1, 1]} : vector<2x128xf32> to vector<1x128xf32>
    %div3A_32 = arith.constant 1.000000e+04 : f32
    %div3A_33 = vector.broadcast %div3A_32 : f32 to vector<1x128xf32>
    %div3A_34 = arith.divf %slice3A_31, %div3A_33 : vector<1x128xf32>
    %mul3A = arith.constant 2.000000e+00 : f32
    %mul3A_35 = vector.broadcast %mul3A : f32 to vector<1x128xf32>
    %mul3A_36 = arith.mulf %mul3A_35, %get3A_27 : vector<1x128xf32>
    %mul3A_37 = arith.mulf %get3A_27, %get3A_27 : vector<1x128xf32>
    %sub3A = arith.subf %mul3A_36, %mul3A_37 : vector<1x128xf32>
    %mul3A_38 = arith.mulf %sub3A, %div3A_30 : vector<1x128xf32>
    %mul3A_39 = arith.mulf %mul3A_38, %div3A_30 : vector<1x128xf32>
    %sub3A_40 = arith.subf %div3A_34, %mul3A_39 : vector<1x128xf32>
    %add3A_41 = arith.constant 9.99999974E-6 : f32
    %add3A_42 = vector.broadcast %add3A_41 : f32 to vector<1x128xf32>
    %add3A_43 = arith.addf %sub3A_40, %add3A_42 : vector<1x128xf32>
    %rsqrt3A_44 = math.rsqrt %add3A_43 : vector<1x128xf32>
    %mul3A_45 = arith.mulf %get3A_27, %div3A_30 : vector<1x128xf32>
    %sub3A_46 = vector.broadcast %mul3A_45 : vector<1x128xf32> to vector<1000x128xf32>
    %sub3A_47 = arith.subf %get3A_15, %sub3A_46 : vector<1000x128xf32>
    %mul3A_48 = vector.broadcast %get3A_21 : vector<1x128xf32> to vector<1000x128xf32>
    %mul3A_49 = arith.mulf %mul3A_48, %sub3A_47 : vector<1000x128xf32>
    %mul3A_50 = vector.broadcast %rsqrt3A_44 : vector<1x128xf32> to vector<1000x128xf32>
    %mul3A_51 = arith.mulf %mul3A_49, %mul3A_50 : vector<1000x128xf32>
    %add3A_52 = vector.broadcast %get3A_24 : vector<1x128xf32> to vector<1000x128xf32>
    %add3A_53 = arith.addf %mul3A_51, %add3A_52 : vector<1000x128xf32>
    %max3A = arith.constant 0.000000e+00 : f32
    %max3A_54 = vector.broadcast %max3A : f32 to vector<1000x128xf32>
    %max3A_55 = arith.maximumf %add3A_53, %max3A_54 : vector<1000x128xf32>
    %get3A_56 = arith.constant 0 : index
    %get3A_57 = arith.constant 0 : index
    %get3A_58 = vector.load %arg3[%get3A_56, %get3A_57] : memref<1000x128xf32, #tpu.memory_space<vmem>>, vector<1000x128xf32>
    %add3A_59 = arith.addf %max3A_55, %get3A_58 : vector<1000x128xf32>
    %swap3A = arith.constant 0 : index
    %swap3A_60 = arith.constant 0 : index
    %swap3A_61 = vector.load %arg10[%swap3A, %swap3A_60] : memref<1000x128xf32, #tpu.memory_space<vmem>>, vector<1000x128xf32>
    tpu.vector_store %arg10[%swap3A, %swap3A_60], %add3A_59 {strides = array<i32>} : memref<1000x128xf32, #tpu.memory_space<vmem>>, vector<1000x128xf32>,
    %get3A_62 = arith.constant 0 : index
    %get3A_63 = arith.constant 0 : index
    %get3A_64 = vector.load %arg9[%get3A_62, %get3A_63] : memref<128x128xf32, #tpu.memory_space<vmem>>, vector<128x128xf32>
    %dot_general3A = arith.constant dense<0.000000e+00> : vector<1000x128xf32>
    %dot_general3A_65 = tpu.matmul %add3A_59, %get3A_64, %dot_general3A {dimension_numbers = #tpu.dot_dimension_numbers<[1], [1], [0], [0], [0, 0, 1, 0], [], []>, transpose_lhs_hint = false} : vector<1000x128xf32>, vector<128x128xf32>, vector<1000x128xf32> -> vector<1000x128xf32>
    %mul3A_66 = vector.broadcast %rsqrt3A : vector<1000x1xf32> to vector<1000x128xf32>
    %mul3A_67 = arith.mulf %dot_general3A_65, %mul3A_66 : vector<1000x128xf32>
    %slice3A_68 = vector.extract_strided_slice %mul3A_67 {offsets = [0, 0], sizes = [1000, 64], strides = [1, 1]} : vector<1000x128xf32> to vector<1000x64xf32>
    %swap3A_69 = arith.constant 0 : index
    %swap3A_70 = arith.constant 0 : index
    %swap3A_71 = vector.load %arg11[%swap3A_69, %swap3A_70] : memref<1000x64xf32, #tpu.memory_space<vmem>>, vector<1000x64xf32>
    tpu.vector_store %arg11[%swap3A_69, %swap3A_70], %slice3A_68 {strides = array<i32>} : memref<1000x64xf32, #tpu.memory_space<vmem>>, vector<1000x64xf32>,
    %slice3A_72 = vector.extract_strided_slice %mul3A_67 {offsets = [0, 64], sizes = [1000, 64], strides = [1, 1]} : vector<1000x128xf32> to vector<1000x64xf32>
    %swap3A_73 = arith.constant 0 : index
    %swap3A_74 = arith.constant 0 : index
    %swap3A_75 = vector.load %arg12[%swap3A_73, %swap3A_74] : memref<1000x64xf32, #tpu.memory_space<vmem>>, vector<1000x64xf32>
    tpu.vector_store %arg12[%swap3A_73, %swap3A_74], %slice3A_72 {strides = array<i32>} : memref<1000x64xf32, #tpu.memory_space<vmem>>, vector<1000x64xf32>,
    return
  }
  func.func @transform_0(%arg0: i32) -> (i32, i32) {
    %c0_i32 = arith.constant 0 : i32
    %c0_i32_0 = arith.constant 0 : i32
    return %arg0, %c0_i32 : i32, i32
  }
  func.func @transform_1(%arg0: i32) -> (i32, i32) {
    %c0_i32 = arith.constant 0 : i32
    %c0_i32_0 = arith.constant 0 : i32
    %c0_i32_1 = arith.constant 0 : i32
    return %c0_i32, %c0_i32_0 : i32, i32
  }
  func.func @transform_2(%arg0: i32) -> (i32, i32) {
    %c0_i32 = arith.constant 0 : i32
    %c0_i32_0 = arith.constant 0 : i32
    return %arg0, %c0_i32 : i32, i32
  }
  func.func @transform_3(%arg0: i32) -> (i32, i32, i32) {
    %c0_i32 = arith.constant 0 : i32
    %c0_i32_0 = arith.constant 0 : i32
    %c0_i32_1 = arith.constant 0 : i32
    return %c0_i32, %arg0, %c0_i32_0 : i32, i32, i32
  }
  func.func @transform_4(%arg0: i32) -> (i32, i32, i32) {
    %c1_i32 = arith.constant 1 : i32
    %c0_i32 = arith.constant 0 : i32
    %c0_i32_0 = arith.constant 0 : i32
    return %c1_i32, %arg0, %c0_i32 : i32, i32, i32
  }
  func.func @transform_5(%arg0: i32) -> (i32, i32) {
    %c0_i32 = arith.constant 0 : i32
    %c0_i32_0 = arith.constant 0 : i32
    %c0_i32_1 = arith.constant 0 : i32
    return %c0_i32, %c0_i32_0 : i32, i32
  }
  func.func @transform_6(%arg0: i32) -> (i32, i32) {
    %c0_i32 = arith.constant 0 : i32
    %c0_i32_0 = arith.constant 0 : i32
    %c0_i32_1 = arith.constant 0 : i32
    return %c0_i32, %c0_i32_0 : i32, i32
  }
  func.func @transform_7(%arg0: i32) -> (i32, i32) {
    %c0_i32 = arith.constant 0 : i32
    %c0_i32_0 = arith.constant 0 : i32
    %c0_i32_1 = arith.constant 0 : i32
    return %c0_i32, %c0_i32_0 : i32, i32
  }
  func.func @transform_8(%arg0: i32) -> (i32, i32) {
    %c0_i32 = arith.constant 0 : i32
    %c0_i32_0 = arith.constant 0 : i32
    %c0_i32_1 = arith.constant 0 : i32
    return %c0_i32, %c0_i32_0 : i32, i32
  }
  func.func @transform_9(%arg0: i32) -> (i32, i32) {
    %c0_i32 = arith.constant 0 : i32
    %c0_i32_0 = arith.constant 0 : i32
    return %arg0, %c0_i32 : i32, i32
  }
  func.func @transform_10(%arg0: i32) -> (i32, i32) {
    %c0_i32 = arith.constant 0 : i32
    %c0_i32_0 = arith.constant 0 : i32
    return %arg0, %c0_i32 : i32, i32
  }
  func.func @transform_11(%arg0: i32) -> (i32, i32) {
    %c0_i32 = arith.constant 0 : i32
    %c0_i32_0 = arith.constant 0 : i32
    return %arg0, %c0_i32 : i32, i32
  }
}

module attributes {stable_mosaic.version = 14 : i64} {
  func.func @_tc5_body(%arg0: i32, %arg1: memref<1000x128xf32, #tpu.memory_space<vmem>>, %arg2: memref<2x128xf32, #tpu.memory_space<vmem>>, %arg3: memref<1000x128xf32, #tpu.memory_space<vmem>>, %arg4: memref<1x128xf32, #tpu.memory_space<vmem>>, %arg5: memref<1x128xf32, #tpu.memory_space<vmem>>, %arg6: memref<1x128xf32, #tpu.memory_space<vmem>>, %arg7: memref<128x128xf32, #tpu.memory_space<vmem>>, %arg8: memref<1x128xf32, #tpu.memory_space<vmem>>, %arg9: memref<128x128xf32, #tpu.memory_space<vmem>>, %arg10: memref<1x128xf32, #tpu.memory_space<vmem>>, %arg11: memref<128x128xf32, #tpu.memory_space<vmem>>, %arg12: memref<1x128xf32, #tpu.memory_space<vmem>>, %arg13: memref<1000x128xf32, #tpu.memory_space<vmem>>) attributes {dimension_semantics = [#tpu.dimension_semantics<arbitrary>], iteration_bounds = array<i64: 10>, scalar_prefetch = 0 : i64, scratch_operands = 0 : i64, tpu.core_type = #tpu.core_type<tc>, window_params = [{transform_indices = @transform_0, window_bounds = array<i64: 1000, 128>}, {pipeline_mode = #tpu.pipeline_mode<synchronous>, transform_indices = @transform_1, window_bounds = array<i64: 2, 128>}, {transform_indices = @transform_2, window_bounds = array<i64: 1000, 128>}, {pipeline_mode = #tpu.pipeline_mode<synchronous>, transform_indices = @transform_3, window_bounds = array<i64: 1, 128>}, {pipeline_mode = #tpu.pipeline_mode<synchronous>, transform_indices = @transform_4, window_bounds = array<i64: 1, 128>}, {pipeline_mode = #tpu.pipeline_mode<synchronous>, transform_indices = @transform_5, window_bounds = array<i64: 1, 128>}, {pipeline_mode = #tpu.pipeline_mode<synchronous>, transform_indices = @transform_6, window_bounds = array<i64: 128, 128>}, {pipeline_mode = #tpu.pipeline_mode<synchronous>, transform_indices = @transform_7, window_bounds = array<i64: 1, 128>}, {pipeline_mode = #tpu.pipeline_mode<synchronous>, transform_indices = @transform_8, window_bounds = array<i64: 128, 128>}, {pipeline_mode = #tpu.pipeline_mode<synchronous>, transform_indices = @transform_9, window_bounds = array<i64: 1, 128>}, {pipeline_mode = #tpu.pipeline_mode<synchronous>, transform_indices = @transform_10, window_bounds = array<i64: 128, 128>}, {pipeline_mode = #tpu.pipeline_mode<synchronous>, transform_indices = @transform_11, window_bounds = array<i64: 1, 128>}, {transform_indices = @transform_12, window_bounds = array<i64: 1000, 128>}]} {
    %get3A = arith.constant 0 : index
    %get3A_0 = arith.constant 0 : index
    %get3A_1 = vector.load %arg1[%get3A, %get3A_0] : memref<1000x128xf32, #tpu.memory_space<vmem>>, vector<1000x128xf32>
    %get3A_2 = arith.constant 0 : index
    %get3A_3 = arith.constant 0 : index
    %get3A_4 = vector.load %arg2[%get3A_2, %get3A_3] : memref<2x128xf32, #tpu.memory_space<vmem>>, vector<2x128xf32>
    %get3A_5 = arith.constant 0 : index
    %get3A_6 = arith.constant 0 : index
    %get3A_7 = vector.load %arg4[%get3A_5, %get3A_6] : memref<1x128xf32, #tpu.memory_space<vmem>>, vector<1x128xf32>
    %get3A_8 = arith.constant 0 : index
    %get3A_9 = arith.constant 0 : index
    %get3A_10 = vector.load %arg5[%get3A_8, %get3A_9] : memref<1x128xf32, #tpu.memory_space<vmem>>, vector<1x128xf32>
    %get3A_11 = arith.constant 0 : index
    %get3A_12 = arith.constant 0 : index
    %get3A_13 = vector.load %arg6[%get3A_11, %get3A_12] : memref<1x128xf32, #tpu.memory_space<vmem>>, vector<1x128xf32>
    %slice3A = vector.extract_strided_slice %get3A_4 {offsets = [0, 0], sizes = [1, 128], strides = [1, 1]} : vector<2x128xf32> to vector<1x128xf32>
    %div3A = arith.constant 1.000000e+04 : f32
    %div3A_14 = vector.broadcast %div3A : f32 to vector<1x128xf32>
    %div3A_15 = arith.divf %slice3A, %div3A_14 : vector<1x128xf32>
    %slice3A_16 = vector.extract_strided_slice %get3A_4 {offsets = [1, 0], sizes = [1, 128], strides = [1, 1]} : vector<2x128xf32> to vector<1x128xf32>
    %div3A_17 = arith.constant 1.000000e+04 : f32
    %div3A_18 = vector.broadcast %div3A_17 : f32 to vector<1x128xf32>
    %div3A_19 = arith.divf %slice3A_16, %div3A_18 : vector<1x128xf32>
    %mul3A = arith.constant 2.000000e+00 : f32
    %mul3A_20 = vector.broadcast %mul3A : f32 to vector<1x128xf32>
    %mul3A_21 = arith.mulf %mul3A_20, %get3A_13 : vector<1x128xf32>
    %mul3A_22 = arith.mulf %get3A_13, %get3A_13 : vector<1x128xf32>
    %sub3A = arith.subf %mul3A_21, %mul3A_22 : vector<1x128xf32>
    %mul3A_23 = arith.mulf %sub3A, %div3A_15 : vector<1x128xf32>
    %mul3A_24 = arith.mulf %mul3A_23, %div3A_15 : vector<1x128xf32>
    %sub3A_25 = arith.subf %div3A_19, %mul3A_24 : vector<1x128xf32>
    %add3A = arith.constant 9.99999974E-6 : f32
    %add3A_26 = vector.broadcast %add3A : f32 to vector<1x128xf32>
    %add3A_27 = arith.addf %sub3A_25, %add3A_26 : vector<1x128xf32>
    %rsqrt3A = math.rsqrt %add3A_27 : vector<1x128xf32>
    %mul3A_28 = arith.mulf %get3A_13, %div3A_15 : vector<1x128xf32>
    %sub3A_29 = vector.broadcast %mul3A_28 : vector<1x128xf32> to vector<1000x128xf32>
    %sub3A_30 = arith.subf %get3A_1, %sub3A_29 : vector<1000x128xf32>
    %mul3A_31 = vector.broadcast %get3A_7 : vector<1x128xf32> to vector<1000x128xf32>
    %mul3A_32 = arith.mulf %mul3A_31, %sub3A_30 : vector<1000x128xf32>
    %mul3A_33 = vector.broadcast %rsqrt3A : vector<1x128xf32> to vector<1000x128xf32>
    %mul3A_34 = arith.mulf %mul3A_32, %mul3A_33 : vector<1000x128xf32>
    %add3A_35 = vector.broadcast %get3A_10 : vector<1x128xf32> to vector<1000x128xf32>
    %add3A_36 = arith.addf %mul3A_34, %add3A_35 : vector<1000x128xf32>
    %max3A = arith.constant 0.000000e+00 : f32
    %max3A_37 = vector.broadcast %max3A : f32 to vector<1000x128xf32>
    %max3A_38 = arith.maximumf %add3A_36, %max3A_37 : vector<1000x128xf32>
    %get3A_39 = arith.constant 0 : index
    %get3A_40 = arith.constant 0 : index
    %get3A_41 = vector.load %arg3[%get3A_39, %get3A_40] : memref<1000x128xf32, #tpu.memory_space<vmem>>, vector<1000x128xf32>
    %add3A_42 = arith.addf %max3A_38, %get3A_41 : vector<1000x128xf32>
    %get3A_43 = arith.constant 0 : index
    %get3A_44 = arith.constant 0 : index
    %get3A_45 = vector.load %arg7[%get3A_43, %get3A_44] : memref<128x128xf32, #tpu.memory_space<vmem>>, vector<128x128xf32>
    %dot_general3A = arith.constant dense<0.000000e+00> : vector<1000x128xf32>
    %dot_general3A_46 = tpu.matmul %add3A_42, %get3A_45, %dot_general3A {dimension_numbers = #tpu.dot_dimension_numbers<[1], [1], [0], [0], [0, 0, 1, 0], [], []>, transpose_lhs_hint = false} : vector<1000x128xf32>, vector<128x128xf32>, vector<1000x128xf32> -> vector<1000x128xf32>
    %get3A_47 = arith.constant 0 : index
    %get3A_48 = arith.constant 0 : index
    %get3A_49 = vector.load %arg8[%get3A_47, %get3A_48] : memref<1x128xf32, #tpu.memory_space<vmem>>, vector<1x128xf32>
    %add3A_50 = vector.broadcast %get3A_49 : vector<1x128xf32> to vector<1000x128xf32>
    %add3A_51 = arith.addf %dot_general3A_46, %add3A_50 : vector<1000x128xf32>
    %max3A_52 = arith.constant 0.000000e+00 : f32
    %max3A_53 = vector.broadcast %max3A_52 : f32 to vector<1000x128xf32>
    %max3A_54 = arith.maximumf %add3A_51, %max3A_53 : vector<1000x128xf32>
    %get3A_55 = arith.constant 0 : index
    %get3A_56 = arith.constant 0 : index
    %get3A_57 = vector.load %arg9[%get3A_55, %get3A_56] : memref<128x128xf32, #tpu.memory_space<vmem>>, vector<128x128xf32>
    %dot_general3A_58 = arith.constant dense<0.000000e+00> : vector<1000x128xf32>
    %dot_general3A_59 = tpu.matmul %max3A_54, %get3A_57, %dot_general3A_58 {dimension_numbers = #tpu.dot_dimension_numbers<[1], [1], [0], [0], [0, 0, 1, 0], [], []>, transpose_lhs_hint = false} : vector<1000x128xf32>, vector<128x128xf32>, vector<1000x128xf32> -> vector<1000x128xf32>
    %get3A_60 = arith.constant 0 : index
    %get3A_61 = arith.constant 0 : index
    %get3A_62 = vector.load %arg10[%get3A_60, %get3A_61] : memref<1x128xf32, #tpu.memory_space<vmem>>, vector<1x128xf32>
    %add3A_63 = vector.broadcast %get3A_62 : vector<1x128xf32> to vector<1000x128xf32>
    %add3A_64 = arith.addf %dot_general3A_59, %add3A_63 : vector<1000x128xf32>
    %max3A_65 = arith.constant 0.000000e+00 : f32
    %max3A_66 = vector.broadcast %max3A_65 : f32 to vector<1000x128xf32>
    %max3A_67 = arith.maximumf %add3A_64, %max3A_66 : vector<1000x128xf32>
    %get3A_68 = arith.constant 0 : index
    %get3A_69 = arith.constant 0 : index
    %get3A_70 = vector.load %arg11[%get3A_68, %get3A_69] : memref<128x128xf32, #tpu.memory_space<vmem>>, vector<128x128xf32>
    %dot_general3A_71 = arith.constant dense<0.000000e+00> : vector<1000x128xf32>
    %dot_general3A_72 = tpu.matmul %max3A_67, %get3A_70, %dot_general3A_71 {dimension_numbers = #tpu.dot_dimension_numbers<[1], [1], [0], [0], [0, 0, 1, 0], [], []>, transpose_lhs_hint = false} : vector<1000x128xf32>, vector<128x128xf32>, vector<1000x128xf32> -> vector<1000x128xf32>
    %get3A_73 = arith.constant 0 : index
    %get3A_74 = arith.constant 0 : index
    %get3A_75 = vector.load %arg12[%get3A_73, %get3A_74] : memref<1x128xf32, #tpu.memory_space<vmem>>, vector<1x128xf32>
    %add3A_76 = vector.broadcast %get3A_75 : vector<1x128xf32> to vector<1000x128xf32>
    %add3A_77 = arith.addf %dot_general3A_72, %add3A_76 : vector<1000x128xf32>
    %swap3A = arith.constant 0 : index
    %swap3A_78 = arith.constant 0 : index
    %swap3A_79 = vector.load %arg13[%swap3A, %swap3A_78] : memref<1000x128xf32, #tpu.memory_space<vmem>>, vector<1000x128xf32>
    tpu.vector_store %arg13[%swap3A, %swap3A_78], %add3A_77 {strides = array<i32>} : memref<1000x128xf32, #tpu.memory_space<vmem>>, vector<1000x128xf32>,
    return
  }
  func.func @transform_0(%arg0: i32) -> (i32, i32) {
    %c0_i32 = arith.constant 0 : i32
    %c0_i32_0 = arith.constant 0 : i32
    return %arg0, %c0_i32 : i32, i32
  }
  func.func @transform_1(%arg0: i32) -> (i32, i32) {
    %c0_i32 = arith.constant 0 : i32
    %c0_i32_0 = arith.constant 0 : i32
    %c0_i32_1 = arith.constant 0 : i32
    return %c0_i32, %c0_i32_0 : i32, i32
  }
  func.func @transform_2(%arg0: i32) -> (i32, i32) {
    %c0_i32 = arith.constant 0 : i32
    %c0_i32_0 = arith.constant 0 : i32
    return %arg0, %c0_i32 : i32, i32
  }
  func.func @transform_3(%arg0: i32) -> (i32, i32) {
    %c0_i32 = arith.constant 0 : i32
    %c0_i32_0 = arith.constant 0 : i32
    %c0_i32_1 = arith.constant 0 : i32
    return %c0_i32, %c0_i32_0 : i32, i32
  }
  func.func @transform_4(%arg0: i32) -> (i32, i32) {
    %c0_i32 = arith.constant 0 : i32
    %c0_i32_0 = arith.constant 0 : i32
    %c0_i32_1 = arith.constant 0 : i32
    return %c0_i32, %c0_i32_0 : i32, i32
  }
  func.func @transform_5(%arg0: i32) -> (i32, i32) {
    %c0_i32 = arith.constant 0 : i32
    %c0_i32_0 = arith.constant 0 : i32
    %c0_i32_1 = arith.constant 0 : i32
    return %c0_i32, %c0_i32_0 : i32, i32
  }
  func.func @transform_6(%arg0: i32) -> (i32, i32) {
    %c0_i32 = arith.constant 0 : i32
    %c0_i32_0 = arith.constant 0 : i32
    %c0_i32_1 = arith.constant 0 : i32
    return %c0_i32, %c0_i32_0 : i32, i32
  }
  func.func @transform_7(%arg0: i32) -> (i32, i32) {
    %c0_i32 = arith.constant 0 : i32
    %c0_i32_0 = arith.constant 0 : i32
    %c0_i32_1 = arith.constant 0 : i32
    return %c0_i32, %c0_i32_0 : i32, i32
  }
  func.func @transform_8(%arg0: i32) -> (i32, i32) {
    %c0_i32 = arith.constant 0 : i32
    %c0_i32_0 = arith.constant 0 : i32
    %c0_i32_1 = arith.constant 0 : i32
    return %c0_i32, %c0_i32_0 : i32, i32
  }
  func.func @transform_9(%arg0: i32) -> (i32, i32) {
    %c0_i32 = arith.constant 0 : i32
    %c0_i32_0 = arith.constant 0 : i32
    %c0_i32_1 = arith.constant 0 : i32
    return %c0_i32, %c0_i32_0 : i32, i32
  }
  func.func @transform_10(%arg0: i32) -> (i32, i32) {
    %c0_i32 = arith.constant 0 : i32
    %c0_i32_0 = arith.constant 0 : i32
    %c0_i32_1 = arith.constant 0 : i32
    return %c0_i32, %c0_i32_0 : i32, i32
  }
  func.func @transform_11(%arg0: i32) -> (i32, i32) {
    %c0_i32 = arith.constant 0 : i32
    %c0_i32_0 = arith.constant 0 : i32
    %c0_i32_1 = arith.constant 0 : i32
    return %c0_i32, %c0_i32_0 : i32, i32
  }
  func.func @transform_12(%arg0: i32) -> (i32, i32) {
    %c0_i32 = arith.constant 0 : i32
    %c0_i32_0 = arith.constant 0 : i32
    return %arg0, %c0_i32 : i32, i32
  }
}

</mosaic_0001>

<sc_bundles>
// kernel: kernel.10.cloned.1.call-start
scs
__scs_entry_jumppad:
0x0: {  	(pc) =	sbr.rel $0x88, $3  }
0x1: {  	(tag) =	ssettag $0x0;
	lr =	simm.s32 $0x1  }
0x2: {  	[smem:$0x3F8E] =	sst lr;
	_ =	strace $0xD0000000  }
0x3: {  	_ = 	snop  }
0x4: {  	_ = 	snop  }
0x5: {  	_ = 	snop  }
0x6: {  	_ = 	snop  }
0x7: {  	_ = 	snop  }
__scs_overlays_trampoline_lowered:
0x8: {  	[smem:$0x3F9D] =	sst s0  }
0x9: {  	[smem:$0x3F9E] =	sst s1  }
0xa: {  	[smem:$0x3F9F] =	sst s2  }
0xb: {  	[smem:$0x3FA0] =	sst s3  }
0xc: {  	[smem:$0x3FA1] =	sst s4  }
0xd: {  	[smem:$0x3FA2] =	sst s5  }
0xe: {  	[smem:$0x3FA3] =	sst s6  }
0xf: {  	[smem:$0x3FA4] =	sst s7  }
0x10: {  	[smem:$0x3FA5] =	sst s8  }
0x11: {  	[smem:$0x3FA6] =	sst s9;
	s0 =	simm.s32 @!p0 $0x0  }
0x12: {  	s1 =	sld [smem:$0x3F8C];
	s0 =	simm.s32 @p0 $0x1  }
0x13: {  	[smem:$0x3FA7] =	sst s0;
	s0 =	simm.s32 @!p1 $0x0  }
0x14: {  	s2 =	sld [smem:$0x3F8B];
	s0 =	simm.s32 @p1 $0x1  }
0x15: {  	[smem:$0x3FA8] =	sst s0;
	s0 =	simm.s32 @!p2 $0x0  }
0x16: {  	s3 =	sld [smem:$0x3FDB];
	s0 =	simm.s32 @p2 $0x1  }
0x17: {  	s4 =	simm.s32 $0x1BF5;
	[smem:$0x3FAA] =	sst s0  }
0x18: {  	s0 =	sld [smem:$0x3F8D];
	_ =	swait.ge [sflag:s4], $0x0  }
0x19: {  	s7 =	sld [smem:$0x3F8E]  }
0x1a: {  	s8 =	sadd.s32 $0xFFFFE003, lr  }
0x1b: {  	s9 =	sadd.s32 $0xFFFFFEF7, lr;
	s5 =	simm.s32 $0xFFFFFFFF;
	p2 =	slt.u32 s8, $0xFFFFF086  }
0x1c: {  	p1 =	slt.u32 s9, $0xF7A;
	s5 =	simm.s32 @!p2 $0x0  }
0x1d: {  	s5 =	simm.s32 @p1 $0x1;
	p0 =	seq.s32 s7, s2  }
0x1e: {  	s7 =	smul.u32 @!p0 $0xF7A, s2;
	p2 =	seq.s32 @!p0 s5, $0x0  }
0x1f: {  	s9 =	smul.u32 $0xF7A, s1;
	s8 =	simm.s32 @!p0 $0x1BF5;
	p2 =	por !p2, p0  }
0x20: {  	[sflag:s8] =	ssyncset.s32 @!p0 $0xFFFFF086;
	s6 =	sadd.s32 @!p0 s3, s7;
	s7 =	simm.s32 @!p0 $0x108  }
0x21: {  	s3 =	sadd.s32 s3, s9;
	s6 =	sadd.s32 @!p0 $0x88, s6;
	s7 =	simm.s32 @p2 $0x1082  }
0x22: {  	[simem:s7], [sflag:s8] =	dma.local @!p0 [hbm:s6], $0xF7A  }
0x23: {  	s9 =	sor.u32 $0xD0000000, s2;
	s6 =	simm.s32 $0x108;
	_ =	swait.ge @!p0 [sflag:s8], $0x0  }
0x24: {  	s3 =	sadd.s32 $0x88, s3;
	s6 =	simm.s32 @!p1 $0x1082;
	[sflag:s4] =	ssyncset.s32 $0xFFFFF086  }
0x25: {  	[simem:s6], [sflag:s4] =	dma.local [hbm:s3], $0xF7A  }
0x26: {  	[smem:$0x3F8E] =	sst s1;
	(tag) =	ssettag s2;
	_ =	strace s9  }
0x27: {  	s1 =	sld [smem:$0x3F9E]  }
0x28: {  	s2 =	sld [smem:$0x3F9F]  }
0x29: {  	s4 =	sld [smem:$0x3FA1]  }
0x2a: {  	p0 =	seq.s32 s5, $0x0;
	s5 =	sld [smem:$0x3FA2]  }
0x2b: {  	s6 =	sld [smem:$0x3FA3]  }
0x2c: {  	s7 =	sld [smem:$0x3FA4]  }
0x2d: {  	s3 =	simm.s32 $0x108;
	s8 =	sld [smem:$0x3FA5]  }
0x2e: {  	s3 =	simm.s32 @!p0 $0x1082;
	s9 =	sld [smem:$0x3FA6]  }
0x2f: {  	lr =	sadd.s32 s0, s3;
	s0 =	sld [smem:$0x3F9D]  }
0x30: {  	s3 =	sld [smem:$0x3FA0]  }
0x31: {  	[smem:$0x3FA9] =	sst s10  }
0x32: {  	s10 =	sld [smem:$0x3FA7];
	_ =	sdelay $0x3  }
0x33: {  	p0 =	seq.s32 s10, $0x1;
	s10 =	sld [smem:$0x3FA9];
	_ =	sdelay $0x3  }
0x34: {  	[smem:$0x3FA9] =	sst s10  }
0x35: {  	s10 =	sld [smem:$0x3FA8];
	_ =	sdelay $0x3  }
0x36: {  	p1 =	seq.s32 s10, $0x1;
	s10 =	sld [smem:$0x3FA9];
	_ =	sdelay $0x3  }
0x37: {  	[smem:$0x3FA9] =	sst s10  }
0x38: {  	s10 =	sld [smem:$0x3FAA]  }
0x39: {  	_ = 	snop;
	(pc) =	sbr.ind lr, $3  }
0x3a: {  	_ = 	snop  }
0x3b: {  	_ = 	snop  }
0x3c: {  	p2 =	seq.s32 s10, $0x1;
	s10 =	sld [smem:$0x3FA9]  }
0x3d: {  	_ =	shalt  }
0x3e: {  	_ =	shalt  }
0x3f: {  	_ =	shalt  }
0x40: {  	_ =	shalt  }
0x41: {  	_ =	shalt  }
0x42: {  	_ =	shalt  }
0x43: {  	_ =	shalt  }
0x44: {  	_ =	shalt  }
0x45: {  	_ =	shalt  }
0x46: {  	_ =	shalt  }
0x47: {  	_ =	shalt  }
0x48: {  	_ =	shalt  }
0x49: {  	_ =	shalt  }
0x4a: {  	_ =	shalt  }
0x4b: {  	_ =	shalt  }
0x4c: {  	_ =	shalt  }
0x4d: {  	_ =	shalt  }
0x4e: {  	_ =	shalt  }
0x4f: {  	_ =	shalt  }
0x50: {  	_ =	shalt  }
0x51: {  	_ =	shalt  }
0x52: {  	_ =	shalt  }
0x53: {  	_ =	shalt  }
0x54: {  	_ =	shalt  }
0x55: {  	_ =	shalt  }
0x56: {  	_ =	shalt  }
0x57: {  	_ =	shalt  }
0x58: {  	_ =	shalt  }
0x59: {  	_ =	shalt  }
0x5a: {  	_ =	shalt  }
0x5b: {  	_ =	shalt  }
0x5c: {  	_ =	shalt  }
0x5d: {  	_ =	shalt  }
0x5e: {  	_ =	shalt  }
0x5f: {  	_ =	shalt  }
0x60: {  	_ =	shalt  }
0x61: {  	_ =	shalt  }
0x62: {  	_ =	shalt  }
0x63: {  	_ =	shalt  }
0x64: {  	_ =	shalt  }
0x65: {  	_ =	shalt  }
0x66: {  	_ =	shalt  }
0x67: {  	_ =	shalt  }
0x68: {  	_ =	shalt  }
0x69: {  	_ =	shalt  }
0x6a: {  	_ =	shalt  }
0x6b: {  	_ =	shalt  }
0x6c: {  	_ =	shalt  }
0x6d: {  	_ =	shalt  }
0x6e: {  	_ =	shalt  }
0x6f: {  	_ =	shalt  }
0x70: {  	_ =	shalt  }
0x71: {  	_ =	shalt  }
0x72: {  	_ =	shalt  }
0x73: {  	_ =	shalt  }
0x74: {  	_ =	shalt  }
0x75: {  	_ =	shalt  }
0x76: {  	_ =	shalt  }
0x77: {  	_ =	shalt  }
0x78: {  	_ =	shalt  }
0x79: {  	_ =	shalt  }
0x7a: {  	_ =	shalt  }
0x7b: {  	_ =	shalt  }
0x7c: {  	_ =	shalt  }
0x7d: {  	_ =	shalt  }
0x7e: {  	_ =	shalt  }
0x7f: {  	_ =	shalt  }
0x80: {  	_ =	shalt  }
0x81: {  	_ =	shalt  }
0x82: {  	_ =	shalt  }
0x83: {  	_ =	shalt  }
0x84: {  	_ =	shalt  }
0x85: {  	_ =	shalt  }
0x86: {  	_ =	shalt  }
0x87: {  	_ =	shalt  }
.Lfunc_end0:
.L_simem_size_0:
called_computation_lowered:
.L_overlay_start_0:
0x88: {  	s2 =	sld [smem:$0x3FD9]  }
0x89: {  	s3 =	sld [smem:$0x3FFE];
	_ =	sdelay $0x1  }
0x8a: {  	s1 =	srdreg.scid  }
0x8b: {  	s0 =	sand.u32 $0x1, s1  }
0x8c: {  	s17 =	sshll.u32 s0, $0xA;
	s2 =	sadd.s32 s3, s2  }
0x8d: {  	s2 =	sadd.s32 s2, s17  }
0x8e: {  	[smem:$0x3FB5] =	sst s2  }
0x8f: {  	_ = 	snop  }
0x90: {  	s2 =	sld [smem:$0x3FD0];
	(tm) =	ssettm $0x1  }
0x91: {  	s18 =	sld [smem:$0x3FFB];
	_ =	sdelay $0x3  }
0x92: {  	_ =	strace s18  }
0x93: {  	s3 =	sld [smem:$0x3FFC];
	_ =	sdelay $0x3  }
0x94: {  	_ =	strace s3  }
0x95: {  	s3 =	sld [smem:$0x3FFD];
	_ =	sdelay $0x3  }
0x96: {  	_ =	strace s3  }
0x97: {  	_ =	strace $0x8FFFFFFF  }
0x98: {  	s19 =	sld [smem:$0x3FDB];
	_ =	sdelay $0x1  }
0x99: {  	s4 =	simm.s32 $_scs_section_size  }
0x9a: {  	s5 =	simm.s32 $_size__tile_overlayer_lowered;
	s6 =	simm.s32 $_tile_overlayer_lowered  }
0x9b: {  	s22 =	simm.s32 $0x1BFF;
	s21 =	sshll.u32 s6, $0x1;
	s3 =	sadd.s32 s4, s19  }
0x9c: {  	s7 =	simm.s32 $0x0;
	s20 =	sshll.u32 s5, $0x1;
	s5 =	sadd.s32 s21, s3  }
0x9d: {  	[timem:s7], [sflag:s22] =	dma.local [hbm:s5], s20  }
0x9e: {  	_ =	swait.ge [sflag:s22], s20  }
0x9f: {  	s4 =	ssub.s32 $0x0, s20;
	[sflag:s22] =	ssyncset.done $0x0  }
0xa0: {  	[sflag:s22] =	ssyncadd.s32 s4;
	_ =	sdelay $0x1  }
0xa1: {  	s23 =	simm.s32 $0x1B8B  }
0xa2: {  	_ =	swait.ge [sflag:s23], $0x1  }
0xa3: {  	[sflag:s23] =	ssyncset.done $0x0  }
0xa4: {  	s25 =	simm.s32 $0x1B8E;
	s24 =	sld [smem:$0x3FFE];
	[sflag:s23] =	ssyncadd.s32 $0xFFFFFFFF  }
0xa5: {  	s26 =	simm.s32 $execute0_lowered;
	[smem:$0x3FD2] =	sst s25  }
0xa6: {  	s5 =	sshll.u32 s26, $0x1;
	_ =	strace $0x80000046;
	[dreg:$0x1] =	wrdreg $0xFFFFFFFF  }
0xa7: {  	s28 =	simm.s32 $_size_execute0_lowered;
	s3 =	sadd.s32 s3, s5;
	[dreg:$0x0] =	wrdreg $0x0  }
0xa8: {  	s5 =	sshll.u32 s28, $0x1;
	[dreg:$0x2] =	wrdreg s3  }
0xa9: {  	[dreg:$0x3] =	wrdreg s5  }
0xaa: {  	[dreg:$0x4] =	wrdreg $0xC0  }
0xab: {  	_ =	task [dreg:s7], $0x5FFFF  }
0xac: {  	[dreg:$0x1] =	wrdreg $0xFFFFFFFF  }
0xad: {  	[dreg:$0x0] =	wrdreg $0x60  }
0xae: {  	[dreg:$0x2] =	wrdreg s24  }
0xaf: {  	[dreg:$0x3] =	wrdreg s2  }
0xb0: {  	[dreg:$0x4] =	wrdreg $0x57D00  }
0xb1: {  	[dreg:$0x5] =	wrdreg $0x9  }
0xb2: {  	_ =	task.clear_ibuf [dreg:s7], $0x6FFFF;
	_ =	strace $0x90000046  }
0xb3: {  	s29 =	simm.s32 $0x9;
	_ =	strace $0x80000048  }
0xb4: {  	_ =	swait.ge [sflag:s29], $0x1  }
0xb5: {  	[sflag:s29] =	ssyncadd.s32 $0xFFFFFFFF  }
0xb6: {  	_ =	strace $0x90000048  }
0xb7: {  	_ =	sfence  }
0xb8: {  	s30 =	sld [smem:$0x0];
	_ =	sdelay $0x2  }
0xb9: {  	s31 =	sshll.u32 s1, $0xD;
	s1 =	sshrl.u32 s1, $0x2  }
0xba: {  	s3 =	sand.u32 $0x4000, s31;
	s1 =	sadd.s32 s1, s30  }
0xbb: {  	s0 =	sor.u32 s3, s0;
	s1 =	sshll.u32 s1, $0x11  }
0xbc: {  	s0 =	sor.u32 s1, s0  }
0xbd: {  	s0 =	sadd.s32 $0x8F2B, s0  }
0xbe: {  	[sflag:s0] =	ssyncadd.remote.s32 $0x1  }
0xbf: {  	_ =	sfence.sel $0xFFFF  }
0xc0: {  	[dreg:$0x0] =	wrdreg $0xFFFFFFFF;
	(pc) =	sbr.abs _section_cstart, $3  }
0xc1: {  	[dreg:$0x1] =	wrdreg $0xFFFFFFFF  }
0xc2: {  	_ =	task.clear_ibuf [dreg:s7], $0x2FFFF;
	_ =	strace $0x9FFFFFFF  }
0xc3: {  	(tm) =	ssettm $0x7FFFFFFF  }
tec
execute0_lowered:
.L_overlay_start_1:
0x0: {  	(tag) =	ssettag $0x1  }
0x1: {  	s4 =	rddreg [dreg:$0x0]  }
0x2: {  	s6 =	rddreg [dreg:$0x1];
	s1 =	srdreg.scid  }
0x3: {  	s0 =	stileid.u32;
	s2 =	rddreg [dreg:$0x2];
	s3 =	simm.s32 $0x0  }
0x4: {  	s5 =	sand.u32 $0x1, s1;
	s7 =	smul.u32 $0x5000, s0;
	s1 =	rddreg [dreg:$0x3]  }
0x5: {  	s11 =	simm.s32 $0x2800;
	[smem:$0x7FF] =	sst s3;
	s9 =	smul.u32 $0x2800, s0  }
0x6: {  	s12 =	sshll.u32 s0, $0x6;
	s8 =	smul.u32 $0x2800, s5;
	s29 =	ssub.s32 $0x2, s5  }
0x7: {  	s5 =	smul.u32 $0x28000, s5;
	_ =	strace $0x80000047;
	s10 =	sshrl.u32 s29, $0x1  }
0x8: {  	s12 =	sor.u32 $0x1C01, s12;
	s7 =	sadd.s32 s8, s7;
	s30 =	ssub.s32 s29, s10  }
0x9: {  	s31 =	sadd.s32 s9, s5;
	s5 =	sadd.s32 s9, s2;
	s9 =	simm.s32 $0x2FD0  }
0xa: {  	s10 =	simm.s32 $0x7D;
	s7 =	sshrl.u32 s7, $0x3;
	s8 =	sshrl.u32 s31, $0x3  }
0xb: {  	s13 =	sshrl.u32 s5, $0x3;
	s4 =	sadd.s32 s7, s4;
	s6 =	sadd.s32 s6, s8  }
0xc: {  	v0 =	vimm.f32 $1.000000000e+00;
	v1 =	vimm.f32 $0.0e+00;
	s7 =	smax.u32 s30, $0x1;
	s8 =	simm.s32 $0x1;
	s4 =	sadd.s32 $0x3800, s4  }
.LBB2_1:
0xd: {  	s14 =	simm.s32 $0x0  }
.LBB2_2:
0xe: {  	p0 =	sne.s32 s14, $0x1F00  }
.Ltmp0:
0xf: {  	_ = 	snop;
	(pc) =	sbr.rel @p0 .LBB2_2-.Ltmp0, $3  }
0x10: {  	_ =	sdelay $0x1  }
0x11: {  	s15 =	sshra.s32 s14, $0x2  }
0x12: {  	s14 =	sadd.s32 $0x40, s14;
	[tilespmem:s15+$0x2800] =	vst v0  }
0x13: {  	s14 =	simm.s32 $0x40;
	s15 =	simm.s32 $0x0  }
.LBB2_4:
0x14: {  	p0 =	sne.s32 s14, $0x9FC0;
	[tilespmem:s15+$0x2FD0] =	vst v1;
	s15 =	smov.u32 s14;
	s14 =	sadd.s32 $0x40, s14  }
.Ltmp1:
0x15: {  	(pc) =	sbr.rel @p0 .LBB2_4-.Ltmp1, $2  }
0x16: {  	_ =	sdelay $0x2  }
0x17: {  	s15 =	sshra.s32 s15, $0x2  }
0x18: {  	[tilespmem:s15+$0x2FD0] =	vst v1;
	s14 =	simm.s32 $0x0  }
0x19: {  	[tilespmem:s14], [sflag:$0x1] =	stream.linear.gather [hbm4b:s4+s14], $0x2800, $0x38;
	[tilespmem:$0x7FD0] =	vst v63  }
0x1a: {  	_ =	swait.ge [sflag:s8], $0x2800  }
0x1b: {  	[sflag:s8] =	ssyncset.done $0x0  }
0x1c: {  	[sflag:s8] =	ssyncadd.s32 $0xFFFFD800  }
0x1d: {  	[spmem:s5] =	stream.linear.scatter [tilespmem:s9], [sflag:$0x1], $0x2800, $0x38;
	[tilespmem:$0x7FD0] =	vst v63  }
0x1e: {  	_ =	swait.ge [sflag:s8], $0x2800  }
0x1f: {  	[sflag:s8] =	ssyncset.done $0x0  }
0x20: {  	[sflag:s8] =	ssyncadd.s32 $0xFFFFD800  }
0x21: {  	s31 =	simm.s32 $0x0;
	[bflag:$0x0] =	sbarrier.arrive $0xFFFF  }
0x22: {  	[spmem:s2] =	stream.indirect.scatter.add.f32 [tilespmem:s11], [sflag:$0x1], $0x10, s31, s10, $0xb8;
	[tilespmem:$0x7FD0] =	vst v63  }
0x23: {  	_ =	swait.ge [sflag:s8], $0x7D0  }
0x24: {  	s14 =	simm.s32 $0x200;
	[sflag:s8] =	ssyncset.done $0x0  }
.LBB2_6:
0x25: {  	s15 =	sshra.s32 s14, $0x2;
	[sflag:s8] =	ssyncadd.s32 $0xFFFFF830;
	p0 =	sne.s32 s14, $0x9E00  }
0x26: {  	[spmem:s2] =	stream.indirect.scatter.add.f32 [tilespmem:s11], [sflag:$0x1], $0x10, s15, s10, $0xb8;
	[tilespmem:$0x7FD0] =	vst v63  }
.Ltmp2:
0x27: {  	_ = 	snop;
	(pc) =	sbr.rel @p0 .LBB2_6-.Ltmp2, $4  }
0x28: {  	_ = 	snop  }
0x29: {  	s14 =	sadd.s32 $0x200, s14  }
0x2a: {  	_ =	swait.ge [sflag:s8], $0x7D0  }
0x2b: {  	[sflag:s8] =	ssyncset.done $0x0  }
0x2c: {  	s3 =	sadd.s32 $0x1, s3  }
0x2d: {  	[sflag:s8] =	ssyncadd.s32 $0xFFFFF830;
	p0 =	sne.s32 s3, s7  }
.Ltmp3:
0x2e: {  	[bflag:$0x0] =	sbarrier.arrive $0xFFFF;
	(pc) =	sbr.rel @p0 .LBB2_1-.Ltmp3, $4  }
0x2f: {  	[hbm:s6], [sflag:s12] =	dma.local [spmem:s13], $0x500  }
0x30: {  	_ =	swait.ge [sflag:s8], $0x500  }
0x31: {  	[sflag:s8] =	ssyncset.done $0x0  }
0x32: {  	[sflag:s8] =	ssyncadd.s32 $0xFFFFFB00  }
0x33: {  	_ =	sfence.sel $0x180000  }
0x34: {  	[bflag:$0x0] =	sbarrier.arrive $0xFFFF  }
0x35: {  	p0 =	sne.s32 s0, $0x0;
	_ =	strace $0x90000047  }
0x36: {  	s0 =	sadd.s32 @!p0 $0x100000, s1;
	[bflag:$0x2] =	sbarrier.arrive $0xFFFF  }
0x37: {  	[sflag:s0] =	ssyncadd.tile.s32 @!p0 $0x1;
	_ =	shalt  }
.Lfunc_end2:
_tile_overlayer_lowered:
.L_overlay_start_2:
0x38: {  	(tag) =	ssettag $0x2  }
0x39: {  	s0 =	rddreg [dreg:$0x0];
	s2 =	stileid.u32  }
0x3a: {  	s1 =	rddreg [dreg:$0x1];
	p0 =	sne.s32 s2, $0x0  }
0x3b: {  	s3 =	rddreg [dreg:$0x2];
	[bflag:$0x3] =	sbarrier.arrive $0xFFFF;
	s2 =	simm.s32 @!p0 $0x1C01  }
0x3c: {  	[timem:s3], [sflag:s2] =	dma.local @!p0 [hbm:s0], s1  }
0x3d: {  	s0 =	simm.s32 @!p0 $0x1  }
0x3e: {  	_ =	swait.ge @!p0 [sflag:s0], s1  }
0x3f: {  	s1 =	ssub.s32 @!p0 $0x0, s1;
	[sflag:s0] =	ssyncset.done @!p0 $0x0  }
0x40: {  	[sflag:s0] =	ssyncadd.s32 @!p0 s1  }
0x41: {  	[bflag:$0x3] =	sbarrier.arrive $0xFFFF  }
0x42: {  	_ =	shalt  }

// kernel: kernel.13.cloned.1.call-start
scs
__scs_entry_jumppad:
0x0: {  	(pc) =	sbr.rel $0x88, $3  }
0x1: {  	(tag) =	ssettag $0x0;
	lr =	simm.s32 $0x1  }
0x2: {  	[smem:$0x3F8E] =	sst lr;
	_ =	strace $0xD0000000  }
0x3: {  	_ = 	snop  }
0x4: {  	_ = 	snop  }
0x5: {  	_ = 	snop  }
0x6: {  	_ = 	snop  }
0x7: {  	_ = 	snop  }
__scs_overlays_trampoline_lowered:
0x8: {  	[smem:$0x3F9D] =	sst s0  }
0x9: {  	[smem:$0x3F9E] =	sst s1  }
0xa: {  	[smem:$0x3F9F] =	sst s2  }
0xb: {  	[smem:$0x3FA0] =	sst s3  }
0xc: {  	[smem:$0x3FA1] =	sst s4  }
0xd: {  	[smem:$0x3FA2] =	sst s5  }
0xe: {  	[smem:$0x3FA3] =	sst s6  }
0xf: {  	[smem:$0x3FA4] =	sst s7  }
0x10: {  	[smem:$0x3FA5] =	sst s8  }
0x11: {  	[smem:$0x3FA6] =	sst s9;
	s0 =	simm.s32 @!p0 $0x0  }
0x12: {  	s1 =	sld [smem:$0x3F8C];
	s0 =	simm.s32 @p0 $0x1  }
0x13: {  	[smem:$0x3FA7] =	sst s0;
	s0 =	simm.s32 @!p1 $0x0  }
0x14: {  	s2 =	sld [smem:$0x3F8B];
	s0 =	simm.s32 @p1 $0x1  }
0x15: {  	[smem:$0x3FA8] =	sst s0;
	s0 =	simm.s32 @!p2 $0x0  }
0x16: {  	s3 =	sld [smem:$0x3FDB];
	s0 =	simm.s32 @p2 $0x1  }
0x17: {  	s4 =	simm.s32 $0x1BF5;
	[smem:$0x3FAA] =	sst s0  }
0x18: {  	s0 =	sld [smem:$0x3F8D];
	_ =	swait.ge [sflag:s4], $0x0  }
0x19: {  	s7 =	sld [smem:$0x3F8E]  }
0x1a: {  	s8 =	sadd.s32 $0xFFFFE003, lr  }
0x1b: {  	s9 =	sadd.s32 $0xFFFFFEF7, lr;
	s5 =	simm.s32 $0xFFFFFFFF;
	p2 =	slt.u32 s8, $0xFFFFF086  }
0x1c: {  	p1 =	slt.u32 s9, $0xF7A;
	s5 =	simm.s32 @!p2 $0x0  }
0x1d: {  	s5 =	simm.s32 @p1 $0x1;
	p0 =	seq.s32 s7, s2  }
0x1e: {  	s7 =	smul.u32 @!p0 $0xF7A, s2;
	p2 =	seq.s32 @!p0 s5, $0x0  }
0x1f: {  	s9 =	smul.u32 $0xF7A, s1;
	s8 =	simm.s32 @!p0 $0x1BF5;
	p2 =	por !p2, p0  }
0x20: {  	[sflag:s8] =	ssyncset.s32 @!p0 $0xFFFFF086;
	s6 =	sadd.s32 @!p0 s3, s7;
	s7 =	simm.s32 @!p0 $0x108  }
0x21: {  	s3 =	sadd.s32 s3, s9;
	s6 =	sadd.s32 @!p0 $0x88, s6;
	s7 =	simm.s32 @p2 $0x1082  }
0x22: {  	[simem:s7], [sflag:s8] =	dma.local @!p0 [hbm:s6], $0xF7A  }
0x23: {  	s9 =	sor.u32 $0xD0000000, s2;
	s6 =	simm.s32 $0x108;
	_ =	swait.ge @!p0 [sflag:s8], $0x0  }
0x24: {  	s3 =	sadd.s32 $0x88, s3;
	s6 =	simm.s32 @!p1 $0x1082;
	[sflag:s4] =	ssyncset.s32 $0xFFFFF086  }
0x25: {  	[simem:s6], [sflag:s4] =	dma.local [hbm:s3], $0xF7A  }
0x26: {  	[smem:$0x3F8E] =	sst s1;
	(tag) =	ssettag s2;
	_ =	strace s9  }
0x27: {  	s1 =	sld [smem:$0x3F9E]  }
0x28: {  	s2 =	sld [smem:$0x3F9F]  }
0x29: {  	s4 =	sld [smem:$0x3FA1]  }
0x2a: {  	p0 =	seq.s32 s5, $0x0;
	s5 =	sld [smem:$0x3FA2]  }
0x2b: {  	s6 =	sld [smem:$0x3FA3]  }
0x2c: {  	s7 =	sld [smem:$0x3FA4]  }
0x2d: {  	s3 =	simm.s32 $0x108;
	s8 =	sld [smem:$0x3FA5]  }
0x2e: {  	s3 =	simm.s32 @!p0 $0x1082;
	s9 =	sld [smem:$0x3FA6]  }
0x2f: {  	lr =	sadd.s32 s0, s3;
	s0 =	sld [smem:$0x3F9D]  }
0x30: {  	s3 =	sld [smem:$0x3FA0]  }
0x31: {  	[smem:$0x3FA9] =	sst s10  }
0x32: {  	s10 =	sld [smem:$0x3FA7];
	_ =	sdelay $0x3  }
0x33: {  	p0 =	seq.s32 s10, $0x1;
	s10 =	sld [smem:$0x3FA9];
	_ =	sdelay $0x3  }
0x34: {  	[smem:$0x3FA9] =	sst s10  }
0x35: {  	s10 =	sld [smem:$0x3FA8];
	_ =	sdelay $0x3  }
0x36: {  	p1 =	seq.s32 s10, $0x1;
	s10 =	sld [smem:$0x3FA9];
	_ =	sdelay $0x3  }
0x37: {  	[smem:$0x3FA9] =	sst s10  }
0x38: {  	s10 =	sld [smem:$0x3FAA]  }
0x39: {  	_ = 	snop;
	(pc) =	sbr.ind lr, $3  }
0x3a: {  	_ = 	snop  }
0x3b: {  	_ = 	snop  }
0x3c: {  	p2 =	seq.s32 s10, $0x1;
	s10 =	sld [smem:$0x3FA9]  }
0x3d: {  	_ =	shalt  }
0x3e: {  	_ =	shalt  }
0x3f: {  	_ =	shalt  }
0x40: {  	_ =	shalt  }
0x41: {  	_ =	shalt  }
0x42: {  	_ =	shalt  }
0x43: {  	_ =	shalt  }
0x44: {  	_ =	shalt  }
0x45: {  	_ =	shalt  }
0x46: {  	_ =	shalt  }
0x47: {  	_ =	shalt  }
0x48: {  	_ =	shalt  }
0x49: {  	_ =	shalt  }
0x4a: {  	_ =	shalt  }
0x4b: {  	_ =	shalt  }
0x4c: {  	_ =	shalt  }
0x4d: {  	_ =	shalt  }
0x4e: {  	_ =	shalt  }
0x4f: {  	_ =	shalt  }
0x50: {  	_ =	shalt  }
0x51: {  	_ =	shalt  }
0x52: {  	_ =	shalt  }
0x53: {  	_ =	shalt  }
0x54: {  	_ =	shalt  }
0x55: {  	_ =	shalt  }
0x56: {  	_ =	shalt  }
0x57: {  	_ =	shalt  }
0x58: {  	_ =	shalt  }
0x59: {  	_ =	shalt  }
0x5a: {  	_ =	shalt  }
0x5b: {  	_ =	shalt  }
0x5c: {  	_ =	shalt  }
0x5d: {  	_ =	shalt  }
0x5e: {  	_ =	shalt  }
0x5f: {  	_ =	shalt  }
0x60: {  	_ =	shalt  }
0x61: {  	_ =	shalt  }
0x62: {  	_ =	shalt  }
0x63: {  	_ =	shalt  }
0x64: {  	_ =	shalt  }
0x65: {  	_ =	shalt  }
0x66: {  	_ =	shalt  }
0x67: {  	_ =	shalt  }
0x68: {  	_ =	shalt  }
0x69: {  	_ =	shalt  }
0x6a: {  	_ =	shalt  }
0x6b: {  	_ =	shalt  }
0x6c: {  	_ =	shalt  }
0x6d: {  	_ =	shalt  }
0x6e: {  	_ =	shalt  }
0x6f: {  	_ =	shalt  }
0x70: {  	_ =	shalt  }
0x71: {  	_ =	shalt  }
0x72: {  	_ =	shalt  }
0x73: {  	_ =	shalt  }
0x74: {  	_ =	shalt  }
0x75: {  	_ =	shalt  }
0x76: {  	_ =	shalt  }
0x77: {  	_ =	shalt  }
0x78: {  	_ =	shalt  }
0x79: {  	_ =	shalt  }
0x7a: {  	_ =	shalt  }
0x7b: {  	_ =	shalt  }
0x7c: {  	_ =	shalt  }
0x7d: {  	_ =	shalt  }
0x7e: {  	_ =	shalt  }
0x7f: {  	_ =	shalt  }
0x80: {  	_ =	shalt  }
0x81: {  	_ =	shalt  }
0x82: {  	_ =	shalt  }
0x83: {  	_ =	shalt  }
0x84: {  	_ =	shalt  }
0x85: {  	_ =	shalt  }
0x86: {  	_ =	shalt  }
0x87: {  	_ =	shalt  }
.Lfunc_end0:
.L_simem_size_0:
called_computation.1_lowered:
.L_overlay_start_0:
0x88: {  	s2 =	sld [smem:$0x3FD9]  }
0x89: {  	s3 =	sld [smem:$0x3FFE];
	_ =	sdelay $0x1  }
0x8a: {  	s1 =	srdreg.scid  }
0x8b: {  	s0 =	sand.u32 $0x1, s1  }
0x8c: {  	s16 =	sshll.u32 s0, $0xA;
	s2 =	sadd.s32 s3, s2  }
0x8d: {  	s2 =	sadd.s32 s2, s16  }
0x8e: {  	[smem:$0x3FB5] =	sst s2  }
0x8f: {  	_ = 	snop  }
0x90: {  	(tm) =	ssettm $0x1  }
0x91: {  	s17 =	sld [smem:$0x3FFB];
	_ =	sdelay $0x3  }
0x92: {  	_ =	strace s17  }
0x93: {  	s2 =	sld [smem:$0x3FFC];
	_ =	sdelay $0x3  }
0x94: {  	_ =	strace s2  }
0x95: {  	s2 =	sld [smem:$0x3FFD];
	_ =	sdelay $0x3  }
0x96: {  	_ =	strace s2  }
0x97: {  	_ =	strace $0x8FFFFFFF  }
0x98: {  	s18 =	sld [smem:$0x3FDB];
	_ =	sdelay $0x1  }
0x99: {  	s19 =	simm.s32 $_scs_section_size  }
0x9a: {  	s4 =	simm.s32 $_size__tile_overlayer_lowered;
	s5 =	simm.s32 $_tile_overlayer_lowered  }
0x9b: {  	s22 =	simm.s32 $0x1BFF;
	s21 =	sshll.u32 s5, $0x1;
	s2 =	sadd.s32 s19, s18  }
0x9c: {  	s6 =	simm.s32 $0x0;
	s20 =	sshll.u32 s4, $0x1;
	s4 =	sadd.s32 s21, s2  }
0x9d: {  	[timem:s6], [sflag:s22] =	dma.local [hbm:s4], s20  }
0x9e: {  	_ =	swait.ge [sflag:s22], s20  }
0x9f: {  	s3 =	ssub.s32 $0x0, s20;
	[sflag:s22] =	ssyncset.done $0x0  }
0xa0: {  	[sflag:s22] =	ssyncadd.s32 s3;
	_ =	sdelay $0x1  }
0xa1: {  	s23 =	simm.s32 $0x1B8B  }
0xa2: {  	_ =	swait.ge [sflag:s23], $0x1  }
0xa3: {  	[sflag:s23] =	ssyncset.done $0x0  }
0xa4: {  	s25 =	simm.s32 $0x1B8E;
	s24 =	sld [smem:$0x3FFE];
	[sflag:s23] =	ssyncadd.s32 $0xFFFFFFFF  }
0xa5: {  	s26 =	simm.s32 $execute0_lowered;
	[smem:$0x3FD2] =	sst s25  }
0xa6: {  	s4 =	sshll.u32 s26, $0x1;
	_ =	strace $0x80000049;
	[dreg:$0x1] =	wrdreg $0xFFFFFFFF  }
0xa7: {  	s28 =	simm.s32 $_size_execute0_lowered;
	s2 =	sadd.s32 s2, s4;
	[dreg:$0x0] =	wrdreg $0x0  }
0xa8: {  	s4 =	sshll.u32 s28, $0x1;
	[dreg:$0x2] =	wrdreg s2  }
0xa9: {  	[dreg:$0x3] =	wrdreg s4  }
0xaa: {  	[dreg:$0x4] =	wrdreg $0xC0  }
0xab: {  	_ =	task [dreg:s6], $0x5FFFF  }
0xac: {  	[dreg:$0x1] =	wrdreg $0xFFFFFFFF  }
0xad: {  	[dreg:$0x0] =	wrdreg $0x60  }
0xae: {  	[dreg:$0x2] =	wrdreg s24  }
0xaf: {  	[dreg:$0x3] =	wrdreg $0x15C400  }
0xb0: {  	[dreg:$0x4] =	wrdreg $0x9  }
0xb1: {  	_ =	task.clear_ibuf [dreg:s6], $0x5FFFF;
	_ =	strace $0x90000049  }
0xb2: {  	s29 =	simm.s32 $0x9;
	_ =	strace $0x8000004B  }
0xb3: {  	_ =	swait.ge [sflag:s29], $0x1  }
0xb4: {  	[sflag:s29] =	ssyncadd.s32 $0xFFFFFFFF  }
0xb5: {  	_ =	strace $0x9000004B  }
0xb6: {  	_ =	sfence  }
0xb7: {  	s30 =	sld [smem:$0x0];
	_ =	sdelay $0x2  }
0xb8: {  	s31 =	sshll.u32 s1, $0xD;
	s1 =	sshrl.u32 s1, $0x2  }
0xb9: {  	s3 =	sand.u32 $0x4000, s31;
	s1 =	sadd.s32 s1, s30  }
0xba: {  	s0 =	sor.u32 s3, s0;
	s1 =	sshll.u32 s1, $0x11  }
0xbb: {  	s0 =	sor.u32 s1, s0  }
0xbc: {  	s0 =	sadd.s32 $0x8F2B, s0  }
0xbd: {  	[sflag:s0] =	ssyncadd.remote.s32 $0x1  }
0xbe: {  	_ =	sfence.sel $0xFFFF  }
0xbf: {  	[dreg:$0x0] =	wrdreg $0xFFFFFFFF;
	(pc) =	sbr.abs _section_cstart, $3  }
0xc0: {  	[dreg:$0x1] =	wrdreg $0xFFFFFFFF  }
0xc1: {  	_ =	task.clear_ibuf [dreg:s6], $0x2FFFF;
	_ =	strace $0x9FFFFFFF  }
0xc2: {  	(tm) =	ssettm $0x7FFFFFFF  }
0xc3: {  	_ =	shalt  }
tec
execute0_lowered:
.L_overlay_start_1:
0x0: {  	(tag) =	ssettag $0x1  }
0x1: {  	s0 =	rddreg [dreg:$0x0]  }
0x2: {  	s1 =	rddreg [dreg:$0x1];
	s3 =	simm.s32 $0x0  }
0x3: {  	s2 =	srdreg.scid;
	s8 =	stileid.u32;
	s15 =	simm.s32 $0xB  }
0x4: {  	s17 =	simm.s32 $0x13C40;
	s18 =	simm.s32 $0x7D;
	s19 =	simm.s32 $0xA000  }
0x5: {  	s28 =	simm.s32 $0x11D00;
	s29 =	simm.s32 $0x1;
	s30 =	simm.s32 $0x2  }
0x6: {  	s31 =	simm.s32 $0x3;
	s16 =	simm.s32 $0x5;
	s6 =	smul.u32 $0x14000, s8  }
0x7: {  	s20 =	simm.s32 $0x6;
	[smem:$0x7FF] =	sst s3;
	s7 =	smul.u32 $0xA00, s8  }
0x8: {  	s2 =	sand.u32 $0x1, s2;
	s4 =	sadd.s32 $0x67800, s0;
	s8 =	smul.u32 $0x28000, s8  }
0x9: {  	s5 =	sadd.s32 $0x7B200, s0;
	s21 =	smul.u32 $0x140000, s2;
	_ =	strace $0x8000004A  }
0xa: {  	s22 =	sshll.u32 s2, $0x6;
	s23 =	ssub.s32 $0x2, s2;
	p0 =	seq.s32 s2, $0x1  }
0xb: {  	s2 =	simm.s32 $0xA;
	s7 =	sadd.s32 s7, s0;
	s9 =	sshrl.u32 s23, $0x1  }
0xc: {  	s8 =	sshrl.u32 s8, $0x2;
	s3 =	sadd.s32 s6, s21;
	s24 =	ssub.s32 s23, s9  }
0xd: {  	s6 =	sadd.s32 s8, s1;
	s25 =	sadd.s32 $0xD800, s7;
	s7 =	sadd.s32 $0x3800, s7  }
0xe: {  	s21 =	simm.s32 $0xBF40;
	s23 =	simm.s32 $0xDE80;
	[dreg:$0x3] =	wrdreg s25  }
0xf: {  	s3 =	sor.u32 s22, s3;
	[dreg:$0x4] =	wrdreg s7;
	s26 =	sadd.s32 $0x2000, s6  }
.Ltmp0:
0x10: {  	s10 =	sadd.s32 $0x4000, s6;
	s11 =	sadd.s32 $0x6000, s6;
	(pc) =	sbr.rel .LBB2_1-.Ltmp0, $4  }
0x11: {  	s12 =	sadd.s32 $0x8000, s6;
	s14 =	smax.u32 s24, $0x1;
	s25 =	simm.s32 $0xFDC0  }
0x12: {  	s22 =	simm.s32 $0x7;
	s24 =	simm.s32 $0x8;
	s3 =	sshrl.u32 s3, $0x3  }
0x13: {  	[dreg:$0x5] =	wrdreg s26;
	s26 =	simm.s32 $0x9;
	s0 =	sadd.s32 s3, s0  }
0x14: {  	v0 =	vimm.f32 $0.0e+00;
	s3 =	simm.s32 $0x0;
	s13 =	sadd.s32 $0x8EC00, s0;
	s0 =	simm.s32 $0x4  }
.LBB2_6:
0x15: {  	[tilespmem:s28], [sflag:$0x5] =	stream.indirect.gather [hbm4b:s4+s18], $0x40, s8, s18, $0xb8;
	[tilespmem:$0x1FC40] =	vst v63  }
.LBB2_10:
0x16: {  	_ =	swait.ge [sflag:s29], $0x1F40  }
0x17: {  	[sflag:s29] =	ssyncset.done $0x0  }
0x18: {  	s7 =	simm.s32 $0x9D80;
	[sflag:s29] =	ssyncadd.s32 $0xFFFFE0C0  }
0x19: {  	[spmem:s1] =	stream.indirect.scatter.add.f32 [tilespmem:s19], [sflag:$0x6], $0x40, s7, s18, $0xb8;
	[tilespmem:$0x1FC40] =	vst v63  }
0x1a: {  	_ =	swait.ge [sflag:s30], $0x1F40  }
0x1b: {  	[sflag:s30] =	ssyncset.done $0x0  }
0x1c: {  	s9 =	simm.s32 $0x9E00;
	[sflag:s30] =	ssyncadd.s32 $0xFFFFE0C0  }
0x1d: {  	[spmem:s1] =	stream.indirect.scatter.add.f32 [tilespmem:s21], [sflag:$0x7], $0x40, s9, s18, $0xb8;
	[tilespmem:$0x1FC40] =	vst v63  }
0x1e: {  	_ =	swait.ge [sflag:s31], $0x1F40  }
0x1f: {  	[sflag:s31] =	ssyncset.done $0x0  }
0x20: {  	s8 =	simm.s32 $0x9E80;
	[sflag:s31] =	ssyncadd.s32 $0xFFFFE0C0  }
0x21: {  	[spmem:s1] =	stream.indirect.scatter.add.f32 [tilespmem:s23], [sflag:$0x8], $0x40, s8, s18, $0xb8;
	[tilespmem:$0x1FC40] =	vst v63  }
0x22: {  	_ =	swait.ge [sflag:s0], $0x1F40  }
0x23: {  	[sflag:s0] =	ssyncset.done $0x0  }
0x24: {  	s9 =	simm.s32 $0x9F00;
	[sflag:s0] =	ssyncadd.s32 $0xFFFFE0C0  }
0x25: {  	[spmem:s1] =	stream.indirect.scatter.add.f32 [tilespmem:s25], [sflag:$0x9], $0x40, s9, s18, $0xb8;
	[tilespmem:$0x1FC40] =	vst v63  }
0x26: {  	_ =	swait.ge [sflag:s16], $0x1F40  }
0x27: {  	[sflag:s16] =	ssyncset.done $0x0  }
0x28: {  	s8 =	simm.s32 $0x9F80;
	[sflag:s16] =	ssyncadd.s32 $0xFFFFE0C0  }
0x29: {  	[spmem:s1] =	stream.indirect.scatter.add.f32 [tilespmem:s28], [sflag:$0xA], $0x40, s8, s18, $0xb8;
	[tilespmem:$0x1FC40] =	vst v63  }
0x2a: {  	_ =	swait.ge [sflag:s20], $0x1F40  }
0x2b: {  	[sflag:s20] =	ssyncset.done $0x0  }
0x2c: {  	[sflag:s20] =	ssyncadd.s32 $0xFFFFE0C0  }
0x2d: {  	_ =	swait.ge [sflag:s22], $0x1F40  }
0x2e: {  	[sflag:s22] =	ssyncset.done $0x0  }
0x2f: {  	[sflag:s22] =	ssyncadd.s32 $0xFFFFE0C0  }
0x30: {  	_ =	swait.ge [sflag:s24], $0x1F40  }
0x31: {  	[sflag:s24] =	ssyncset.done $0x0  }
0x32: {  	[sflag:s24] =	ssyncadd.s32 $0xFFFFE0C0  }
0x33: {  	_ =	swait.ge [sflag:s26], $0x1F40  }
0x34: {  	[sflag:s26] =	ssyncset.done $0x0  }
0x35: {  	[sflag:s26] =	ssyncadd.s32 $0xFFFFE0C0  }
0x36: {  	s3 =	sadd.s32 $0x1, s3;
	s9 =	stileid.u32;
	_ =	swait.ge [sflag:s2], $0x1F40  }
0x37: {  	p1 =	sne.s32 s3, s14;
	s7 =	sshll.u32 s9, $0x6;
	[sflag:s2] =	ssyncset.done $0x0  }
0x38: {  	s9 =	simm.s32 $0x10;
	s7 =	sor.u32 $0x1C0B, s7;
	[sflag:s2] =	ssyncadd.s32 $0xFFFFE0C0  }
.Ltmp1:
0x39: {  	s8 =	sshrl.u32 s6, $0x3;
	[bflag:$0x0] =	sbarrier.arrive $0xFFFF;
	(pc) =	sbr.rel @!p1 .LBB2_11-.Ltmp1, $4  }
0x3a: {  	[hbm:s13@s9], [sflag:s7] =	dma.strided [spmem:s8@s24], $0x1400, s29, $0x8   }
0x3b: {  	_ =	swait.ge [sflag:s15], $0x1400  }
0x3c: {  	[sflag:s15] =	ssyncset.done $0x0  }
0x3d: {  	[sflag:s15] =	ssyncadd.s32 $0xFFFFEC00  }
.LBB2_1:
0x3e: {  	s8 =	simm.s32 $0x100;
	s7 =	simm.s32 $0x0  }
.LBB2_2:
0x3f: {  	p1 =	sne.s32 s8, $0x7F00;
	[tilespmem:s7+$0x13C70] =	vst v0;
	s9 =	smov.u32 s8;
	s8 =	sadd.s32 $0x100, s8  }
.Ltmp2:
0x40: {  	[tilespmem:s7+$0x13C60] =	vst v0;
	(pc) =	sbr.rel @p1 .LBB2_2-.Ltmp2, $3  }
0x41: {  	[tilespmem:s7+$0x13C40] =	vst v0  }
0x42: {  	[tilespmem:s7+$0x13C50] =	vst v0;
	_ =	sdelay $0x1  }
0x43: {  	s7 =	sshra.s32 s9, $0x2  }
0x44: {  	[tilespmem:s7+$0x13C70] =	vst v0  }
0x45: {  	[tilespmem:s7+$0x13C60] =	vst v0  }
0x46: {  	[tilespmem:s7+$0x13C40] =	vst v0  }
0x47: {  	[tilespmem:s7+$0x13C50] =	vst v0;
	s7 =	simm.s32 $0x0;
	s8 =	rddreg [dreg:$0x3]  }
0x48: {  	[tilespmem:s7], [sflag:$0xB] =	stream.linear.gather [hbm4b:s8+s7], $0x5000, $0x38;
	[tilespmem:$0x1FC40] =	vst v63  }
0x49: {  	_ =	swait.ge [sflag:s15], $0x5000  }
0x4a: {  	[sflag:s15] =	ssyncset.done $0x0  }
0x4b: {  	s9 =	simm.s32 $0x5000;
	s8 =	rddreg [dreg:$0x4];
	[sflag:s15] =	ssyncadd.s32 $0xFFFFB000  }
0x4c: {  	[tilespmem:s9], [sflag:$0xB] =	stream.linear.gather [hbm4b:s8+s7], $0x5000, $0x38;
	[tilespmem:$0x1FC40] =	vst v63  }
0x4d: {  	_ =	swait.ge [sflag:s15], $0x5000  }
0x4e: {  	[sflag:s15] =	ssyncset.done $0x0  }
0x4f: {  	[sflag:s15] =	ssyncadd.s32 $0xFFFFB000  }
0x50: {  	[spmem:s6] =	stream.linear.scatter [tilespmem:s17], [sflag:$0xB], $0x2000, $0x38;
	[tilespmem:$0x1FC40] =	vst v63  }
0x51: {  	_ =	swait.ge [sflag:s15], $0x2000  }
0x52: {  	[sflag:s15] =	ssyncset.done $0x0  }
0x53: {  	s9 =	rddreg [dreg:$0x5];
	[sflag:s15] =	ssyncadd.s32 $0xFFFFE000  }
0x54: {  	[spmem:s9] =	stream.linear.scatter [tilespmem:s17], [sflag:$0xB], $0x2000, $0x38;
	[tilespmem:$0x1FC40] =	vst v63  }
0x55: {  	_ =	swait.ge [sflag:s15], $0x2000  }
0x56: {  	[sflag:s15] =	ssyncset.done $0x0  }
0x57: {  	[sflag:s15] =	ssyncadd.s32 $0xFFFFE000  }
0x58: {  	[spmem:s10] =	stream.linear.scatter [tilespmem:s17], [sflag:$0xB], $0x2000, $0x38;
	[tilespmem:$0x1FC40] =	vst v63  }
0x59: {  	_ =	swait.ge [sflag:s15], $0x2000  }
0x5a: {  	[sflag:s15] =	ssyncset.done $0x0  }
0x5b: {  	[sflag:s15] =	ssyncadd.s32 $0xFFFFE000  }
0x5c: {  	[spmem:s11] =	stream.linear.scatter [tilespmem:s17], [sflag:$0xB], $0x2000, $0x38;
	[tilespmem:$0x1FC40] =	vst v63  }
0x5d: {  	_ =	swait.ge [sflag:s15], $0x2000  }
0x5e: {  	[sflag:s15] =	ssyncset.done $0x0  }
0x5f: {  	[sflag:s15] =	ssyncadd.s32 $0xFFFFE000  }
0x60: {  	[spmem:s12] =	stream.linear.scatter [tilespmem:s17], [sflag:$0xB], $0x2000, $0x38;
	[tilespmem:$0x1FC40] =	vst v63  }
.Ltmp3:
0x61: {  	_ =	swait.ge [sflag:s15], $0x2000;
	(pc) =	sbr.rel @!p0 .LBB2_4-.Ltmp3, $4  }
0x62: {  	[sflag:s15] =	ssyncset.done $0x0  }
0x63: {  	[sflag:s15] =	ssyncadd.s32 $0xFFFFE000  }
0x64: {  	[bflag:$0x0] =	sbarrier.arrive $0xFFFF  }
0x65: {  	s7 =	simm.s32 $0x0  }
0x66: {  	[tilespmem:s19], [sflag:$0x1] =	stream.indirect.gather [hbm4b:s5+s18], $0x40, s7, s18, $0xb8;
	[tilespmem:$0x1FC40] =	vst v63  }
0x67: {  	s9 =	simm.s32 $0x80  }
0x68: {  	[tilespmem:s21], [sflag:$0x2] =	stream.indirect.gather [hbm4b:s5+s18], $0x40, s9, s18, $0xb8;
	[tilespmem:$0x1FC40] =	vst v63  }
0x69: {  	s8 =	simm.s32 $0x100  }
0x6a: {  	[tilespmem:s23], [sflag:$0x3] =	stream.indirect.gather [hbm4b:s5+s18], $0x40, s8, s18, $0xb8;
	[tilespmem:$0x1FC40] =	vst v63  }
0x6b: {  	s9 =	simm.s32 $0x180  }
0x6c: {  	[tilespmem:s25], [sflag:$0x4] =	stream.indirect.gather [hbm4b:s5+s18], $0x40, s9, s18, $0xb8;
	[tilespmem:$0x1FC40] =	vst v63  }
0x6d: {  	s8 =	simm.s32 $0x200  }
0x6e: {  	[tilespmem:s28], [sflag:$0x5] =	stream.indirect.gather [hbm4b:s5+s18], $0x40, s8, s18, $0xb8;
	[tilespmem:$0x1FC40] =	vst v63  }
0x6f: {  	_ =	swait.ge [sflag:s29], $0x1F40  }
0x70: {  	[sflag:s29] =	ssyncset.done $0x0  }
0x71: {  	s9 =	simm.s32 $0x5000;
	[sflag:s29] =	ssyncadd.s32 $0xFFFFE0C0  }
0x72: {  	[spmem:s1] =	stream.indirect.scatter.add.f32 [tilespmem:s19], [sflag:$0x6], $0x40, s9, s18, $0xb8;
	[tilespmem:$0x1FC40] =	vst v63  }
0x73: {  	_ =	swait.ge [sflag:s30], $0x1F40  }
0x74: {  	[sflag:s30] =	ssyncset.done $0x0  }
0x75: {  	s8 =	simm.s32 $0x5080;
	[sflag:s30] =	ssyncadd.s32 $0xFFFFE0C0  }
0x76: {  	[spmem:s1] =	stream.indirect.scatter.add.f32 [tilespmem:s21], [sflag:$0x7], $0x40, s8, s18, $0xb8;
	[tilespmem:$0x1FC40] =	vst v63  }
0x77: {  	_ =	swait.ge [sflag:s31], $0x1F40  }
0x78: {  	[sflag:s31] =	ssyncset.done $0x0  }
0x79: {  	s9 =	simm.s32 $0x5100;
	[sflag:s31] =	ssyncadd.s32 $0xFFFFE0C0  }
0x7a: {  	[spmem:s1] =	stream.indirect.scatter.add.f32 [tilespmem:s23], [sflag:$0x8], $0x40, s9, s18, $0xb8;
	[tilespmem:$0x1FC40] =	vst v63  }
0x7b: {  	_ =	swait.ge [sflag:s0], $0x1F40  }
0x7c: {  	[sflag:s0] =	ssyncset.done $0x0  }
0x7d: {  	s8 =	simm.s32 $0x5180;
	[sflag:s0] =	ssyncadd.s32 $0xFFFFE0C0  }
0x7e: {  	[spmem:s1] =	stream.indirect.scatter.add.f32 [tilespmem:s25], [sflag:$0x9], $0x40, s8, s18, $0xb8;
	[tilespmem:$0x1FC40] =	vst v63  }
0x7f: {  	_ =	swait.ge [sflag:s16], $0x1F40  }
0x80: {  	[sflag:s16] =	ssyncset.done $0x0  }
0x81: {  	s9 =	simm.s32 $0x5200;
	[sflag:s16] =	ssyncadd.s32 $0xFFFFE0C0  }
0x82: {  	[spmem:s1] =	stream.indirect.scatter.add.f32 [tilespmem:s28], [sflag:$0xA], $0x40, s9, s18, $0xb8;
	[tilespmem:$0x1FC40] =	vst v63  }
0x83: {  	_ =	swait.ge [sflag:s20], $0x1F40  }
0x84: {  	[sflag:s20] =	ssyncset.done $0x0  }
0x85: {  	s8 =	simm.s32 $0x280;
	[sflag:s20] =	ssyncadd.s32 $0xFFFFE0C0  }
0x86: {  	[tilespmem:s19], [sflag:$0x1] =	stream.indirect.gather [hbm4b:s5+s18], $0x40, s8, s18, $0xb8;
	[tilespmem:$0x1FC40] =	vst v63  }
0x87: {  	_ =	swait.ge [sflag:s22], $0x1F40  }
0x88: {  	[sflag:s22] =	ssyncset.done $0x0  }
0x89: {  	s9 =	simm.s32 $0x300;
	[sflag:s22] =	ssyncadd.s32 $0xFFFFE0C0  }
0x8a: {  	[tilespmem:s21], [sflag:$0x2] =	stream.indirect.gather [hbm4b:s5+s18], $0x40, s9, s18, $0xb8;
	[tilespmem:$0x1FC40] =	vst v63  }
0x8b: {  	_ =	swait.ge [sflag:s24], $0x1F40  }
0x8c: {  	[sflag:s24] =	ssyncset.done $0x0  }
0x8d: {  	s8 =	simm.s32 $0x380;
	[sflag:s24] =	ssyncadd.s32 $0xFFFFE0C0  }
0x8e: {  	[tilespmem:s23], [sflag:$0x3] =	stream.indirect.gather [hbm4b:s5+s18], $0x40, s8, s18, $0xb8;
	[tilespmem:$0x1FC40] =	vst v63  }
0x8f: {  	_ =	swait.ge [sflag:s26], $0x1F40  }
0x90: {  	[sflag:s26] =	ssyncset.done $0x0  }
0x91: {  	s9 =	simm.s32 $0x400;
	[sflag:s26] =	ssyncadd.s32 $0xFFFFE0C0  }
0x92: {  	[tilespmem:s25], [sflag:$0x4] =	stream.indirect.gather [hbm4b:s5+s18], $0x40, s9, s18, $0xb8;
	[tilespmem:$0x1FC40] =	vst v63  }
0x93: {  	_ =	swait.ge [sflag:s2], $0x1F40  }
0x94: {  	[sflag:s2] =	ssyncset.done $0x0  }
0x95: {  	s7 =	simm.s32 $0xA00;
	s8 =	simm.s32 $0x480;
	[sflag:s2] =	ssyncadd.s32 $0xFFFFE0C0  }
.LBB2_8:
0x96: {  	[tilespmem:s28], [sflag:$0x5] =	stream.indirect.gather [hbm4b:s5+s18], $0x40, s8, s18, $0xb8;
	[tilespmem:$0x1FC40] =	vst v63  }
0x97: {  	s8 =	smov.u32 s7  }
0x98: {  	p1 =	sne.s32 s7, $0x12C00;
	s7 =	sadd.s32 $0xA00, s7;
	_ =	swait.ge [sflag:s29], $0x1F40  }
0x99: {  	s8 =	sshra.s32 s8, $0x2;
	[sflag:s29] =	ssyncset.done $0x0  }
0x9a: {  	s9 =	sadd.s32 $0x5000, s8;
	[sflag:s29] =	ssyncadd.s32 $0xFFFFE0C0  }
0x9b: {  	[spmem:s1] =	stream.indirect.scatter.add.f32 [tilespmem:s19], [sflag:$0x6], $0x40, s9, s18, $0xb8;
	[tilespmem:$0x1FC40] =	vst v63  }
0x9c: {  	_ =	swait.ge [sflag:s30], $0x1F40  }
0x9d: {  	[sflag:s30] =	ssyncset.done $0x0  }
0x9e: {  	s9 =	sadd.s32 $0x5080, s8;
	[sflag:s30] =	ssyncadd.s32 $0xFFFFE0C0  }
0x9f: {  	[spmem:s1] =	stream.indirect.scatter.add.f32 [tilespmem:s21], [sflag:$0x7], $0x40, s9, s18, $0xb8;
	[tilespmem:$0x1FC40] =	vst v63  }
0xa0: {  	_ =	swait.ge [sflag:s31], $0x1F40  }
0xa1: {  	[sflag:s31] =	ssyncset.done $0x0  }
0xa2: {  	s9 =	sadd.s32 $0x5100, s8;
	[sflag:s31] =	ssyncadd.s32 $0xFFFFE0C0  }
0xa3: {  	[spmem:s1] =	stream.indirect.scatter.add.f32 [tilespmem:s23], [sflag:$0x8], $0x40, s9, s18, $0xb8;
	[tilespmem:$0x1FC40] =	vst v63  }
0xa4: {  	_ =	swait.ge [sflag:s0], $0x1F40  }
0xa5: {  	[sflag:s0] =	ssyncset.done $0x0  }
0xa6: {  	s9 =	sadd.s32 $0x5180, s8;
	[sflag:s0] =	ssyncadd.s32 $0xFFFFE0C0  }
0xa7: {  	[spmem:s1] =	stream.indirect.scatter.add.f32 [tilespmem:s25], [sflag:$0x9], $0x40, s9, s18, $0xb8;
	[tilespmem:$0x1FC40] =	vst v63  }
0xa8: {  	_ =	swait.ge [sflag:s16], $0x1F40  }
0xa9: {  	[sflag:s16] =	ssyncset.done $0x0  }
0xaa: {  	s9 =	sadd.s32 $0x5200, s8;
	[sflag:s16] =	ssyncadd.s32 $0xFFFFE0C0  }
0xab: {  	[spmem:s1] =	stream.indirect.scatter.add.f32 [tilespmem:s28], [sflag:$0xA], $0x40, s9, s18, $0xb8;
	[tilespmem:$0x1FC40] =	vst v63  }
0xac: {  	_ =	swait.ge [sflag:s20], $0x1F40  }
0xad: {  	[sflag:s20] =	ssyncset.done $0x0  }
0xae: {  	s9 =	sadd.s32 $0x280, s8;
	[sflag:s20] =	ssyncadd.s32 $0xFFFFE0C0  }
0xaf: {  	[tilespmem:s19], [sflag:$0x1] =	stream.indirect.gather [hbm4b:s5+s18], $0x40, s9, s18, $0xb8;
	[tilespmem:$0x1FC40] =	vst v63  }
0xb0: {  	_ =	swait.ge [sflag:s22], $0x1F40  }
0xb1: {  	[sflag:s22] =	ssyncset.done $0x0  }
0xb2: {  	s9 =	sadd.s32 $0x300, s8;
	[sflag:s22] =	ssyncadd.s32 $0xFFFFE0C0  }
0xb3: {  	[tilespmem:s21], [sflag:$0x2] =	stream.indirect.gather [hbm4b:s5+s18], $0x40, s9, s18, $0xb8;
	[tilespmem:$0x1FC40] =	vst v63  }
0xb4: {  	_ =	swait.ge [sflag:s24], $0x1F40  }
0xb5: {  	[sflag:s24] =	ssyncset.done $0x0  }
0xb6: {  	s9 =	sadd.s32 $0x380, s8;
	[sflag:s24] =	ssyncadd.s32 $0xFFFFE0C0  }
0xb7: {  	[tilespmem:s23], [sflag:$0x3] =	stream.indirect.gather [hbm4b:s5+s18], $0x40, s9, s18, $0xb8;
	[tilespmem:$0x1FC40] =	vst v63  }
0xb8: {  	_ =	swait.ge [sflag:s26], $0x1F40  }
0xb9: {  	[sflag:s26] =	ssyncset.done $0x0  }
.Ltmp4:
0xba: {  	s9 =	sadd.s32 $0x400, s8;
	[sflag:s26] =	ssyncadd.s32 $0xFFFFE0C0;
	(pc) =	sbr.rel @p1 .LBB2_8-.Ltmp4, $4  }
0xbb: {  	[tilespmem:s25], [sflag:$0x4] =	stream.indirect.gather [hbm4b:s5+s18], $0x40, s9, s18, $0xb8;
	[tilespmem:$0x1FC40] =	vst v63  }
0xbc: {  	_ =	swait.ge [sflag:s2], $0x1F40  }
0xbd: {  	[sflag:s2] =	ssyncset.done $0x0  }
0xbe: {  	s8 =	sadd.s32 $0x480, s8;
	[sflag:s2] =	ssyncadd.s32 $0xFFFFE0C0  }
.Ltmp5:
0xbf: {  	(pc) =	sbr.rel .LBB2_10-.Ltmp5, $2  }
0xc0: {  	_ =	sdelay $0x2  }
0xc1: {  	[tilespmem:s28], [sflag:$0x5] =	stream.indirect.gather [hbm4b:s5+s18], $0x40, s8, s18, $0xb8;
	[tilespmem:$0x1FC40] =	vst v63  }
.LBB2_4:
0xc2: {  	[tilespmem:s19], [sflag:$0x1] =	stream.indirect.gather [hbm4b:s4+s18], $0x40, s7, s18, $0xb8;
	[tilespmem:$0x1FC40] =	vst v63  }
0xc3: {  	s9 =	simm.s32 $0x80  }
0xc4: {  	[tilespmem:s21], [sflag:$0x2] =	stream.indirect.gather [hbm4b:s4+s18], $0x40, s9, s18, $0xb8;
	[tilespmem:$0x1FC40] =	vst v63  }
0xc5: {  	s8 =	simm.s32 $0x100  }
0xc6: {  	[tilespmem:s23], [sflag:$0x3] =	stream.indirect.gather [hbm4b:s4+s18], $0x40, s8, s18, $0xb8;
	[tilespmem:$0x1FC40] =	vst v63  }
0xc7: {  	s9 =	simm.s32 $0x180  }
0xc8: {  	[tilespmem:s25], [sflag:$0x4] =	stream.indirect.gather [hbm4b:s4+s18], $0x40, s9, s18, $0xb8;
	[tilespmem:$0x1FC40] =	vst v63  }
0xc9: {  	s8 =	simm.s32 $0x200  }
0xca: {  	[tilespmem:s28], [sflag:$0x5] =	stream.indirect.gather [hbm4b:s4+s18], $0x40, s8, s18, $0xb8;
	[tilespmem:$0x1FC40] =	vst v63  }
0xcb: {  	_ =	swait.ge [sflag:s29], $0x1F40  }
0xcc: {  	[sflag:s29] =	ssyncset.done $0x0  }
0xcd: {  	s9 =	simm.s32 $0x5000;
	[sflag:s29] =	ssyncadd.s32 $0xFFFFE0C0  }
0xce: {  	[spmem:s1] =	stream.indirect.scatter.add.f32 [tilespmem:s19], [sflag:$0x6], $0x40, s9, s18, $0xb8;
	[tilespmem:$0x1FC40] =	vst v63  }
0xcf: {  	_ =	swait.ge [sflag:s30], $0x1F40  }
0xd0: {  	[sflag:s30] =	ssyncset.done $0x0  }
0xd1: {  	s8 =	simm.s32 $0x5080;
	[sflag:s30] =	ssyncadd.s32 $0xFFFFE0C0  }
0xd2: {  	[spmem:s1] =	stream.indirect.scatter.add.f32 [tilespmem:s21], [sflag:$0x7], $0x40, s8, s18, $0xb8;
	[tilespmem:$0x1FC40] =	vst v63  }
0xd3: {  	_ =	swait.ge [sflag:s31], $0x1F40  }
0xd4: {  	[sflag:s31] =	ssyncset.done $0x0  }
0xd5: {  	s9 =	simm.s32 $0x5100;
	[sflag:s31] =	ssyncadd.s32 $0xFFFFE0C0  }
0xd6: {  	[spmem:s1] =	stream.indirect.scatter.add.f32 [tilespmem:s23], [sflag:$0x8], $0x40, s9, s18, $0xb8;
	[tilespmem:$0x1FC40] =	vst v63  }
0xd7: {  	_ =	swait.ge [sflag:s0], $0x1F40  }
0xd8: {  	[sflag:s0] =	ssyncset.done $0x0  }
0xd9: {  	s8 =	simm.s32 $0x5180;
	[sflag:s0] =	ssyncadd.s32 $0xFFFFE0C0  }
0xda: {  	[spmem:s1] =	stream.indirect.scatter.add.f32 [tilespmem:s25], [sflag:$0x9], $0x40, s8, s18, $0xb8;
	[tilespmem:$0x1FC40] =	vst v63  }
0xdb: {  	_ =	swait.ge [sflag:s16], $0x1F40  }
0xdc: {  	[sflag:s16] =	ssyncset.done $0x0  }
0xdd: {  	s9 =	simm.s32 $0x5200;
	[sflag:s16] =	ssyncadd.s32 $0xFFFFE0C0  }
0xde: {  	[spmem:s1] =	stream.indirect.scatter.add.f32 [tilespmem:s28], [sflag:$0xA], $0x40, s9, s18, $0xb8;
	[tilespmem:$0x1FC40] =	vst v63  }
0xdf: {  	_ =	swait.ge [sflag:s20], $0x1F40  }
0xe0: {  	[sflag:s20] =	ssyncset.done $0x0  }
0xe1: {  	s8 =	simm.s32 $0x280;
	[sflag:s20] =	ssyncadd.s32 $0xFFFFE0C0  }
0xe2: {  	[tilespmem:s19], [sflag:$0x1] =	stream.indirect.gather [hbm4b:s4+s18], $0x40, s8, s18, $0xb8;
	[tilespmem:$0x1FC40] =	vst v63  }
0xe3: {  	_ =	swait.ge [sflag:s22], $0x1F40  }
0xe4: {  	[sflag:s22] =	ssyncset.done $0x0  }
0xe5: {  	s9 =	simm.s32 $0x300;
	[sflag:s22] =	ssyncadd.s32 $0xFFFFE0C0  }
0xe6: {  	[tilespmem:s21], [sflag:$0x2] =	stream.indirect.gather [hbm4b:s4+s18], $0x40, s9, s18, $0xb8;
	[tilespmem:$0x1FC40] =	vst v63  }
0xe7: {  	_ =	swait.ge [sflag:s24], $0x1F40  }
0xe8: {  	[sflag:s24] =	ssyncset.done $0x0  }
0xe9: {  	s8 =	simm.s32 $0x380;
	[sflag:s24] =	ssyncadd.s32 $0xFFFFE0C0  }
0xea: {  	[tilespmem:s23], [sflag:$0x3] =	stream.indirect.gather [hbm4b:s4+s18], $0x40, s8, s18, $0xb8;
	[tilespmem:$0x1FC40] =	vst v63  }
0xeb: {  	_ =	swait.ge [sflag:s26], $0x1F40  }
0xec: {  	[sflag:s26] =	ssyncset.done $0x0  }
0xed: {  	s9 =	simm.s32 $0x400;
	[sflag:s26] =	ssyncadd.s32 $0xFFFFE0C0  }
0xee: {  	[tilespmem:s25], [sflag:$0x4] =	stream.indirect.gather [hbm4b:s4+s18], $0x40, s9, s18, $0xb8;
	[tilespmem:$0x1FC40] =	vst v63  }
0xef: {  	_ =	swait.ge [sflag:s2], $0x1F40  }
0xf0: {  	[sflag:s2] =	ssyncset.done $0x0  }
0xf1: {  	s7 =	simm.s32 $0xA00;
	s8 =	simm.s32 $0x480;
	[sflag:s2] =	ssyncadd.s32 $0xFFFFE0C0  }
.LBB2_5:
0xf2: {  	[tilespmem:s28], [sflag:$0x5] =	stream.indirect.gather [hbm4b:s4+s18], $0x40, s8, s18, $0xb8;
	[tilespmem:$0x1FC40] =	vst v63  }
0xf3: {  	s8 =	smov.u32 s7  }
0xf4: {  	p1 =	seq.s32 s7, $0x12C00;
	s7 =	sadd.s32 $0xA00, s7;
	_ =	swait.ge [sflag:s29], $0x1F40  }
0xf5: {  	s8 =	sshra.s32 s8, $0x2;
	[sflag:s29] =	ssyncset.done $0x0  }
0xf6: {  	s9 =	sadd.s32 $0x5000, s8;
	[sflag:s29] =	ssyncadd.s32 $0xFFFFE0C0  }
0xf7: {  	[spmem:s1] =	stream.indirect.scatter.add.f32 [tilespmem:s19], [sflag:$0x6], $0x40, s9, s18, $0xb8;
	[tilespmem:$0x1FC40] =	vst v63  }
0xf8: {  	_ =	swait.ge [sflag:s30], $0x1F40  }
0xf9: {  	[sflag:s30] =	ssyncset.done $0x0  }
0xfa: {  	s9 =	sadd.s32 $0x5080, s8;
	[sflag:s30] =	ssyncadd.s32 $0xFFFFE0C0  }
0xfb: {  	[spmem:s1] =	stream.indirect.scatter.add.f32 [tilespmem:s21], [sflag:$0x7], $0x40, s9, s18, $0xb8;
	[tilespmem:$0x1FC40] =	vst v63  }
0xfc: {  	_ =	swait.ge [sflag:s31], $0x1F40  }
0xfd: {  	[sflag:s31] =	ssyncset.done $0x0  }
0xfe: {  	s9 =	sadd.s32 $0x5100, s8;
	[sflag:s31] =	ssyncadd.s32 $0xFFFFE0C0  }
0xff: {  	[spmem:s1] =	stream.indirect.scatter.add.f32 [tilespmem:s23], [sflag:$0x8], $0x40, s9, s18, $0xb8;
	[tilespmem:$0x1FC40] =	vst v63  }
0x100: {  	_ =	swait.ge [sflag:s0], $0x1F40  }
0x101: {  	[sflag:s0] =	ssyncset.done $0x0  }
0x102: {  	s9 =	sadd.s32 $0x5180, s8;
	[sflag:s0] =	ssyncadd.s32 $0xFFFFE0C0  }
0x103: {  	[spmem:s1] =	stream.indirect.scatter.add.f32 [tilespmem:s25], [sflag:$0x9], $0x40, s9, s18, $0xb8;
	[tilespmem:$0x1FC40] =	vst v63  }
0x104: {  	_ =	swait.ge [sflag:s16], $0x1F40  }
0x105: {  	[sflag:s16] =	ssyncset.done $0x0  }
0x106: {  	s9 =	sadd.s32 $0x5200, s8;
	[sflag:s16] =	ssyncadd.s32 $0xFFFFE0C0  }
0x107: {  	[spmem:s1] =	stream.indirect.scatter.add.f32 [tilespmem:s28], [sflag:$0xA], $0x40, s9, s18, $0xb8;
	[tilespmem:$0x1FC40] =	vst v63  }
0x108: {  	_ =	swait.ge [sflag:s20], $0x1F40  }
0x109: {  	[sflag:s20] =	ssyncset.done $0x0  }
0x10a: {  	s9 =	sadd.s32 $0x280, s8;
	[sflag:s20] =	ssyncadd.s32 $0xFFFFE0C0  }
0x10b: {  	[tilespmem:s19], [sflag:$0x1] =	stream.indirect.gather [hbm4b:s4+s18], $0x40, s9, s18, $0xb8;
	[tilespmem:$0x1FC40] =	vst v63  }
0x10c: {  	_ =	swait.ge [sflag:s22], $0x1F40  }
0x10d: {  	[sflag:s22] =	ssyncset.done $0x0  }
0x10e: {  	s9 =	sadd.s32 $0x300, s8;
	[sflag:s22] =	ssyncadd.s32 $0xFFFFE0C0  }
0x10f: {  	[tilespmem:s21], [sflag:$0x2] =	stream.indirect.gather [hbm4b:s4+s18], $0x40, s9, s18, $0xb8;
	[tilespmem:$0x1FC40] =	vst v63  }
0x110: {  	_ =	swait.ge [sflag:s24], $0x1F40  }
0x111: {  	[sflag:s24] =	ssyncset.done $0x0  }
0x112: {  	s9 =	sadd.s32 $0x380, s8;
	[sflag:s24] =	ssyncadd.s32 $0xFFFFE0C0  }
0x113: {  	[tilespmem:s23], [sflag:$0x3] =	stream.indirect.gather [hbm4b:s4+s18], $0x40, s9, s18, $0xb8;
	[tilespmem:$0x1FC40] =	vst v63  }
0x114: {  	_ =	swait.ge [sflag:s26], $0x1F40  }
0x115: {  	[sflag:s26] =	ssyncset.done $0x0  }
.Ltmp6:
0x116: {  	s9 =	sadd.s32 $0x400, s8;
	[sflag:s26] =	ssyncadd.s32 $0xFFFFE0C0;
	(pc) =	sbr.rel @!p1 .LBB2_5-.Ltmp6, $4  }
0x117: {  	[tilespmem:s25], [sflag:$0x4] =	stream.indirect.gather [hbm4b:s4+s18], $0x40, s9, s18, $0xb8;
	[tilespmem:$0x1FC40] =	vst v63  }
0x118: {  	_ =	swait.ge [sflag:s2], $0x1F40  }
0x119: {  	[sflag:s2] =	ssyncset.done $0x0  }
0x11a: {  	s8 =	sadd.s32 $0x480, s8;
	[sflag:s2] =	ssyncadd.s32 $0xFFFFE0C0  }
.Ltmp7:
0x11b: {  	_ = 	snop;
	(pc) =	sbr.rel .LBB2_6-.Ltmp7, $1  }
0x11c: {  	_ =	sdelay $0x3  }
.LBB2_11:
0x11d: {  	_ =	sfence.sel $0x180000  }
0x11e: {  	[bflag:$0x0] =	sbarrier.arrive $0xFFFF  }
0x11f: {  	_ =	strace $0x9000004A  }
0x120: {  	s0 =	stileid.u32;
	[bflag:$0x2] =	sbarrier.arrive $0xFFFF  }
0x121: {  	p0 =	sne.s32 s0, $0x0;
	s0 =	rddreg [dreg:$0x2]  }
0x122: {  	s0 =	sadd.s32 @!p0 $0x100000, s0  }
0x123: {  	[sflag:s0] =	ssyncadd.tile.s32 @!p0 $0x1;
	_ =	shalt  }
.Lfunc_end2:
_tile_overlayer_lowered:
.L_overlay_start_2:
0x124: {  	(tag) =	ssettag $0x2  }
0x125: {  	s0 =	rddreg [dreg:$0x0];
	s2 =	stileid.u32  }
0x126: {  	s1 =	rddreg [dreg:$0x1];
	p0 =	sne.s32 s2, $0x0  }
0x127: {  	s3 =	rddreg [dreg:$0x2];
	[bflag:$0x3] =	sbarrier.arrive $0xFFFF;
	s2 =	simm.s32 @!p0 $0x1C0B  }
0x128: {  	[timem:s3], [sflag:s2] =	dma.local @!p0 [hbm:s0], s1  }
0x129: {  	s0 =	simm.s32 @!p0 $0xB  }
0x12a: {  	_ =	swait.ge @!p0 [sflag:s0], s1  }
0x12b: {  	s1 =	ssub.s32 @!p0 $0x0, s1;
	[sflag:s0] =	ssyncset.done @!p0 $0x0  }
0x12c: {  	[sflag:s0] =	ssyncadd.s32 @!p0 s1  }
0x12d: {  	[bflag:$0x3] =	sbarrier.arrive $0xFFFF  }
0x12e: {  	_ =	shalt  }

// kernel: kernel.16.cloned.1.call-start
scs
__scs_entry_jumppad:
0x0: {  	(pc) =	sbr.rel $0x88, $3  }
0x1: {  	(tag) =	ssettag $0x0;
	lr =	simm.s32 $0x1  }
0x2: {  	[smem:$0x3F8E] =	sst lr;
	_ =	strace $0xD0000000  }
0x3: {  	_ = 	snop  }
0x4: {  	_ = 	snop  }
0x5: {  	_ = 	snop  }
0x6: {  	_ = 	snop  }
0x7: {  	_ = 	snop  }
__scs_overlays_trampoline_lowered:
0x8: {  	[smem:$0x3F9D] =	sst s0  }
0x9: {  	[smem:$0x3F9E] =	sst s1  }
0xa: {  	[smem:$0x3F9F] =	sst s2  }
0xb: {  	[smem:$0x3FA0] =	sst s3  }
0xc: {  	[smem:$0x3FA1] =	sst s4  }
0xd: {  	[smem:$0x3FA2] =	sst s5  }
0xe: {  	[smem:$0x3FA3] =	sst s6  }
0xf: {  	[smem:$0x3FA4] =	sst s7  }
0x10: {  	[smem:$0x3FA5] =	sst s8  }
0x11: {  	[smem:$0x3FA6] =	sst s9;
	s0 =	simm.s32 @!p0 $0x0  }
0x12: {  	s1 =	sld [smem:$0x3F8C];
	s0 =	simm.s32 @p0 $0x1  }
0x13: {  	[smem:$0x3FA7] =	sst s0;
	s0 =	simm.s32 @!p1 $0x0  }
0x14: {  	s2 =	sld [smem:$0x3F8B];
	s0 =	simm.s32 @p1 $0x1  }
0x15: {  	[smem:$0x3FA8] =	sst s0;
	s0 =	simm.s32 @!p2 $0x0  }
0x16: {  	s3 =	sld [smem:$0x3FDB];
	s0 =	simm.s32 @p2 $0x1  }
0x17: {  	s4 =	simm.s32 $0x1BF5;
	[smem:$0x3FAA] =	sst s0  }
0x18: {  	s0 =	sld [smem:$0x3F8D];
	_ =	swait.ge [sflag:s4], $0x0  }
0x19: {  	s7 =	sld [smem:$0x3F8E]  }
0x1a: {  	s8 =	sadd.s32 $0xFFFFE003, lr  }
0x1b: {  	s9 =	sadd.s32 $0xFFFFFEF7, lr;
	s5 =	simm.s32 $0xFFFFFFFF;
	p2 =	slt.u32 s8, $0xFFFFF086  }
0x1c: {  	p1 =	slt.u32 s9, $0xF7A;
	s5 =	simm.s32 @!p2 $0x0  }
0x1d: {  	s5 =	simm.s32 @p1 $0x1;
	p0 =	seq.s32 s7, s2  }
0x1e: {  	s7 =	smul.u32 @!p0 $0xF7A, s2;
	p2 =	seq.s32 @!p0 s5, $0x0  }
0x1f: {  	s9 =	smul.u32 $0xF7A, s1;
	s8 =	simm.s32 @!p0 $0x1BF5;
	p2 =	por !p2, p0  }
0x20: {  	[sflag:s8] =	ssyncset.s32 @!p0 $0xFFFFF086;
	s6 =	sadd.s32 @!p0 s3, s7;
	s7 =	simm.s32 @!p0 $0x108  }
0x21: {  	s3 =	sadd.s32 s3, s9;
	s6 =	sadd.s32 @!p0 $0x88, s6;
	s7 =	simm.s32 @p2 $0x1082  }
0x22: {  	[simem:s7], [sflag:s8] =	dma.local @!p0 [hbm:s6], $0xF7A  }
0x23: {  	s9 =	sor.u32 $0xD0000000, s2;
	s6 =	simm.s32 $0x108;
	_ =	swait.ge @!p0 [sflag:s8], $0x0  }
0x24: {  	s3 =	sadd.s32 $0x88, s3;
	s6 =	simm.s32 @!p1 $0x1082;
	[sflag:s4] =	ssyncset.s32 $0xFFFFF086  }
0x25: {  	[simem:s6], [sflag:s4] =	dma.local [hbm:s3], $0xF7A  }
0x26: {  	[smem:$0x3F8E] =	sst s1;
	(tag) =	ssettag s2;
	_ =	strace s9  }
0x27: {  	s1 =	sld [smem:$0x3F9E]  }
0x28: {  	s2 =	sld [smem:$0x3F9F]  }
0x29: {  	s4 =	sld [smem:$0x3FA1]  }
0x2a: {  	p0 =	seq.s32 s5, $0x0;
	s5 =	sld [smem:$0x3FA2]  }
0x2b: {  	s6 =	sld [smem:$0x3FA3]  }
0x2c: {  	s7 =	sld [smem:$0x3FA4]  }
0x2d: {  	s3 =	simm.s32 $0x108;
	s8 =	sld [smem:$0x3FA5]  }
0x2e: {  	s3 =	simm.s32 @!p0 $0x1082;
	s9 =	sld [smem:$0x3FA6]  }
0x2f: {  	lr =	sadd.s32 s0, s3;
	s0 =	sld [smem:$0x3F9D]  }
0x30: {  	s3 =	sld [smem:$0x3FA0]  }
0x31: {  	[smem:$0x3FA9] =	sst s10  }
0x32: {  	s10 =	sld [smem:$0x3FA7];
	_ =	sdelay $0x3  }
0x33: {  	p0 =	seq.s32 s10, $0x1;
	s10 =	sld [smem:$0x3FA9];
	_ =	sdelay $0x3  }
0x34: {  	[smem:$0x3FA9] =	sst s10  }
0x35: {  	s10 =	sld [smem:$0x3FA8];
	_ =	sdelay $0x3  }
0x36: {  	p1 =	seq.s32 s10, $0x1;
	s10 =	sld [smem:$0x3FA9];
	_ =	sdelay $0x3  }
0x37: {  	[smem:$0x3FA9] =	sst s10  }
0x38: {  	s10 =	sld [smem:$0x3FAA]  }
0x39: {  	_ = 	snop;
	(pc) =	sbr.ind lr, $3  }
0x3a: {  	_ = 	snop  }
0x3b: {  	_ = 	snop  }
0x3c: {  	p2 =	seq.s32 s10, $0x1;
	s10 =	sld [smem:$0x3FA9]  }
0x3d: {  	_ =	shalt  }
0x3e: {  	_ =	shalt  }
0x3f: {  	_ =	shalt  }
0x40: {  	_ =	shalt  }
0x41: {  	_ =	shalt  }
0x42: {  	_ =	shalt  }
0x43: {  	_ =	shalt  }
0x44: {  	_ =	shalt  }
0x45: {  	_ =	shalt  }
0x46: {  	_ =	shalt  }
0x47: {  	_ =	shalt  }
0x48: {  	_ =	shalt  }
0x49: {  	_ =	shalt  }
0x4a: {  	_ =	shalt  }
0x4b: {  	_ =	shalt  }
0x4c: {  	_ =	shalt  }
0x4d: {  	_ =	shalt  }
0x4e: {  	_ =	shalt  }
0x4f: {  	_ =	shalt  }
0x50: {  	_ =	shalt  }
0x51: {  	_ =	shalt  }
0x52: {  	_ =	shalt  }
0x53: {  	_ =	shalt  }
0x54: {  	_ =	shalt  }
0x55: {  	_ =	shalt  }
0x56: {  	_ =	shalt  }
0x57: {  	_ =	shalt  }
0x58: {  	_ =	shalt  }
0x59: {  	_ =	shalt  }
0x5a: {  	_ =	shalt  }
0x5b: {  	_ =	shalt  }
0x5c: {  	_ =	shalt  }
0x5d: {  	_ =	shalt  }
0x5e: {  	_ =	shalt  }
0x5f: {  	_ =	shalt  }
0x60: {  	_ =	shalt  }
0x61: {  	_ =	shalt  }
0x62: {  	_ =	shalt  }
0x63: {  	_ =	shalt  }
0x64: {  	_ =	shalt  }
0x65: {  	_ =	shalt  }
0x66: {  	_ =	shalt  }
0x67: {  	_ =	shalt  }
0x68: {  	_ =	shalt  }
0x69: {  	_ =	shalt  }
0x6a: {  	_ =	shalt  }
0x6b: {  	_ =	shalt  }
0x6c: {  	_ =	shalt  }
0x6d: {  	_ =	shalt  }
0x6e: {  	_ =	shalt  }
0x6f: {  	_ =	shalt  }
0x70: {  	_ =	shalt  }
0x71: {  	_ =	shalt  }
0x72: {  	_ =	shalt  }
0x73: {  	_ =	shalt  }
0x74: {  	_ =	shalt  }
0x75: {  	_ =	shalt  }
0x76: {  	_ =	shalt  }
0x77: {  	_ =	shalt  }
0x78: {  	_ =	shalt  }
0x79: {  	_ =	shalt  }
0x7a: {  	_ =	shalt  }
0x7b: {  	_ =	shalt  }
0x7c: {  	_ =	shalt  }
0x7d: {  	_ =	shalt  }
0x7e: {  	_ =	shalt  }
0x7f: {  	_ =	shalt  }
0x80: {  	_ =	shalt  }
0x81: {  	_ =	shalt  }
0x82: {  	_ =	shalt  }
0x83: {  	_ =	shalt  }
0x84: {  	_ =	shalt  }
0x85: {  	_ =	shalt  }
0x86: {  	_ =	shalt  }
0x87: {  	_ =	shalt  }
.Lfunc_end0:
.L_simem_size_0:
called_computation.2_lowered:
.L_overlay_start_0:
0x88: {  	s2 =	sld [smem:$0x3FD9]  }
0x89: {  	s3 =	sld [smem:$0x3FFE];
	_ =	sdelay $0x1  }
0x8a: {  	s1 =	srdreg.scid  }
0x8b: {  	s0 =	sand.u32 $0x1, s1  }
0x8c: {  	s17 =	sshll.u32 s0, $0xA;
	s2 =	sadd.s32 s3, s2  }
0x8d: {  	s2 =	sadd.s32 s2, s17  }
0x8e: {  	[smem:$0x3FB5] =	sst s2  }
0x8f: {  	_ = 	snop  }
0x90: {  	s2 =	sld [smem:$0x3FD0];
	(tm) =	ssettm $0x1  }
0x91: {  	s18 =	sld [smem:$0x3FFB];
	_ =	sdelay $0x3  }
0x92: {  	_ =	strace s18  }
0x93: {  	s3 =	sld [smem:$0x3FFC];
	_ =	sdelay $0x3  }
0x94: {  	_ =	strace s3  }
0x95: {  	s3 =	sld [smem:$0x3FFD];
	_ =	sdelay $0x3  }
0x96: {  	_ =	strace s3  }
0x97: {  	_ =	strace $0x8FFFFFFF  }
0x98: {  	s19 =	sld [smem:$0x3FDB];
	_ =	sdelay $0x1  }
0x99: {  	s4 =	simm.s32 $_scs_section_size  }
0x9a: {  	s5 =	simm.s32 $_size__tile_overlayer_lowered;
	s6 =	simm.s32 $_tile_overlayer_lowered  }
0x9b: {  	s22 =	simm.s32 $0x1BFF;
	s21 =	sshll.u32 s6, $0x1;
	s3 =	sadd.s32 s4, s19  }
0x9c: {  	s7 =	simm.s32 $0x0;
	s20 =	sshll.u32 s5, $0x1;
	s5 =	sadd.s32 s21, s3  }
0x9d: {  	[timem:s7], [sflag:s22] =	dma.local [hbm:s5], s20  }
0x9e: {  	_ =	swait.ge [sflag:s22], s20  }
0x9f: {  	s4 =	ssub.s32 $0x0, s20;
	[sflag:s22] =	ssyncset.done $0x0  }
0xa0: {  	[sflag:s22] =	ssyncadd.s32 s4;
	_ =	sdelay $0x1  }
0xa1: {  	s23 =	simm.s32 $0x1B8B  }
0xa2: {  	_ =	swait.ge [sflag:s23], $0x1  }
0xa3: {  	[sflag:s23] =	ssyncset.done $0x0  }
0xa4: {  	s25 =	simm.s32 $0x1B8E;
	s24 =	sld [smem:$0x3FFE];
	[sflag:s23] =	ssyncadd.s32 $0xFFFFFFFF  }
0xa5: {  	s26 =	simm.s32 $execute0_lowered;
	[smem:$0x3FD2] =	sst s25  }
0xa6: {  	s5 =	sshll.u32 s26, $0x1;
	_ =	strace $0x8000004C;
	[dreg:$0x1] =	wrdreg $0xFFFFFFFF  }
0xa7: {  	s28 =	simm.s32 $_size_execute0_lowered;
	s3 =	sadd.s32 s3, s5;
	[dreg:$0x0] =	wrdreg $0x0  }
0xa8: {  	s5 =	sshll.u32 s28, $0x1;
	[dreg:$0x2] =	wrdreg s3  }
0xa9: {  	[dreg:$0x3] =	wrdreg s5  }
0xaa: {  	[dreg:$0x4] =	wrdreg $0xC0  }
0xab: {  	_ =	task [dreg:s7], $0x5FFFF  }
0xac: {  	[dreg:$0x1] =	wrdreg $0xFFFFFFFF  }
0xad: {  	[dreg:$0x0] =	wrdreg $0x60  }
0xae: {  	[dreg:$0x2] =	wrdreg s2  }
0xaf: {  	[dreg:$0x3] =	wrdreg s24  }
0xb0: {  	[dreg:$0x4] =	wrdreg $0x15C400  }
0xb1: {  	[dreg:$0x5] =	wrdreg $0x9  }
0xb2: {  	_ =	task.clear_ibuf [dreg:s7], $0x6FFFF;
	_ =	strace $0x9000004C  }
0xb3: {  	s29 =	simm.s32 $0x9;
	_ =	strace $0x8000004E  }
0xb4: {  	_ =	swait.ge [sflag:s29], $0x1  }
0xb5: {  	[sflag:s29] =	ssyncadd.s32 $0xFFFFFFFF  }
0xb6: {  	_ =	strace $0x9000004E  }
0xb7: {  	_ =	sfence  }
0xb8: {  	s30 =	sld [smem:$0x0];
	_ =	sdelay $0x2  }
0xb9: {  	s31 =	sshll.u32 s1, $0xD;
	s1 =	sshrl.u32 s1, $0x2  }
0xba: {  	s3 =	sand.u32 $0x4000, s31;
	s1 =	sadd.s32 s1, s30  }
0xbb: {  	s0 =	sor.u32 s3, s0;
	s1 =	sshll.u32 s1, $0x11  }
0xbc: {  	s0 =	sor.u32 s1, s0  }
0xbd: {  	s0 =	sadd.s32 $0x8F2B, s0  }
0xbe: {  	[sflag:s0] =	ssyncadd.remote.s32 $0x1  }
0xbf: {  	_ =	sfence.sel $0xFFFF  }
0xc0: {  	[dreg:$0x0] =	wrdreg $0xFFFFFFFF;
	(pc) =	sbr.abs _section_cstart, $3  }
0xc1: {  	[dreg:$0x1] =	wrdreg $0xFFFFFFFF  }
0xc2: {  	_ =	task.clear_ibuf [dreg:s7], $0x2FFFF;
	_ =	strace $0x9FFFFFFF  }
0xc3: {  	(tm) =	ssettm $0x7FFFFFFF  }
tec
execute0_lowered:
.L_overlay_start_1:
0x0: {  	(tag) =	ssettag $0x1  }
0x1: {  	s1 =	rddreg [dreg:$0x0]  }
0x2: {  	s0 =	rddreg [dreg:$0x1]  }
0x3: {  	s2 =	rddreg [dreg:$0x2]  }
0x4: {  	s3 =	srdreg.scid;
	s5 =	simm.s32 $0x0;
	s8 =	stileid.u32  }
0x5: {  	s15 =	simm.s32 $0xB;
	s17 =	simm.s32 $0x13C40;
	s18 =	simm.s32 $0x7D  }
0x6: {  	s19 =	simm.s32 $0xA000;
	s21 =	simm.s32 $0xBF40;
	s28 =	simm.s32 $0x11D00  }
0x7: {  	s29 =	simm.s32 $0x1;
	s30 =	simm.s32 $0x2;
	s6 =	smul.u32 $0x14000, s8  }
0x8: {  	s31 =	simm.s32 $0x3;
	s16 =	simm.s32 $0x5;
	s7 =	smul.u32 $0xA00, s8  }
0x9: {  	s20 =	simm.s32 $0x6;
	s3 =	sand.u32 $0x1, s3;
	s8 =	smul.u32 $0x28000, s8  }
0xa: {  	[smem:$0x7FF] =	sst s5;
	s5 =	sadd.s32 $0x67800, s0;
	s4 =	smul.u32 $0x140000, s3  }
0xb: {  	_ =	strace $0x8000004D;
	s22 =	sshll.u32 s3, $0x6;
	s23 =	ssub.s32 $0x2, s3  }
0xc: {  	p0 =	seq.s32 s3, $0x1;
	s3 =	simm.s32 $0xA;
	s7 =	sadd.s32 s7, s0  }
0xd: {  	s9 =	sshrl.u32 s23, $0x1;
	s8 =	sshrl.u32 s8, $0x2;
	s4 =	sadd.s32 s6, s4  }
0xe: {  	s24 =	ssub.s32 s23, s9;
	s6 =	sadd.s32 s8, s2;
	s25 =	sadd.s32 $0xD800, s7  }
0xf: {  	s7 =	sadd.s32 $0x3800, s7;
	s23 =	simm.s32 $0xDE80;
	[dreg:$0x4] =	wrdreg s25  }
0x10: {  	s4 =	sor.u32 s22, s4;
	[dreg:$0x5] =	wrdreg s7;
	s26 =	sadd.s32 $0x2000, s6  }
.Ltmp0:
0x11: {  	s10 =	sadd.s32 $0x4000, s6;
	s11 =	sadd.s32 $0x6000, s6;
	(pc) =	sbr.rel .LBB2_1-.Ltmp0, $4  }
0x12: {  	s12 =	sadd.s32 $0x8000, s6;
	s14 =	smax.u32 s24, $0x1;
	s25 =	simm.s32 $0xFDC0  }
0x13: {  	s22 =	simm.s32 $0x7;
	s24 =	simm.s32 $0x8;
	s4 =	sshrl.u32 s4, $0x3  }
0x14: {  	[dreg:$0x6] =	wrdreg s26;
	s26 =	simm.s32 $0x9;
	s0 =	sadd.s32 s4, s0  }
0x15: {  	v0 =	vimm.f32 $0.0e+00;
	s4 =	simm.s32 $0x0;
	s13 =	sadd.s32 $0x7B200, s0;
	s0 =	simm.s32 $0x4  }
.LBB2_6:
0x16: {  	[tilespmem:s28], [sflag:$0x5] =	stream.indirect.gather [hbm4b:s1+s18], $0x40, s8, s18, $0xb8;
	[tilespmem:$0x1FC40] =	vst v63  }
.LBB2_10:
0x17: {  	_ =	swait.ge [sflag:s29], $0x1F40  }
0x18: {  	[sflag:s29] =	ssyncset.done $0x0  }
0x19: {  	s7 =	simm.s32 $0x9D80;
	[sflag:s29] =	ssyncadd.s32 $0xFFFFE0C0  }
0x1a: {  	[spmem:s2] =	stream.indirect.scatter.add.f32 [tilespmem:s19], [sflag:$0x6], $0x40, s7, s18, $0xb8;
	[tilespmem:$0x1FC40] =	vst v63  }
0x1b: {  	_ =	swait.ge [sflag:s30], $0x1F40  }
0x1c: {  	[sflag:s30] =	ssyncset.done $0x0  }
0x1d: {  	s9 =	simm.s32 $0x9E00;
	[sflag:s30] =	ssyncadd.s32 $0xFFFFE0C0  }
0x1e: {  	[spmem:s2] =	stream.indirect.scatter.add.f32 [tilespmem:s21], [sflag:$0x7], $0x40, s9, s18, $0xb8;
	[tilespmem:$0x1FC40] =	vst v63  }
0x1f: {  	_ =	swait.ge [sflag:s31], $0x1F40  }
0x20: {  	[sflag:s31] =	ssyncset.done $0x0  }
0x21: {  	s8 =	simm.s32 $0x9E80;
	[sflag:s31] =	ssyncadd.s32 $0xFFFFE0C0  }
0x22: {  	[spmem:s2] =	stream.indirect.scatter.add.f32 [tilespmem:s23], [sflag:$0x8], $0x40, s8, s18, $0xb8;
	[tilespmem:$0x1FC40] =	vst v63  }
0x23: {  	_ =	swait.ge [sflag:s0], $0x1F40  }
0x24: {  	[sflag:s0] =	ssyncset.done $0x0  }
0x25: {  	s9 =	simm.s32 $0x9F00;
	[sflag:s0] =	ssyncadd.s32 $0xFFFFE0C0  }
0x26: {  	[spmem:s2] =	stream.indirect.scatter.add.f32 [tilespmem:s25], [sflag:$0x9], $0x40, s9, s18, $0xb8;
	[tilespmem:$0x1FC40] =	vst v63  }
0x27: {  	_ =	swait.ge [sflag:s16], $0x1F40  }
0x28: {  	[sflag:s16] =	ssyncset.done $0x0  }
0x29: {  	s8 =	simm.s32 $0x9F80;
	[sflag:s16] =	ssyncadd.s32 $0xFFFFE0C0  }
0x2a: {  	[spmem:s2] =	stream.indirect.scatter.add.f32 [tilespmem:s28], [sflag:$0xA], $0x40, s8, s18, $0xb8;
	[tilespmem:$0x1FC40] =	vst v63  }
0x2b: {  	_ =	swait.ge [sflag:s20], $0x1F40  }
0x2c: {  	[sflag:s20] =	ssyncset.done $0x0  }
0x2d: {  	[sflag:s20] =	ssyncadd.s32 $0xFFFFE0C0  }
0x2e: {  	_ =	swait.ge [sflag:s22], $0x1F40  }
0x2f: {  	[sflag:s22] =	ssyncset.done $0x0  }
0x30: {  	[sflag:s22] =	ssyncadd.s32 $0xFFFFE0C0  }
0x31: {  	_ =	swait.ge [sflag:s24], $0x1F40  }
0x32: {  	[sflag:s24] =	ssyncset.done $0x0  }
0x33: {  	[sflag:s24] =	ssyncadd.s32 $0xFFFFE0C0  }
0x34: {  	_ =	swait.ge [sflag:s26], $0x1F40  }
0x35: {  	[sflag:s26] =	ssyncset.done $0x0  }
0x36: {  	[sflag:s26] =	ssyncadd.s32 $0xFFFFE0C0  }
0x37: {  	s4 =	sadd.s32 $0x1, s4;
	s9 =	stileid.u32;
	_ =	swait.ge [sflag:s3], $0x1F40  }
0x38: {  	p1 =	sne.s32 s4, s14;
	s7 =	sshll.u32 s9, $0x6;
	[sflag:s3] =	ssyncset.done $0x0  }
0x39: {  	s9 =	simm.s32 $0x10;
	s7 =	sor.u32 $0x1C0B, s7;
	[sflag:s3] =	ssyncadd.s32 $0xFFFFE0C0  }
.Ltmp1:
0x3a: {  	s8 =	sshrl.u32 s6, $0x3;
	[bflag:$0x0] =	sbarrier.arrive $0xFFFF;
	(pc) =	sbr.rel @!p1 .LBB2_11-.Ltmp1, $4  }
0x3b: {  	[hbm:s13@s9], [sflag:s7] =	dma.strided [spmem:s8@s24], $0x1400, s29, $0x8   }
0x3c: {  	_ =	swait.ge [sflag:s15], $0x1400  }
0x3d: {  	[sflag:s15] =	ssyncset.done $0x0  }
0x3e: {  	[sflag:s15] =	ssyncadd.s32 $0xFFFFEC00  }
.LBB2_1:
0x3f: {  	s8 =	simm.s32 $0x100;
	s7 =	simm.s32 $0x0  }
.LBB2_2:
0x40: {  	p1 =	sne.s32 s8, $0x7F00;
	[tilespmem:s7+$0x13C70] =	vst v0;
	s9 =	smov.u32 s8;
	s8 =	sadd.s32 $0x100, s8  }
.Ltmp2:
0x41: {  	[tilespmem:s7+$0x13C60] =	vst v0;
	(pc) =	sbr.rel @p1 .LBB2_2-.Ltmp2, $3  }
0x42: {  	[tilespmem:s7+$0x13C40] =	vst v0  }
0x43: {  	[tilespmem:s7+$0x13C50] =	vst v0;
	_ =	sdelay $0x1  }
0x44: {  	s7 =	sshra.s32 s9, $0x2  }
0x45: {  	[tilespmem:s7+$0x13C70] =	vst v0  }
0x46: {  	[tilespmem:s7+$0x13C60] =	vst v0  }
0x47: {  	[tilespmem:s7+$0x13C40] =	vst v0  }
0x48: {  	[tilespmem:s7+$0x13C50] =	vst v0;
	s7 =	simm.s32 $0x0;
	s8 =	rddreg [dreg:$0x4]  }
0x49: {  	[tilespmem:s7], [sflag:$0xB] =	stream.linear.gather [hbm4b:s8+s7], $0x5000, $0x38;
	[tilespmem:$0x1FC40] =	vst v63  }
0x4a: {  	_ =	swait.ge [sflag:s15], $0x5000  }
0x4b: {  	[sflag:s15] =	ssyncset.done $0x0  }
0x4c: {  	s9 =	simm.s32 $0x5000;
	s8 =	rddreg [dreg:$0x5];
	[sflag:s15] =	ssyncadd.s32 $0xFFFFB000  }
0x4d: {  	[tilespmem:s9], [sflag:$0xB] =	stream.linear.gather [hbm4b:s8+s7], $0x5000, $0x38;
	[tilespmem:$0x1FC40] =	vst v63  }
0x4e: {  	_ =	swait.ge [sflag:s15], $0x5000  }
0x4f: {  	[sflag:s15] =	ssyncset.done $0x0  }
0x50: {  	[sflag:s15] =	ssyncadd.s32 $0xFFFFB000  }
0x51: {  	[spmem:s6] =	stream.linear.scatter [tilespmem:s17], [sflag:$0xB], $0x2000, $0x38;
	[tilespmem:$0x1FC40] =	vst v63  }
0x52: {  	_ =	swait.ge [sflag:s15], $0x2000  }
0x53: {  	[sflag:s15] =	ssyncset.done $0x0  }
0x54: {  	s9 =	rddreg [dreg:$0x6];
	[sflag:s15] =	ssyncadd.s32 $0xFFFFE000  }
0x55: {  	[spmem:s9] =	stream.linear.scatter [tilespmem:s17], [sflag:$0xB], $0x2000, $0x38;
	[tilespmem:$0x1FC40] =	vst v63  }
0x56: {  	_ =	swait.ge [sflag:s15], $0x2000  }
0x57: {  	[sflag:s15] =	ssyncset.done $0x0  }
0x58: {  	[sflag:s15] =	ssyncadd.s32 $0xFFFFE000  }
0x59: {  	[spmem:s10] =	stream.linear.scatter [tilespmem:s17], [sflag:$0xB], $0x2000, $0x38;
	[tilespmem:$0x1FC40] =	vst v63  }
0x5a: {  	_ =	swait.ge [sflag:s15], $0x2000  }
0x5b: {  	[sflag:s15] =	ssyncset.done $0x0  }
0x5c: {  	[sflag:s15] =	ssyncadd.s32 $0xFFFFE000  }
0x5d: {  	[spmem:s11] =	stream.linear.scatter [tilespmem:s17], [sflag:$0xB], $0x2000, $0x38;
	[tilespmem:$0x1FC40] =	vst v63  }
0x5e: {  	_ =	swait.ge [sflag:s15], $0x2000  }
0x5f: {  	[sflag:s15] =	ssyncset.done $0x0  }
0x60: {  	[sflag:s15] =	ssyncadd.s32 $0xFFFFE000  }
0x61: {  	[spmem:s12] =	stream.linear.scatter [tilespmem:s17], [sflag:$0xB], $0x2000, $0x38;
	[tilespmem:$0x1FC40] =	vst v63  }
.Ltmp3:
0x62: {  	_ =	swait.ge [sflag:s15], $0x2000;
	(pc) =	sbr.rel @!p0 .LBB2_4-.Ltmp3, $4  }
0x63: {  	[sflag:s15] =	ssyncset.done $0x0  }
0x64: {  	[sflag:s15] =	ssyncadd.s32 $0xFFFFE000  }
0x65: {  	[bflag:$0x0] =	sbarrier.arrive $0xFFFF  }
0x66: {  	s7 =	simm.s32 $0x0  }
0x67: {  	[tilespmem:s19], [sflag:$0x1] =	stream.indirect.gather [hbm4b:s5+s18], $0x40, s7, s18, $0xb8;
	[tilespmem:$0x1FC40] =	vst v63  }
0x68: {  	s9 =	simm.s32 $0x80  }
0x69: {  	[tilespmem:s21], [sflag:$0x2] =	stream.indirect.gather [hbm4b:s5+s18], $0x40, s9, s18, $0xb8;
	[tilespmem:$0x1FC40] =	vst v63  }
0x6a: {  	s8 =	simm.s32 $0x100  }
0x6b: {  	[tilespmem:s23], [sflag:$0x3] =	stream.indirect.gather [hbm4b:s5+s18], $0x40, s8, s18, $0xb8;
	[tilespmem:$0x1FC40] =	vst v63  }
0x6c: {  	s9 =	simm.s32 $0x180  }
0x6d: {  	[tilespmem:s25], [sflag:$0x4] =	stream.indirect.gather [hbm4b:s5+s18], $0x40, s9, s18, $0xb8;
	[tilespmem:$0x1FC40] =	vst v63  }
0x6e: {  	s8 =	simm.s32 $0x200  }
0x6f: {  	[tilespmem:s28], [sflag:$0x5] =	stream.indirect.gather [hbm4b:s5+s18], $0x40, s8, s18, $0xb8;
	[tilespmem:$0x1FC40] =	vst v63  }
0x70: {  	_ =	swait.ge [sflag:s29], $0x1F40  }
0x71: {  	[sflag:s29] =	ssyncset.done $0x0  }
0x72: {  	s9 =	simm.s32 $0x5000;
	[sflag:s29] =	ssyncadd.s32 $0xFFFFE0C0  }
0x73: {  	[spmem:s2] =	stream.indirect.scatter.add.f32 [tilespmem:s19], [sflag:$0x6], $0x40, s9, s18, $0xb8;
	[tilespmem:$0x1FC40] =	vst v63  }
0x74: {  	_ =	swait.ge [sflag:s30], $0x1F40  }
0x75: {  	[sflag:s30] =	ssyncset.done $0x0  }
0x76: {  	s8 =	simm.s32 $0x5080;
	[sflag:s30] =	ssyncadd.s32 $0xFFFFE0C0  }
0x77: {  	[spmem:s2] =	stream.indirect.scatter.add.f32 [tilespmem:s21], [sflag:$0x7], $0x40, s8, s18, $0xb8;
	[tilespmem:$0x1FC40] =	vst v63  }
0x78: {  	_ =	swait.ge [sflag:s31], $0x1F40  }
0x79: {  	[sflag:s31] =	ssyncset.done $0x0  }
0x7a: {  	s9 =	simm.s32 $0x5100;
	[sflag:s31] =	ssyncadd.s32 $0xFFFFE0C0  }
0x7b: {  	[spmem:s2] =	stream.indirect.scatter.add.f32 [tilespmem:s23], [sflag:$0x8], $0x40, s9, s18, $0xb8;
	[tilespmem:$0x1FC40] =	vst v63  }
0x7c: {  	_ =	swait.ge [sflag:s0], $0x1F40  }
0x7d: {  	[sflag:s0] =	ssyncset.done $0x0  }
0x7e: {  	s8 =	simm.s32 $0x5180;
	[sflag:s0] =	ssyncadd.s32 $0xFFFFE0C0  }
0x7f: {  	[spmem:s2] =	stream.indirect.scatter.add.f32 [tilespmem:s25], [sflag:$0x9], $0x40, s8, s18, $0xb8;
	[tilespmem:$0x1FC40] =	vst v63  }
0x80: {  	_ =	swait.ge [sflag:s16], $0x1F40  }
0x81: {  	[sflag:s16] =	ssyncset.done $0x0  }
0x82: {  	s9 =	simm.s32 $0x5200;
	[sflag:s16] =	ssyncadd.s32 $0xFFFFE0C0  }
0x83: {  	[spmem:s2] =	stream.indirect.scatter.add.f32 [tilespmem:s28], [sflag:$0xA], $0x40, s9, s18, $0xb8;
	[tilespmem:$0x1FC40] =	vst v63  }
0x84: {  	_ =	swait.ge [sflag:s20], $0x1F40  }
0x85: {  	[sflag:s20] =	ssyncset.done $0x0  }
0x86: {  	s8 =	simm.s32 $0x280;
	[sflag:s20] =	ssyncadd.s32 $0xFFFFE0C0  }
0x87: {  	[tilespmem:s19], [sflag:$0x1] =	stream.indirect.gather [hbm4b:s5+s18], $0x40, s8, s18, $0xb8;
	[tilespmem:$0x1FC40] =	vst v63  }
0x88: {  	_ =	swait.ge [sflag:s22], $0x1F40  }
0x89: {  	[sflag:s22] =	ssyncset.done $0x0  }
0x8a: {  	s9 =	simm.s32 $0x300;
	[sflag:s22] =	ssyncadd.s32 $0xFFFFE0C0  }
0x8b: {  	[tilespmem:s21], [sflag:$0x2] =	stream.indirect.gather [hbm4b:s5+s18], $0x40, s9, s18, $0xb8;
	[tilespmem:$0x1FC40] =	vst v63  }
0x8c: {  	_ =	swait.ge [sflag:s24], $0x1F40  }
0x8d: {  	[sflag:s24] =	ssyncset.done $0x0  }
0x8e: {  	s8 =	simm.s32 $0x380;
	[sflag:s24] =	ssyncadd.s32 $0xFFFFE0C0  }
0x8f: {  	[tilespmem:s23], [sflag:$0x3] =	stream.indirect.gather [hbm4b:s5+s18], $0x40, s8, s18, $0xb8;
	[tilespmem:$0x1FC40] =	vst v63  }
0x90: {  	_ =	swait.ge [sflag:s26], $0x1F40  }
0x91: {  	[sflag:s26] =	ssyncset.done $0x0  }
0x92: {  	s9 =	simm.s32 $0x400;
	[sflag:s26] =	ssyncadd.s32 $0xFFFFE0C0  }
0x93: {  	[tilespmem:s25], [sflag:$0x4] =	stream.indirect.gather [hbm4b:s5+s18], $0x40, s9, s18, $0xb8;
	[tilespmem:$0x1FC40] =	vst v63  }
0x94: {  	_ =	swait.ge [sflag:s3], $0x1F40  }
0x95: {  	[sflag:s3] =	ssyncset.done $0x0  }
0x96: {  	s7 =	simm.s32 $0xA00;
	s8 =	simm.s32 $0x480;
	[sflag:s3] =	ssyncadd.s32 $0xFFFFE0C0  }
.LBB2_8:
0x97: {  	[tilespmem:s28], [sflag:$0x5] =	stream.indirect.gather [hbm4b:s5+s18], $0x40, s8, s18, $0xb8;
	[tilespmem:$0x1FC40] =	vst v63  }
0x98: {  	s8 =	smov.u32 s7  }
0x99: {  	p1 =	sne.s32 s7, $0x12C00;
	s7 =	sadd.s32 $0xA00, s7;
	_ =	swait.ge [sflag:s29], $0x1F40  }
0x9a: {  	s8 =	sshra.s32 s8, $0x2;
	[sflag:s29] =	ssyncset.done $0x0  }
0x9b: {  	s9 =	sadd.s32 $0x5000, s8;
	[sflag:s29] =	ssyncadd.s32 $0xFFFFE0C0  }
0x9c: {  	[spmem:s2] =	stream.indirect.scatter.add.f32 [tilespmem:s19], [sflag:$0x6], $0x40, s9, s18, $0xb8;
	[tilespmem:$0x1FC40] =	vst v63  }
0x9d: {  	_ =	swait.ge [sflag:s30], $0x1F40  }
0x9e: {  	[sflag:s30] =	ssyncset.done $0x0  }
0x9f: {  	s9 =	sadd.s32 $0x5080, s8;
	[sflag:s30] =	ssyncadd.s32 $0xFFFFE0C0  }
0xa0: {  	[spmem:s2] =	stream.indirect.scatter.add.f32 [tilespmem:s21], [sflag:$0x7], $0x40, s9, s18, $0xb8;
	[tilespmem:$0x1FC40] =	vst v63  }
0xa1: {  	_ =	swait.ge [sflag:s31], $0x1F40  }
0xa2: {  	[sflag:s31] =	ssyncset.done $0x0  }
0xa3: {  	s9 =	sadd.s32 $0x5100, s8;
	[sflag:s31] =	ssyncadd.s32 $0xFFFFE0C0  }
0xa4: {  	[spmem:s2] =	stream.indirect.scatter.add.f32 [tilespmem:s23], [sflag:$0x8], $0x40, s9, s18, $0xb8;
	[tilespmem:$0x1FC40] =	vst v63  }
0xa5: {  	_ =	swait.ge [sflag:s0], $0x1F40  }
0xa6: {  	[sflag:s0] =	ssyncset.done $0x0  }
0xa7: {  	s9 =	sadd.s32 $0x5180, s8;
	[sflag:s0] =	ssyncadd.s32 $0xFFFFE0C0  }
0xa8: {  	[spmem:s2] =	stream.indirect.scatter.add.f32 [tilespmem:s25], [sflag:$0x9], $0x40, s9, s18, $0xb8;
	[tilespmem:$0x1FC40] =	vst v63  }
0xa9: {  	_ =	swait.ge [sflag:s16], $0x1F40  }
0xaa: {  	[sflag:s16] =	ssyncset.done $0x0  }
0xab: {  	s9 =	sadd.s32 $0x5200, s8;
	[sflag:s16] =	ssyncadd.s32 $0xFFFFE0C0  }
0xac: {  	[spmem:s2] =	stream.indirect.scatter.add.f32 [tilespmem:s28], [sflag:$0xA], $0x40, s9, s18, $0xb8;
	[tilespmem:$0x1FC40] =	vst v63  }
0xad: {  	_ =	swait.ge [sflag:s20], $0x1F40  }
0xae: {  	[sflag:s20] =	ssyncset.done $0x0  }
0xaf: {  	s9 =	sadd.s32 $0x280, s8;
	[sflag:s20] =	ssyncadd.s32 $0xFFFFE0C0  }
0xb0: {  	[tilespmem:s19], [sflag:$0x1] =	stream.indirect.gather [hbm4b:s5+s18], $0x40, s9, s18, $0xb8;
	[tilespmem:$0x1FC40] =	vst v63  }
0xb1: {  	_ =	swait.ge [sflag:s22], $0x1F40  }
0xb2: {  	[sflag:s22] =	ssyncset.done $0x0  }
0xb3: {  	s9 =	sadd.s32 $0x300, s8;
	[sflag:s22] =	ssyncadd.s32 $0xFFFFE0C0  }
0xb4: {  	[tilespmem:s21], [sflag:$0x2] =	stream.indirect.gather [hbm4b:s5+s18], $0x40, s9, s18, $0xb8;
	[tilespmem:$0x1FC40] =	vst v63  }
0xb5: {  	_ =	swait.ge [sflag:s24], $0x1F40  }
0xb6: {  	[sflag:s24] =	ssyncset.done $0x0  }
0xb7: {  	s9 =	sadd.s32 $0x380, s8;
	[sflag:s24] =	ssyncadd.s32 $0xFFFFE0C0  }
0xb8: {  	[tilespmem:s23], [sflag:$0x3] =	stream.indirect.gather [hbm4b:s5+s18], $0x40, s9, s18, $0xb8;
	[tilespmem:$0x1FC40] =	vst v63  }
0xb9: {  	_ =	swait.ge [sflag:s26], $0x1F40  }
0xba: {  	[sflag:s26] =	ssyncset.done $0x0  }
.Ltmp4:
0xbb: {  	s9 =	sadd.s32 $0x400, s8;
	[sflag:s26] =	ssyncadd.s32 $0xFFFFE0C0;
	(pc) =	sbr.rel @p1 .LBB2_8-.Ltmp4, $4  }
0xbc: {  	[tilespmem:s25], [sflag:$0x4] =	stream.indirect.gather [hbm4b:s5+s18], $0x40, s9, s18, $0xb8;
	[tilespmem:$0x1FC40] =	vst v63  }
0xbd: {  	_ =	swait.ge [sflag:s3], $0x1F40  }
0xbe: {  	[sflag:s3] =	ssyncset.done $0x0  }
0xbf: {  	s8 =	sadd.s32 $0x480, s8;
	[sflag:s3] =	ssyncadd.s32 $0xFFFFE0C0  }
.Ltmp5:
0xc0: {  	(pc) =	sbr.rel .LBB2_10-.Ltmp5, $2  }
0xc1: {  	_ =	sdelay $0x2  }
0xc2: {  	[tilespmem:s28], [sflag:$0x5] =	stream.indirect.gather [hbm4b:s5+s18], $0x40, s8, s18, $0xb8;
	[tilespmem:$0x1FC40] =	vst v63  }
.LBB2_4:
0xc3: {  	[tilespmem:s19], [sflag:$0x1] =	stream.indirect.gather [hbm4b:s1+s18], $0x40, s7, s18, $0xb8;
	[tilespmem:$0x1FC40] =	vst v63  }
0xc4: {  	s9 =	simm.s32 $0x80  }
0xc5: {  	[tilespmem:s21], [sflag:$0x2] =	stream.indirect.gather [hbm4b:s1+s18], $0x40, s9, s18, $0xb8;
	[tilespmem:$0x1FC40] =	vst v63  }
0xc6: {  	s8 =	simm.s32 $0x100  }
0xc7: {  	[tilespmem:s23], [sflag:$0x3] =	stream.indirect.gather [hbm4b:s1+s18], $0x40, s8, s18, $0xb8;
	[tilespmem:$0x1FC40] =	vst v63  }
0xc8: {  	s9 =	simm.s32 $0x180  }
0xc9: {  	[tilespmem:s25], [sflag:$0x4] =	stream.indirect.gather [hbm4b:s1+s18], $0x40, s9, s18, $0xb8;
	[tilespmem:$0x1FC40] =	vst v63  }
0xca: {  	s8 =	simm.s32 $0x200  }
0xcb: {  	[tilespmem:s28], [sflag:$0x5] =	stream.indirect.gather [hbm4b:s1+s18], $0x40, s8, s18, $0xb8;
	[tilespmem:$0x1FC40] =	vst v63  }
0xcc: {  	_ =	swait.ge [sflag:s29], $0x1F40  }
0xcd: {  	[sflag:s29] =	ssyncset.done $0x0  }
0xce: {  	s9 =	simm.s32 $0x5000;
	[sflag:s29] =	ssyncadd.s32 $0xFFFFE0C0  }
0xcf: {  	[spmem:s2] =	stream.indirect.scatter.add.f32 [tilespmem:s19], [sflag:$0x6], $0x40, s9, s18, $0xb8;
	[tilespmem:$0x1FC40] =	vst v63  }
0xd0: {  	_ =	swait.ge [sflag:s30], $0x1F40  }
0xd1: {  	[sflag:s30] =	ssyncset.done $0x0  }
0xd2: {  	s8 =	simm.s32 $0x5080;
	[sflag:s30] =	ssyncadd.s32 $0xFFFFE0C0  }
0xd3: {  	[spmem:s2] =	stream.indirect.scatter.add.f32 [tilespmem:s21], [sflag:$0x7], $0x40, s8, s18, $0xb8;
	[tilespmem:$0x1FC40] =	vst v63  }
0xd4: {  	_ =	swait.ge [sflag:s31], $0x1F40  }
0xd5: {  	[sflag:s31] =	ssyncset.done $0x0  }
0xd6: {  	s9 =	simm.s32 $0x5100;
	[sflag:s31] =	ssyncadd.s32 $0xFFFFE0C0  }
0xd7: {  	[spmem:s2] =	stream.indirect.scatter.add.f32 [tilespmem:s23], [sflag:$0x8], $0x40, s9, s18, $0xb8;
	[tilespmem:$0x1FC40] =	vst v63  }
0xd8: {  	_ =	swait.ge [sflag:s0], $0x1F40  }
0xd9: {  	[sflag:s0] =	ssyncset.done $0x0  }
0xda: {  	s8 =	simm.s32 $0x5180;
	[sflag:s0] =	ssyncadd.s32 $0xFFFFE0C0  }
0xdb: {  	[spmem:s2] =	stream.indirect.scatter.add.f32 [tilespmem:s25], [sflag:$0x9], $0x40, s8, s18, $0xb8;
	[tilespmem:$0x1FC40] =	vst v63  }
0xdc: {  	_ =	swait.ge [sflag:s16], $0x1F40  }
0xdd: {  	[sflag:s16] =	ssyncset.done $0x0  }
0xde: {  	s9 =	simm.s32 $0x5200;
	[sflag:s16] =	ssyncadd.s32 $0xFFFFE0C0  }
0xdf: {  	[spmem:s2] =	stream.indirect.scatter.add.f32 [tilespmem:s28], [sflag:$0xA], $0x40, s9, s18, $0xb8;
	[tilespmem:$0x1FC40] =	vst v63  }
0xe0: {  	_ =	swait.ge [sflag:s20], $0x1F40  }
0xe1: {  	[sflag:s20] =	ssyncset.done $0x0  }
0xe2: {  	s8 =	simm.s32 $0x280;
	[sflag:s20] =	ssyncadd.s32 $0xFFFFE0C0  }
0xe3: {  	[tilespmem:s19], [sflag:$0x1] =	stream.indirect.gather [hbm4b:s1+s18], $0x40, s8, s18, $0xb8;
	[tilespmem:$0x1FC40] =	vst v63  }
0xe4: {  	_ =	swait.ge [sflag:s22], $0x1F40  }
0xe5: {  	[sflag:s22] =	ssyncset.done $0x0  }
0xe6: {  	s9 =	simm.s32 $0x300;
	[sflag:s22] =	ssyncadd.s32 $0xFFFFE0C0  }
0xe7: {  	[tilespmem:s21], [sflag:$0x2] =	stream.indirect.gather [hbm4b:s1+s18], $0x40, s9, s18, $0xb8;
	[tilespmem:$0x1FC40] =	vst v63  }
0xe8: {  	_ =	swait.ge [sflag:s24], $0x1F40  }
0xe9: {  	[sflag:s24] =	ssyncset.done $0x0  }
0xea: {  	s8 =	simm.s32 $0x380;
	[sflag:s24] =	ssyncadd.s32 $0xFFFFE0C0  }
0xeb: {  	[tilespmem:s23], [sflag:$0x3] =	stream.indirect.gather [hbm4b:s1+s18], $0x40, s8, s18, $0xb8;
	[tilespmem:$0x1FC40] =	vst v63  }
0xec: {  	_ =	swait.ge [sflag:s26], $0x1F40  }
0xed: {  	[sflag:s26] =	ssyncset.done $0x0  }
0xee: {  	s9 =	simm.s32 $0x400;
	[sflag:s26] =	ssyncadd.s32 $0xFFFFE0C0  }
0xef: {  	[tilespmem:s25], [sflag:$0x4] =	stream.indirect.gather [hbm4b:s1+s18], $0x40, s9, s18, $0xb8;
	[tilespmem:$0x1FC40] =	vst v63  }
0xf0: {  	_ =	swait.ge [sflag:s3], $0x1F40  }
0xf1: {  	[sflag:s3] =	ssyncset.done $0x0  }
0xf2: {  	s7 =	simm.s32 $0xA00;
	s8 =	simm.s32 $0x480;
	[sflag:s3] =	ssyncadd.s32 $0xFFFFE0C0  }
.LBB2_5:
0xf3: {  	[tilespmem:s28], [sflag:$0x5] =	stream.indirect.gather [hbm4b:s1+s18], $0x40, s8, s18, $0xb8;
	[tilespmem:$0x1FC40] =	vst v63  }
0xf4: {  	s8 =	smov.u32 s7  }
0xf5: {  	p1 =	seq.s32 s7, $0x12C00;
	s7 =	sadd.s32 $0xA00, s7;
	_ =	swait.ge [sflag:s29], $0x1F40  }
0xf6: {  	s8 =	sshra.s32 s8, $0x2;
	[sflag:s29] =	ssyncset.done $0x0  }
0xf7: {  	s9 =	sadd.s32 $0x5000, s8;
	[sflag:s29] =	ssyncadd.s32 $0xFFFFE0C0  }
0xf8: {  	[spmem:s2] =	stream.indirect.scatter.add.f32 [tilespmem:s19], [sflag:$0x6], $0x40, s9, s18, $0xb8;
	[tilespmem:$0x1FC40] =	vst v63  }
0xf9: {  	_ =	swait.ge [sflag:s30], $0x1F40  }
0xfa: {  	[sflag:s30] =	ssyncset.done $0x0  }
0xfb: {  	s9 =	sadd.s32 $0x5080, s8;
	[sflag:s30] =	ssyncadd.s32 $0xFFFFE0C0  }
0xfc: {  	[spmem:s2] =	stream.indirect.scatter.add.f32 [tilespmem:s21], [sflag:$0x7], $0x40, s9, s18, $0xb8;
	[tilespmem:$0x1FC40] =	vst v63  }
0xfd: {  	_ =	swait.ge [sflag:s31], $0x1F40  }
0xfe: {  	[sflag:s31] =	ssyncset.done $0x0  }
0xff: {  	s9 =	sadd.s32 $0x5100, s8;
	[sflag:s31] =	ssyncadd.s32 $0xFFFFE0C0  }
0x100: {  	[spmem:s2] =	stream.indirect.scatter.add.f32 [tilespmem:s23], [sflag:$0x8], $0x40, s9, s18, $0xb8;
	[tilespmem:$0x1FC40] =	vst v63  }
0x101: {  	_ =	swait.ge [sflag:s0], $0x1F40  }
0x102: {  	[sflag:s0] =	ssyncset.done $0x0  }
0x103: {  	s9 =	sadd.s32 $0x5180, s8;
	[sflag:s0] =	ssyncadd.s32 $0xFFFFE0C0  }
0x104: {  	[spmem:s2] =	stream.indirect.scatter.add.f32 [tilespmem:s25], [sflag:$0x9], $0x40, s9, s18, $0xb8;
	[tilespmem:$0x1FC40] =	vst v63  }
0x105: {  	_ =	swait.ge [sflag:s16], $0x1F40  }
0x106: {  	[sflag:s16] =	ssyncset.done $0x0  }
0x107: {  	s9 =	sadd.s32 $0x5200, s8;
	[sflag:s16] =	ssyncadd.s32 $0xFFFFE0C0  }
0x108: {  	[spmem:s2] =	stream.indirect.scatter.add.f32 [tilespmem:s28], [sflag:$0xA], $0x40, s9, s18, $0xb8;
	[tilespmem:$0x1FC40] =	vst v63  }
0x109: {  	_ =	swait.ge [sflag:s20], $0x1F40  }
0x10a: {  	[sflag:s20] =	ssyncset.done $0x0  }
0x10b: {  	s9 =	sadd.s32 $0x280, s8;
	[sflag:s20] =	ssyncadd.s32 $0xFFFFE0C0  }
0x10c: {  	[tilespmem:s19], [sflag:$0x1] =	stream.indirect.gather [hbm4b:s1+s18], $0x40, s9, s18, $0xb8;
	[tilespmem:$0x1FC40] =	vst v63  }
0x10d: {  	_ =	swait.ge [sflag:s22], $0x1F40  }
0x10e: {  	[sflag:s22] =	ssyncset.done $0x0  }
0x10f: {  	s9 =	sadd.s32 $0x300, s8;
	[sflag:s22] =	ssyncadd.s32 $0xFFFFE0C0  }
0x110: {  	[tilespmem:s21], [sflag:$0x2] =	stream.indirect.gather [hbm4b:s1+s18], $0x40, s9, s18, $0xb8;
	[tilespmem:$0x1FC40] =	vst v63  }
0x111: {  	_ =	swait.ge [sflag:s24], $0x1F40  }
0x112: {  	[sflag:s24] =	ssyncset.done $0x0  }
0x113: {  	s9 =	sadd.s32 $0x380, s8;
	[sflag:s24] =	ssyncadd.s32 $0xFFFFE0C0  }
0x114: {  	[tilespmem:s23], [sflag:$0x3] =	stream.indirect.gather [hbm4b:s1+s18], $0x40, s9, s18, $0xb8;
	[tilespmem:$0x1FC40] =	vst v63  }
0x115: {  	_ =	swait.ge [sflag:s26], $0x1F40  }
0x116: {  	[sflag:s26] =	ssyncset.done $0x0  }
.Ltmp6:
0x117: {  	s9 =	sadd.s32 $0x400, s8;
	[sflag:s26] =	ssyncadd.s32 $0xFFFFE0C0;
	(pc) =	sbr.rel @!p1 .LBB2_5-.Ltmp6, $4  }
0x118: {  	[tilespmem:s25], [sflag:$0x4] =	stream.indirect.gather [hbm4b:s1+s18], $0x40, s9, s18, $0xb8;
	[tilespmem:$0x1FC40] =	vst v63  }
0x119: {  	_ =	swait.ge [sflag:s3], $0x1F40  }
0x11a: {  	[sflag:s3] =	ssyncset.done $0x0  }
0x11b: {  	s8 =	sadd.s32 $0x480, s8;
	[sflag:s3] =	ssyncadd.s32 $0xFFFFE0C0  }
.Ltmp7:
0x11c: {  	_ = 	snop;
	(pc) =	sbr.rel .LBB2_6-.Ltmp7, $1  }
0x11d: {  	_ =	sdelay $0x3  }
.LBB2_11:
0x11e: {  	_ =	sfence.sel $0x180000  }
0x11f: {  	[bflag:$0x0] =	sbarrier.arrive $0xFFFF  }
0x120: {  	_ =	strace $0x9000004D  }
0x121: {  	s0 =	stileid.u32;
	[bflag:$0x2] =	sbarrier.arrive $0xFFFF  }
0x122: {  	p0 =	sne.s32 s0, $0x0;
	s0 =	rddreg [dreg:$0x3]  }
0x123: {  	s0 =	sadd.s32 @!p0 $0x100000, s0  }
0x124: {  	[sflag:s0] =	ssyncadd.tile.s32 @!p0 $0x1;
	_ =	shalt  }
.Lfunc_end2:
_tile_overlayer_lowered:
.L_overlay_start_2:
0x125: {  	(tag) =	ssettag $0x2  }
0x126: {  	s0 =	rddreg [dreg:$0x0];
	s2 =	stileid.u32  }
0x127: {  	s1 =	rddreg [dreg:$0x1];
	p0 =	sne.s32 s2, $0x0  }
0x128: {  	s3 =	rddreg [dreg:$0x2];
	[bflag:$0x3] =	sbarrier.arrive $0xFFFF;
	s2 =	simm.s32 @!p0 $0x1C0B  }
0x129: {  	[timem:s3], [sflag:s2] =	dma.local @!p0 [hbm:s0], s1  }
0x12a: {  	s0 =	simm.s32 @!p0 $0xB  }
0x12b: {  	_ =	swait.ge @!p0 [sflag:s0], s1  }
0x12c: {  	s1 =	ssub.s32 @!p0 $0x0, s1;
	[sflag:s0] =	ssyncset.done @!p0 $0x0  }
0x12d: {  	[sflag:s0] =	ssyncadd.s32 @!p0 s1  }
0x12e: {  	[bflag:$0x3] =	sbarrier.arrive $0xFFFF  }
0x12f: {  	_ =	shalt  }

</sc_bundles>
